<compile_context>
chip_gen: v7x
topology: tpu7x:2x2x1
jax: 0.10.2.dev20260603
libtpu: 0.0.44.dev20260713+nightly
codegen_flags: <defaults>
</compile_context>

<pallas_src>
import jax
import jax.numpy as jnp
from jax.experimental import pallas as pl
from jax.experimental.pallas import tpu as pltpu
from jax.experimental.pallas import tpu_sc as plsc

_EMBED_DIM = 128
_GROUP = 8


def _sc_gather(table, idx):
    n_batch, n_tok = idx.shape
    vector_mesh = plsc.VectorSubcoreMesh(
        core_axis_name="core", subcore_axis_name="subcore"
    )
    n_workers = 32
    rows_per_worker = n_batch // n_workers
    n_groups = rows_per_worker // _GROUP
    n_pairs = n_groups // 2

    @pl.kernel(
        out_type=jax.ShapeDtypeStruct((n_batch, n_tok, _EMBED_DIM), table.dtype),
        mesh=vector_mesh,
        scratch_types=[
            pltpu.VMEM((_GROUP, n_tok), jnp.int32),
            pltpu.VMEM((_GROUP, n_tok), jnp.int32),
            pltpu.VMEM((_GROUP, n_tok, _EMBED_DIM), table.dtype),
            pltpu.VMEM((_GROUP, n_tok, _EMBED_DIM), table.dtype),
            pltpu.SemaphoreType.DMA,
            pltpu.SemaphoreType.DMA,
            pltpu.SemaphoreType.DMA,
        ],
    )
    def gather_kernel(table_hbm, idx_hbm, out_hbm, idx_v0, idx_v1, rows_v0,
                      rows_v1, isem, gsem, wsem):
        wid = jax.lax.axis_index("subcore") * 2 + jax.lax.axis_index("core")
        base = wid * rows_per_worker
        idx_v = (idx_v0, idx_v1)
        rows_v = (rows_v0, rows_v1)

        def idx_load(g, b):
            return pltpu.async_copy(
                idx_hbm.at[pl.ds(base + g * _GROUP, _GROUP)], idx_v[b], isem
            )

        def idx_wait(g, b):
            pltpu.make_async_copy(
                idx_hbm.at[pl.ds(base + g * _GROUP, _GROUP)], idx_v[b], isem
            ).wait()

        def fire_gathers(b):
            for j in range(_GROUP):
                pltpu.async_copy(table_hbm.at[idx_v[b].at[j]],
                                 rows_v[b].at[j], gsem)

        def wait_gathers(b):
            for j in range(_GROUP):
                pltpu.make_async_copy(table_hbm.at[idx_v[b].at[j]],
                                      rows_v[b].at[j], gsem).wait()

        def fire_writebacks(g, b):
            r0 = base + g * _GROUP
            for j in range(_GROUP):
                pltpu.async_copy(rows_v[b].at[j], out_hbm.at[r0 + j], wsem)

        def drain_writebacks(g, b):
            r0 = base + g * _GROUP
            for j in range(_GROUP):
                pltpu.make_async_copy(rows_v[b].at[j], out_hbm.at[r0 + j],
                                      wsem).wait()

        idx_load(0, 0).wait()
        fire_gathers(0)
        idx_load(1, 1)

        @pl.loop(0, n_pairs)
        def _(t):
            g0 = 2 * t
            g1 = g0 + 1
            @pl.when(t > 0)
            def _():
                drain_writebacks(g0 - 1, 1)

            idx_wait(g1, 1)
            fire_gathers(1)

            wait_gathers(0)
            fire_writebacks(g0, 0)

            @pl.when(t < n_pairs - 1)
            def _():
                idx_load(g0 + 2, 0)
                drain_writebacks(g0, 0)
                idx_wait(g0 + 2, 0)
                fire_gathers(0)

            wait_gathers(1)
            fire_writebacks(g1, 1)

            @pl.when(t < n_pairs - 1)
            def _():
                idx_load(g1 + 2, 1)

        drain_writebacks(n_groups - 2, 0)
        drain_writebacks(n_groups - 1, 1)

    return gather_kernel(table, idx)


def kernel(x, table):
    return _sc_gather(table, x[0])

# --- scband reference (transcript-rebuilt; emitter-appended) ---
"""Pipeline reference for scband-embed-layer-14456859918497 (READ-ONLY COPY).

The authoritative reference and input builder live on the scoring server;
editing this copy changes nothing except your own understanding.
"""

import jax, jax.numpy as jnp
import numpy as np

N_VOCAB = 100000
EMBED_DIM = 128

def setup_inputs(seed: int = 0) -> dict:
    key = jax.random.key(seed)
    k1, k2 = jax.random.split(key)
    # x mimics a tuple-like batched input; forward uses x[0] as the index tensor
    x = jax.random.randint(k1, (2, 4096, 50), 0, N_VOCAB + 1, dtype=jnp.int32)
    # nn.Embedding(n_vocab + 1, embed_dim) weight table
    table = jax.random.normal(k2, (N_VOCAB + 1, EMBED_DIM), dtype=jnp.float32)
    return {"x": x, "table": table}

def reference(x, table):
    # EmbedLayer.forward: self.encoder(x[0]) -> embedding gather on x[0]
    idx = x[0]  # shape (4096, 50)
    return jnp.take(table, idx, axis=0)  # shape (4096, 50, 128)

if __name__ == "__main__":
    import jax
    _d = setup_inputs()
    print(jax.jit(kernel)(*tuple(_d.values())))

</pallas_src>

<mosaic_0001>
#map = affine_map<(d0, d1) -> (0, 0)>
#map1 = affine_map<(d0, d1) -> (0, 0, 0)>
module attributes {stable_mosaic.version = 14 : i64} {
  func.func @gather_kernel(%arg0: i32, %arg1: i32, %arg2: memref<100001x128xf32, #tpu.memory_space<hbm>>, %arg3: memref<4096x50xi32, #tpu.memory_space<hbm>>, %arg4: memref<4096x50x128xf32, #tpu.memory_space<hbm>>, %arg5: memref<8x50xi32, #tpu.memory_space<vmem>>, %arg6: memref<8x50xi32, #tpu.memory_space<vmem>>, %arg7: memref<8x50x128xf32, #tpu.memory_space<vmem>>, %arg8: memref<8x50x128xf32, #tpu.memory_space<vmem>>, %arg9: memref<!tpu.dma_semaphore, #tpu.memory_space<semaphore_mem>>, %arg10: memref<!tpu.dma_semaphore, #tpu.memory_space<semaphore_mem>>, %arg11: memref<!tpu.dma_semaphore, #tpu.memory_space<semaphore_mem>>) attributes {dimension_semantics = [#tpu.dimension_semantics<core_parallel>, #tpu.dimension_semantics<subcore_parallel>], iteration_bounds = array<i64: 2, 16>, scalar_prefetch = 0 : i64, scratch_operands = 7 : i64, tpu.core_type = #tpu.core_type<sc_vector_subcore>, window_params = [{transform_indices = #map}, {transform_indices = #map}, {transform_indices = #map1}]} {
    %mul3A = arith.constant 2 : i32
    %mul3A_0 = arith.muli %arg1, %mul3A : i32
    %add3A = arith.addi %mul3A_0, %arg0 : i32
    %mul3A_1 = arith.constant 128 : i32
    %mul3A_2 = arith.muli %add3A, %mul3A_1 : i32
    %add3A_3 = arith.constant 0 : i32
    %add3A_4 = arith.addi %mul3A_2, %add3A_3 : i32
    %dma_start3A = arith.constant 0 : i32
    %dma_start3A_5 = tpu.memref_slice %arg3[%add3A_4, %dma_start3A] : memref<4096x50xi32, #tpu.memory_space<hbm>> -> memref<8x50xi32, #tpu.memory_space<hbm>>
    %dma_start3A_6 = arith.constant 0 : i32
    %dma_start3A_7 = tpu.memref_slice %arg3[%add3A_4, %dma_start3A_6] : memref<4096x50xi32, #tpu.memory_space<hbm>> -> memref<8x50xi32, #tpu.memory_space<hbm>>
    tpu.enqueue_dma source(%dma_start3A_7 : memref<8x50xi32, #tpu.memory_space<hbm>>) target(%arg5 : memref<8x50xi32, #tpu.memory_space<vmem>>) target_semaphore(%arg9 : memref<!tpu.dma_semaphore, #tpu.memory_space<semaphore_mem>>)
    %dma_wait3A = arith.constant 0 : i32
    %dma_wait3A_8 = tpu.memref_slice %arg3[%add3A_4, %dma_wait3A] : memref<4096x50xi32, #tpu.memory_space<hbm>> -> memref<8x50xi32, #tpu.memory_space<hbm>>
    %dma_wait3A_9 = arith.constant 0 : i32
    %dma_wait3A_10 = tpu.memref_slice %arg3[%add3A_4, %dma_wait3A_9] : memref<4096x50xi32, #tpu.memory_space<hbm>> -> memref<8x50xi32, #tpu.memory_space<hbm>>
    tpu.wait_dma2 semaphore(%arg9 : memref<!tpu.dma_semaphore, #tpu.memory_space<semaphore_mem>>) src(%dma_wait3A_10 : memref<8x50xi32, #tpu.memory_space<hbm>>) dst(%arg5 : memref<8x50xi32, #tpu.memory_space<vmem>>)
    %dma_start3A_11 = arith.constant 0 : i32
    %dma_start3A_12 = arith.constant 0 : i32
    %dma_start3A_13 = arith.constant 0 : i32
    %dma_start3A_14 = arith.constant 0 : i32
    %dma_start3A_15 = tpu.memref_slice %arg7[%dma_start3A_12, %dma_start3A_13, %dma_start3A_14] : memref<8x50x128xf32, #tpu.memory_space<vmem>> -> memref<1x50x128xf32, #tpu.memory_space<vmem>>
    %dma_start3A_16 = tpu.memref_squeeze %dma_start3A_15 : memref<1x50x128xf32, #tpu.memory_space<vmem>> -> memref<50x128xf32, #tpu.memory_space<vmem>>
    %dma_start3A_17 = arith.constant 0 : i32
    %dma_start3A_18 = tpu.memref_slice %arg5[%dma_start3A_11, %dma_start3A_17] : memref<8x50xi32, #tpu.memory_space<vmem>> -> memref<1x50xi32, #tpu.memory_space<vmem>>
    %dma_start3A_19 = tpu.memref_squeeze %dma_start3A_18 : memref<1x50xi32, #tpu.memory_space<vmem>> -> memref<50xi32, #tpu.memory_space<vmem>>
    %dma_start3A_20 = arith.constant 0 : i32
    %dma_start3A_21 = arith.constant 0 : i32
    %dma_start3A_22 = tpu.memref_slice %arg2[%dma_start3A_20, %dma_start3A_21] : memref<100001x128xf32, #tpu.memory_space<hbm>> -> memref<100001x128xf32, #tpu.memory_space<hbm>>
    tpu.enqueue_indirect_dma source(%dma_start3A_22 : memref<100001x128xf32, #tpu.memory_space<hbm>>) target(%dma_start3A_16 : memref<50x128xf32, #tpu.memory_space<vmem>>) offsets(%dma_start3A_19 : memref<50xi32, #tpu.memory_space<vmem>>) semaphore(%arg10 : memref<!tpu.dma_semaphore, #tpu.memory_space<semaphore_mem>>)
    %dma_start3A_23 = arith.constant 1 : i32
    %dma_start3A_24 = arith.constant 1 : i32
    %dma_start3A_25 = arith.constant 0 : i32
    %dma_start3A_26 = arith.constant 0 : i32
    %dma_start3A_27 = tpu.memref_slice %arg7[%dma_start3A_24, %dma_start3A_25, %dma_start3A_26] : memref<8x50x128xf32, #tpu.memory_space<vmem>> -> memref<1x50x128xf32, #tpu.memory_space<vmem>>
    %dma_start3A_28 = tpu.memref_squeeze %dma_start3A_27 : memref<1x50x128xf32, #tpu.memory_space<vmem>> -> memref<50x128xf32, #tpu.memory_space<vmem>>
    %dma_start3A_29 = arith.constant 0 : i32
    %dma_start3A_30 = tpu.memref_slice %arg5[%dma_start3A_23, %dma_start3A_29] : memref<8x50xi32, #tpu.memory_space<vmem>> -> memref<1x50xi32, #tpu.memory_space<vmem>>
    %dma_start3A_31 = tpu.memref_squeeze %dma_start3A_30 : memref<1x50xi32, #tpu.memory_space<vmem>> -> memref<50xi32, #tpu.memory_space<vmem>>
    %dma_start3A_32 = arith.constant 0 : i32
    %dma_start3A_33 = arith.constant 0 : i32
    %dma_start3A_34 = tpu.memref_slice %arg2[%dma_start3A_32, %dma_start3A_33] : memref<100001x128xf32, #tpu.memory_space<hbm>> -> memref<100001x128xf32, #tpu.memory_space<hbm>>
    tpu.enqueue_indirect_dma source(%dma_start3A_34 : memref<100001x128xf32, #tpu.memory_space<hbm>>) target(%dma_start3A_28 : memref<50x128xf32, #tpu.memory_space<vmem>>) offsets(%dma_start3A_31 : memref<50xi32, #tpu.memory_space<vmem>>) semaphore(%arg10 : memref<!tpu.dma_semaphore, #tpu.memory_space<semaphore_mem>>)
    %dma_start3A_35 = arith.constant 2 : i32
    %dma_start3A_36 = arith.constant 2 : i32
    %dma_start3A_37 = arith.constant 0 : i32
    %dma_start3A_38 = arith.constant 0 : i32
    %dma_start3A_39 = tpu.memref_slice %arg7[%dma_start3A_36, %dma_start3A_37, %dma_start3A_38] : memref<8x50x128xf32, #tpu.memory_space<vmem>> -> memref<1x50x128xf32, #tpu.memory_space<vmem>>
    %dma_start3A_40 = tpu.memref_squeeze %dma_start3A_39 : memref<1x50x128xf32, #tpu.memory_space<vmem>> -> memref<50x128xf32, #tpu.memory_space<vmem>>
    %dma_start3A_41 = arith.constant 0 : i32
    %dma_start3A_42 = tpu.memref_slice %arg5[%dma_start3A_35, %dma_start3A_41] : memref<8x50xi32, #tpu.memory_space<vmem>> -> memref<1x50xi32, #tpu.memory_space<vmem>>
    %dma_start3A_43 = tpu.memref_squeeze %dma_start3A_42 : memref<1x50xi32, #tpu.memory_space<vmem>> -> memref<50xi32, #tpu.memory_space<vmem>>
    %dma_start3A_44 = arith.constant 0 : i32
    %dma_start3A_45 = arith.constant 0 : i32
    %dma_start3A_46 = tpu.memref_slice %arg2[%dma_start3A_44, %dma_start3A_45] : memref<100001x128xf32, #tpu.memory_space<hbm>> -> memref<100001x128xf32, #tpu.memory_space<hbm>>
    tpu.enqueue_indirect_dma source(%dma_start3A_46 : memref<100001x128xf32, #tpu.memory_space<hbm>>) target(%dma_start3A_40 : memref<50x128xf32, #tpu.memory_space<vmem>>) offsets(%dma_start3A_43 : memref<50xi32, #tpu.memory_space<vmem>>) semaphore(%arg10 : memref<!tpu.dma_semaphore, #tpu.memory_space<semaphore_mem>>)
    %dma_start3A_47 = arith.constant 3 : i32
    %dma_start3A_48 = arith.constant 3 : i32
    %dma_start3A_49 = arith.constant 0 : i32
    %dma_start3A_50 = arith.constant 0 : i32
    %dma_start3A_51 = tpu.memref_slice %arg7[%dma_start3A_48, %dma_start3A_49, %dma_start3A_50] : memref<8x50x128xf32, #tpu.memory_space<vmem>> -> memref<1x50x128xf32, #tpu.memory_space<vmem>>
    %dma_start3A_52 = tpu.memref_squeeze %dma_start3A_51 : memref<1x50x128xf32, #tpu.memory_space<vmem>> -> memref<50x128xf32, #tpu.memory_space<vmem>>
    %dma_start3A_53 = arith.constant 0 : i32
    %dma_start3A_54 = tpu.memref_slice %arg5[%dma_start3A_47, %dma_start3A_53] : memref<8x50xi32, #tpu.memory_space<vmem>> -> memref<1x50xi32, #tpu.memory_space<vmem>>
    %dma_start3A_55 = tpu.memref_squeeze %dma_start3A_54 : memref<1x50xi32, #tpu.memory_space<vmem>> -> memref<50xi32, #tpu.memory_space<vmem>>
    %dma_start3A_56 = arith.constant 0 : i32
    %dma_start3A_57 = arith.constant 0 : i32
    %dma_start3A_58 = tpu.memref_slice %arg2[%dma_start3A_56, %dma_start3A_57] : memref<100001x128xf32, #tpu.memory_space<hbm>> -> memref<100001x128xf32, #tpu.memory_space<hbm>>
    tpu.enqueue_indirect_dma source(%dma_start3A_58 : memref<100001x128xf32, #tpu.memory_space<hbm>>) target(%dma_start3A_52 : memref<50x128xf32, #tpu.memory_space<vmem>>) offsets(%dma_start3A_55 : memref<50xi32, #tpu.memory_space<vmem>>) semaphore(%arg10 : memref<!tpu.dma_semaphore, #tpu.memory_space<semaphore_mem>>)
    %dma_start3A_59 = arith.constant 4 : i32
    %dma_start3A_60 = arith.constant 4 : i32
    %dma_start3A_61 = arith.constant 0 : i32
    %dma_start3A_62 = arith.constant 0 : i32
    %dma_start3A_63 = tpu.memref_slice %arg7[%dma_start3A_60, %dma_start3A_61, %dma_start3A_62] : memref<8x50x128xf32, #tpu.memory_space<vmem>> -> memref<1x50x128xf32, #tpu.memory_space<vmem>>
    %dma_start3A_64 = tpu.memref_squeeze %dma_start3A_63 : memref<1x50x128xf32, #tpu.memory_space<vmem>> -> memref<50x128xf32, #tpu.memory_space<vmem>>
    %dma_start3A_65 = arith.constant 0 : i32
    %dma_start3A_66 = tpu.memref_slice %arg5[%dma_start3A_59, %dma_start3A_65] : memref<8x50xi32, #tpu.memory_space<vmem>> -> memref<1x50xi32, #tpu.memory_space<vmem>>
    %dma_start3A_67 = tpu.memref_squeeze %dma_start3A_66 : memref<1x50xi32, #tpu.memory_space<vmem>> -> memref<50xi32, #tpu.memory_space<vmem>>
    %dma_start3A_68 = arith.constant 0 : i32
    %dma_start3A_69 = arith.constant 0 : i32
    %dma_start3A_70 = tpu.memref_slice %arg2[%dma_start3A_68, %dma_start3A_69] : memref<100001x128xf32, #tpu.memory_space<hbm>> -> memref<100001x128xf32, #tpu.memory_space<hbm>>
    tpu.enqueue_indirect_dma source(%dma_start3A_70 : memref<100001x128xf32, #tpu.memory_space<hbm>>) target(%dma_start3A_64 : memref<50x128xf32, #tpu.memory_space<vmem>>) offsets(%dma_start3A_67 : memref<50xi32, #tpu.memory_space<vmem>>) semaphore(%arg10 : memref<!tpu.dma_semaphore, #tpu.memory_space<semaphore_mem>>)
    %dma_start3A_71 = arith.constant 5 : i32
    %dma_start3A_72 = arith.constant 5 : i32
    %dma_start3A_73 = arith.constant 0 : i32
    %dma_start3A_74 = arith.constant 0 : i32
    %dma_start3A_75 = tpu.memref_slice %arg7[%dma_start3A_72, %dma_start3A_73, %dma_start3A_74] : memref<8x50x128xf32, #tpu.memory_space<vmem>> -> memref<1x50x128xf32, #tpu.memory_space<vmem>>
    %dma_start3A_76 = tpu.memref_squeeze %dma_start3A_75 : memref<1x50x128xf32, #tpu.memory_space<vmem>> -> memref<50x128xf32, #tpu.memory_space<vmem>>
    %dma_start3A_77 = arith.constant 0 : i32
    %dma_start3A_78 = tpu.memref_slice %arg5[%dma_start3A_71, %dma_start3A_77] : memref<8x50xi32, #tpu.memory_space<vmem>> -> memref<1x50xi32, #tpu.memory_space<vmem>>
    %dma_start3A_79 = tpu.memref_squeeze %dma_start3A_78 : memref<1x50xi32, #tpu.memory_space<vmem>> -> memref<50xi32, #tpu.memory_space<vmem>>
    %dma_start3A_80 = arith.constant 0 : i32
    %dma_start3A_81 = arith.constant 0 : i32
    %dma_start3A_82 = tpu.memref_slice %arg2[%dma_start3A_80, %dma_start3A_81] : memref<100001x128xf32, #tpu.memory_space<hbm>> -> memref<100001x128xf32, #tpu.memory_space<hbm>>
    tpu.enqueue_indirect_dma source(%dma_start3A_82 : memref<100001x128xf32, #tpu.memory_space<hbm>>) target(%dma_start3A_76 : memref<50x128xf32, #tpu.memory_space<vmem>>) offsets(%dma_start3A_79 : memref<50xi32, #tpu.memory_space<vmem>>) semaphore(%arg10 : memref<!tpu.dma_semaphore, #tpu.memory_space<semaphore_mem>>)
    %dma_start3A_83 = arith.constant 6 : i32
    %dma_start3A_84 = arith.constant 6 : i32
    %dma_start3A_85 = arith.constant 0 : i32
    %dma_start3A_86 = arith.constant 0 : i32
    %dma_start3A_87 = tpu.memref_slice %arg7[%dma_start3A_84, %dma_start3A_85, %dma_start3A_86] : memref<8x50x128xf32, #tpu.memory_space<vmem>> -> memref<1x50x128xf32, #tpu.memory_space<vmem>>
    %dma_start3A_88 = tpu.memref_squeeze %dma_start3A_87 : memref<1x50x128xf32, #tpu.memory_space<vmem>> -> memref<50x128xf32, #tpu.memory_space<vmem>>
    %dma_start3A_89 = arith.constant 0 : i32
    %dma_start3A_90 = tpu.memref_slice %arg5[%dma_start3A_83, %dma_start3A_89] : memref<8x50xi32, #tpu.memory_space<vmem>> -> memref<1x50xi32, #tpu.memory_space<vmem>>
    %dma_start3A_91 = tpu.memref_squeeze %dma_start3A_90 : memref<1x50xi32, #tpu.memory_space<vmem>> -> memref<50xi32, #tpu.memory_space<vmem>>
    %dma_start3A_92 = arith.constant 0 : i32
    %dma_start3A_93 = arith.constant 0 : i32
    %dma_start3A_94 = tpu.memref_slice %arg2[%dma_start3A_92, %dma_start3A_93] : memref<100001x128xf32, #tpu.memory_space<hbm>> -> memref<100001x128xf32, #tpu.memory_space<hbm>>
    tpu.enqueue_indirect_dma source(%dma_start3A_94 : memref<100001x128xf32, #tpu.memory_space<hbm>>) target(%dma_start3A_88 : memref<50x128xf32, #tpu.memory_space<vmem>>) offsets(%dma_start3A_91 : memref<50xi32, #tpu.memory_space<vmem>>) semaphore(%arg10 : memref<!tpu.dma_semaphore, #tpu.memory_space<semaphore_mem>>)
    %dma_start3A_95 = arith.constant 7 : i32
    %dma_start3A_96 = arith.constant 7 : i32
    %dma_start3A_97 = arith.constant 0 : i32
    %dma_start3A_98 = arith.constant 0 : i32
    %dma_start3A_99 = tpu.memref_slice %arg7[%dma_start3A_96, %dma_start3A_97, %dma_start3A_98] : memref<8x50x128xf32, #tpu.memory_space<vmem>> -> memref<1x50x128xf32, #tpu.memory_space<vmem>>
    %dma_start3A_100 = tpu.memref_squeeze %dma_start3A_99 : memref<1x50x128xf32, #tpu.memory_space<vmem>> -> memref<50x128xf32, #tpu.memory_space<vmem>>
    %dma_start3A_101 = arith.constant 0 : i32
    %dma_start3A_102 = tpu.memref_slice %arg5[%dma_start3A_95, %dma_start3A_101] : memref<8x50xi32, #tpu.memory_space<vmem>> -> memref<1x50xi32, #tpu.memory_space<vmem>>
    %dma_start3A_103 = tpu.memref_squeeze %dma_start3A_102 : memref<1x50xi32, #tpu.memory_space<vmem>> -> memref<50xi32, #tpu.memory_space<vmem>>
    %dma_start3A_104 = arith.constant 0 : i32
    %dma_start3A_105 = arith.constant 0 : i32
    %dma_start3A_106 = tpu.memref_slice %arg2[%dma_start3A_104, %dma_start3A_105] : memref<100001x128xf32, #tpu.memory_space<hbm>> -> memref<100001x128xf32, #tpu.memory_space<hbm>>
    tpu.enqueue_indirect_dma source(%dma_start3A_106 : memref<100001x128xf32, #tpu.memory_space<hbm>>) target(%dma_start3A_100 : memref<50x128xf32, #tpu.memory_space<vmem>>) offsets(%dma_start3A_103 : memref<50xi32, #tpu.memory_space<vmem>>) semaphore(%arg10 : memref<!tpu.dma_semaphore, #tpu.memory_space<semaphore_mem>>)
    %add3A_107 = arith.constant 8 : i32
    %add3A_108 = arith.addi %mul3A_2, %add3A_107 : i32
    %dma_start3A_109 = arith.constant 0 : i32
    %dma_start3A_110 = tpu.memref_slice %arg3[%add3A_108, %dma_start3A_109] : memref<4096x50xi32, #tpu.memory_space<hbm>> -> memref<8x50xi32, #tpu.memory_space<hbm>>
    %dma_start3A_111 = arith.constant 0 : i32
    %dma_start3A_112 = tpu.memref_slice %arg3[%add3A_108, %dma_start3A_111] : memref<4096x50xi32, #tpu.memory_space<hbm>> -> memref<8x50xi32, #tpu.memory_space<hbm>>
    tpu.enqueue_dma source(%dma_start3A_112 : memref<8x50xi32, #tpu.memory_space<hbm>>) target(%arg6 : memref<8x50xi32, #tpu.memory_space<vmem>>) target_semaphore(%arg9 : memref<!tpu.dma_semaphore, #tpu.memory_space<semaphore_mem>>)
    %scan3A = arith.constant 0 : i32
    %scan3A_113 = arith.constant 8 : i32
    %scan3A_114 = arith.addi %scan3A, %scan3A_113 : i32
    %scan3A_115 = arith.constant 1 : i32
    scf.for %scan3A_425 = %scan3A to %scan3A_114 step %scan3A_115  : i32 {
      %mul3A_426 = arith.constant 1 : i32
      %mul3A_427 = arith.muli %scan3A_425, %mul3A_426 : i32
      %add3A_428 = arith.constant 0 : i32
      %add3A_429 = arith.addi %add3A_428, %mul3A_427 : i32
      %mul3A_430 = arith.constant 2 : i32
      %mul3A_431 = arith.muli %mul3A_430, %add3A_429 : i32
      %add3A_432 = arith.constant 1 : i32
      %add3A_433 = arith.addi %mul3A_431, %add3A_432 : i32
      %gt3A = arith.constant 0 : i32
      %gt3A_434 = arith.cmpi sgt, %add3A_429, %gt3A : i32
      %convert_element_type3A = arith.extui %gt3A_434 : i1 to i32
      %cond3A = arith.constant 0 : i32
      %cond3A_435 = arith.cmpi ne, %convert_element_type3A, %cond3A : i32
      scf.if %cond3A_435 {
        %sub3A = arith.constant 1 : i32
        %sub3A_1050 = arith.subi %mul3A_431, %sub3A : i32
        %mul3A_1051 = arith.constant 8 : i32
        %mul3A_1052 = arith.muli %sub3A_1050, %mul3A_1051 : i32
        %add3A_1053 = arith.addi %mul3A_2, %mul3A_1052 : i32
        %add3A_1054 = arith.constant 0 : i32
        %add3A_1055 = arith.addi %add3A_1053, %add3A_1054 : i32
        %dma_wait3A_1056 = arith.constant 0 : i32
        %dma_wait3A_1057 = arith.constant 0 : i32
        %dma_wait3A_1058 = arith.constant 0 : i32
        %dma_wait3A_1059 = tpu.memref_slice %arg8[%dma_wait3A_1056, %dma_wait3A_1057, %dma_wait3A_1058] : memref<8x50x128xf32, #tpu.memory_space<vmem>> -> memref<1x50x128xf32, #tpu.memory_space<vmem>>
        %dma_wait3A_1060 = tpu.memref_squeeze %dma_wait3A_1059 : memref<1x50x128xf32, #tpu.memory_space<vmem>> -> memref<50x128xf32, #tpu.memory_space<vmem>>
        %dma_wait3A_1061 = arith.constant 0 : i32
        %dma_wait3A_1062 = arith.constant 0 : i32
        %dma_wait3A_1063 = tpu.memref_slice %arg4[%add3A_1055, %dma_wait3A_1061, %dma_wait3A_1062] : memref<4096x50x128xf32, #tpu.memory_space<hbm>> -> memref<1x50x128xf32, #tpu.memory_space<hbm>>
        %dma_wait3A_1064 = tpu.memref_squeeze %dma_wait3A_1063 : memref<1x50x128xf32, #tpu.memory_space<hbm>> -> memref<50x128xf32, #tpu.memory_space<hbm>>
        %dma_wait3A_1065 = arith.constant 0 : i32
        %dma_wait3A_1066 = arith.constant 0 : i32
        %dma_wait3A_1067 = tpu.memref_slice %arg4[%add3A_1055, %dma_wait3A_1065, %dma_wait3A_1066] : memref<4096x50x128xf32, #tpu.memory_space<hbm>> -> memref<1x50x128xf32, #tpu.memory_space<hbm>>
        %dma_wait3A_1068 = tpu.memref_squeeze %dma_wait3A_1067 : memref<1x50x128xf32, #tpu.memory_space<hbm>> -> memref<50x128xf32, #tpu.memory_space<hbm>>
        %dma_wait3A_1069 = arith.constant 0 : i32
        %dma_wait3A_1070 = arith.constant 0 : i32
        %dma_wait3A_1071 = tpu.memref_slice %arg8[%dma_wait3A_1056, %dma_wait3A_1069, %dma_wait3A_1070] : memref<8x50x128xf32, #tpu.memory_space<vmem>> -> memref<1x50x128xf32, #tpu.memory_space<vmem>>
        %dma_wait3A_1072 = tpu.memref_squeeze %dma_wait3A_1071 : memref<1x50x128xf32, #tpu.memory_space<vmem>> -> memref<50x128xf32, #tpu.memory_space<vmem>>
        tpu.wait_dma2 semaphore(%arg11 : memref<!tpu.dma_semaphore, #tpu.memory_space<semaphore_mem>>) src(%dma_wait3A_1072 : memref<50x128xf32, #tpu.memory_space<vmem>>) dst(%dma_wait3A_1068 : memref<50x128xf32, #tpu.memory_space<hbm>>)
        %add3A_1073 = arith.constant 1 : i32
        %add3A_1074 = arith.addi %add3A_1053, %add3A_1073 : i32
        %dma_wait3A_1075 = arith.constant 1 : i32
        %dma_wait3A_1076 = arith.constant 0 : i32
        %dma_wait3A_1077 = arith.constant 0 : i32
        %dma_wait3A_1078 = tpu.memref_slice %arg8[%dma_wait3A_1075, %dma_wait3A_1076, %dma_wait3A_1077] : memref<8x50x128xf32, #tpu.memory_space<vmem>> -> memref<1x50x128xf32, #tpu.memory_space<vmem>>
        %dma_wait3A_1079 = tpu.memref_squeeze %dma_wait3A_1078 : memref<1x50x128xf32, #tpu.memory_space<vmem>> -> memref<50x128xf32, #tpu.memory_space<vmem>>
        %dma_wait3A_1080 = arith.constant 0 : i32
        %dma_wait3A_1081 = arith.constant 0 : i32
        %dma_wait3A_1082 = tpu.memref_slice %arg4[%add3A_1074, %dma_wait3A_1080, %dma_wait3A_1081] : memref<4096x50x128xf32, #tpu.memory_space<hbm>> -> memref<1x50x128xf32, #tpu.memory_space<hbm>>
        %dma_wait3A_1083 = tpu.memref_squeeze %dma_wait3A_1082 : memref<1x50x128xf32, #tpu.memory_space<hbm>> -> memref<50x128xf32, #tpu.memory_space<hbm>>
        %dma_wait3A_1084 = arith.constant 0 : i32
        %dma_wait3A_1085 = arith.constant 0 : i32
        %dma_wait3A_1086 = tpu.memref_slice %arg4[%add3A_1074, %dma_wait3A_1084, %dma_wait3A_1085] : memref<4096x50x128xf32, #tpu.memory_space<hbm>> -> memref<1x50x128xf32, #tpu.memory_space<hbm>>
        %dma_wait3A_1087 = tpu.memref_squeeze %dma_wait3A_1086 : memref<1x50x128xf32, #tpu.memory_space<hbm>> -> memref<50x128xf32, #tpu.memory_space<hbm>>
        %dma_wait3A_1088 = arith.constant 0 : i32
        %dma_wait3A_1089 = arith.constant 0 : i32
        %dma_wait3A_1090 = tpu.memref_slice %arg8[%dma_wait3A_1075, %dma_wait3A_1088, %dma_wait3A_1089] : memref<8x50x128xf32, #tpu.memory_space<vmem>> -> memref<1x50x128xf32, #tpu.memory_space<vmem>>
        %dma_wait3A_1091 = tpu.memref_squeeze %dma_wait3A_1090 : memref<1x50x128xf32, #tpu.memory_space<vmem>> -> memref<50x128xf32, #tpu.memory_space<vmem>>
        tpu.wait_dma2 semaphore(%arg11 : memref<!tpu.dma_semaphore, #tpu.memory_space<semaphore_mem>>) src(%dma_wait3A_1091 : memref<50x128xf32, #tpu.memory_space<vmem>>) dst(%dma_wait3A_1087 : memref<50x128xf32, #tpu.memory_space<hbm>>)
        %add3A_1092 = arith.constant 2 : i32
        %add3A_1093 = arith.addi %add3A_1053, %add3A_1092 : i32
        %dma_wait3A_1094 = arith.constant 2 : i32
        %dma_wait3A_1095 = arith.constant 0 : i32
        %dma_wait3A_1096 = arith.constant 0 : i32
        %dma_wait3A_1097 = tpu.memref_slice %arg8[%dma_wait3A_1094, %dma_wait3A_1095, %dma_wait3A_1096] : memref<8x50x128xf32, #tpu.memory_space<vmem>> -> memref<1x50x128xf32, #tpu.memory_space<vmem>>
        %dma_wait3A_1098 = tpu.memref_squeeze %dma_wait3A_1097 : memref<1x50x128xf32, #tpu.memory_space<vmem>> -> memref<50x128xf32, #tpu.memory_space<vmem>>
        %dma_wait3A_1099 = arith.constant 0 : i32
        %dma_wait3A_1100 = arith.constant 0 : i32
        %dma_wait3A_1101 = tpu.memref_slice %arg4[%add3A_1093, %dma_wait3A_1099, %dma_wait3A_1100] : memref<4096x50x128xf32, #tpu.memory_space<hbm>> -> memref<1x50x128xf32, #tpu.memory_space<hbm>>
        %dma_wait3A_1102 = tpu.memref_squeeze %dma_wait3A_1101 : memref<1x50x128xf32, #tpu.memory_space<hbm>> -> memref<50x128xf32, #tpu.memory_space<hbm>>
        %dma_wait3A_1103 = arith.constant 0 : i32
        %dma_wait3A_1104 = arith.constant 0 : i32
        %dma_wait3A_1105 = tpu.memref_slice %arg4[%add3A_1093, %dma_wait3A_1103, %dma_wait3A_1104] : memref<4096x50x128xf32, #tpu.memory_space<hbm>> -> memref<1x50x128xf32, #tpu.memory_space<hbm>>
        %dma_wait3A_1106 = tpu.memref_squeeze %dma_wait3A_1105 : memref<1x50x128xf32, #tpu.memory_space<hbm>> -> memref<50x128xf32, #tpu.memory_space<hbm>>
        %dma_wait3A_1107 = arith.constant 0 : i32
        %dma_wait3A_1108 = arith.constant 0 : i32
        %dma_wait3A_1109 = tpu.memref_slice %arg8[%dma_wait3A_1094, %dma_wait3A_1107, %dma_wait3A_1108] : memref<8x50x128xf32, #tpu.memory_space<vmem>> -> memref<1x50x128xf32, #tpu.memory_space<vmem>>
        %dma_wait3A_1110 = tpu.memref_squeeze %dma_wait3A_1109 : memref<1x50x128xf32, #tpu.memory_space<vmem>> -> memref<50x128xf32, #tpu.memory_space<vmem>>
        tpu.wait_dma2 semaphore(%arg11 : memref<!tpu.dma_semaphore, #tpu.memory_space<semaphore_mem>>) src(%dma_wait3A_1110 : memref<50x128xf32, #tpu.memory_space<vmem>>) dst(%dma_wait3A_1106 : memref<50x128xf32, #tpu.memory_space<hbm>>)
        %add3A_1111 = arith.constant 3 : i32
        %add3A_1112 = arith.addi %add3A_1053, %add3A_1111 : i32
        %dma_wait3A_1113 = arith.constant 3 : i32
        %dma_wait3A_1114 = arith.constant 0 : i32
        %dma_wait3A_1115 = arith.constant 0 : i32
        %dma_wait3A_1116 = tpu.memref_slice %arg8[%dma_wait3A_1113, %dma_wait3A_1114, %dma_wait3A_1115] : memref<8x50x128xf32, #tpu.memory_space<vmem>> -> memref<1x50x128xf32, #tpu.memory_space<vmem>>
        %dma_wait3A_1117 = tpu.memref_squeeze %dma_wait3A_1116 : memref<1x50x128xf32, #tpu.memory_space<vmem>> -> memref<50x128xf32, #tpu.memory_space<vmem>>
        %dma_wait3A_1118 = arith.constant 0 : i32
        %dma_wait3A_1119 = arith.constant 0 : i32
        %dma_wait3A_1120 = tpu.memref_slice %arg4[%add3A_1112, %dma_wait3A_1118, %dma_wait3A_1119] : memref<4096x50x128xf32, #tpu.memory_space<hbm>> -> memref<1x50x128xf32, #tpu.memory_space<hbm>>
        %dma_wait3A_1121 = tpu.memref_squeeze %dma_wait3A_1120 : memref<1x50x128xf32, #tpu.memory_space<hbm>> -> memref<50x128xf32, #tpu.memory_space<hbm>>
        %dma_wait3A_1122 = arith.constant 0 : i32
        %dma_wait3A_1123 = arith.constant 0 : i32
        %dma_wait3A_1124 = tpu.memref_slice %arg4[%add3A_1112, %dma_wait3A_1122, %dma_wait3A_1123] : memref<4096x50x128xf32, #tpu.memory_space<hbm>> -> memref<1x50x128xf32, #tpu.memory_space<hbm>>
        %dma_wait3A_1125 = tpu.memref_squeeze %dma_wait3A_1124 : memref<1x50x128xf32, #tpu.memory_space<hbm>> -> memref<50x128xf32, #tpu.memory_space<hbm>>
        %dma_wait3A_1126 = arith.constant 0 : i32
        %dma_wait3A_1127 = arith.constant 0 : i32
        %dma_wait3A_1128 = tpu.memref_slice %arg8[%dma_wait3A_1113, %dma_wait3A_1126, %dma_wait3A_1127] : memref<8x50x128xf32, #tpu.memory_space<vmem>> -> memref<1x50x128xf32, #tpu.memory_space<vmem>>
        %dma_wait3A_1129 = tpu.memref_squeeze %dma_wait3A_1128 : memref<1x50x128xf32, #tpu.memory_space<vmem>> -> memref<50x128xf32, #tpu.memory_space<vmem>>
        tpu.wait_dma2 semaphore(%arg11 : memref<!tpu.dma_semaphore, #tpu.memory_space<semaphore_mem>>) src(%dma_wait3A_1129 : memref<50x128xf32, #tpu.memory_space<vmem>>) dst(%dma_wait3A_1125 : memref<50x128xf32, #tpu.memory_space<hbm>>)
        %add3A_1130 = arith.constant 4 : i32
        %add3A_1131 = arith.addi %add3A_1053, %add3A_1130 : i32
        %dma_wait3A_1132 = arith.constant 4 : i32
        %dma_wait3A_1133 = arith.constant 0 : i32
        %dma_wait3A_1134 = arith.constant 0 : i32
        %dma_wait3A_1135 = tpu.memref_slice %arg8[%dma_wait3A_1132, %dma_wait3A_1133, %dma_wait3A_1134] : memref<8x50x128xf32, #tpu.memory_space<vmem>> -> memref<1x50x128xf32, #tpu.memory_space<vmem>>
        %dma_wait3A_1136 = tpu.memref_squeeze %dma_wait3A_1135 : memref<1x50x128xf32, #tpu.memory_space<vmem>> -> memref<50x128xf32, #tpu.memory_space<vmem>>
        %dma_wait3A_1137 = arith.constant 0 : i32
        %dma_wait3A_1138 = arith.constant 0 : i32
        %dma_wait3A_1139 = tpu.memref_slice %arg4[%add3A_1131, %dma_wait3A_1137, %dma_wait3A_1138] : memref<4096x50x128xf32, #tpu.memory_space<hbm>> -> memref<1x50x128xf32, #tpu.memory_space<hbm>>
        %dma_wait3A_1140 = tpu.memref_squeeze %dma_wait3A_1139 : memref<1x50x128xf32, #tpu.memory_space<hbm>> -> memref<50x128xf32, #tpu.memory_space<hbm>>
        %dma_wait3A_1141 = arith.constant 0 : i32
        %dma_wait3A_1142 = arith.constant 0 : i32
        %dma_wait3A_1143 = tpu.memref_slice %arg4[%add3A_1131, %dma_wait3A_1141, %dma_wait3A_1142] : memref<4096x50x128xf32, #tpu.memory_space<hbm>> -> memref<1x50x128xf32, #tpu.memory_space<hbm>>
        %dma_wait3A_1144 = tpu.memref_squeeze %dma_wait3A_1143 : memref<1x50x128xf32, #tpu.memory_space<hbm>> -> memref<50x128xf32, #tpu.memory_space<hbm>>
        %dma_wait3A_1145 = arith.constant 0 : i32
        %dma_wait3A_1146 = arith.constant 0 : i32
        %dma_wait3A_1147 = tpu.memref_slice %arg8[%dma_wait3A_1132, %dma_wait3A_1145, %dma_wait3A_1146] : memref<8x50x128xf32, #tpu.memory_space<vmem>> -> memref<1x50x128xf32, #tpu.memory_space<vmem>>
        %dma_wait3A_1148 = tpu.memref_squeeze %dma_wait3A_1147 : memref<1x50x128xf32, #tpu.memory_space<vmem>> -> memref<50x128xf32, #tpu.memory_space<vmem>>
        tpu.wait_dma2 semaphore(%arg11 : memref<!tpu.dma_semaphore, #tpu.memory_space<semaphore_mem>>) src(%dma_wait3A_1148 : memref<50x128xf32, #tpu.memory_space<vmem>>) dst(%dma_wait3A_1144 : memref<50x128xf32, #tpu.memory_space<hbm>>)
        %add3A_1149 = arith.constant 5 : i32
        %add3A_1150 = arith.addi %add3A_1053, %add3A_1149 : i32
        %dma_wait3A_1151 = arith.constant 5 : i32
        %dma_wait3A_1152 = arith.constant 0 : i32
        %dma_wait3A_1153 = arith.constant 0 : i32
        %dma_wait3A_1154 = tpu.memref_slice %arg8[%dma_wait3A_1151, %dma_wait3A_1152, %dma_wait3A_1153] : memref<8x50x128xf32, #tpu.memory_space<vmem>> -> memref<1x50x128xf32, #tpu.memory_space<vmem>>
        %dma_wait3A_1155 = tpu.memref_squeeze %dma_wait3A_1154 : memref<1x50x128xf32, #tpu.memory_space<vmem>> -> memref<50x128xf32, #tpu.memory_space<vmem>>
        %dma_wait3A_1156 = arith.constant 0 : i32
        %dma_wait3A_1157 = arith.constant 0 : i32
        %dma_wait3A_1158 = tpu.memref_slice %arg4[%add3A_1150, %dma_wait3A_1156, %dma_wait3A_1157] : memref<4096x50x128xf32, #tpu.memory_space<hbm>> -> memref<1x50x128xf32, #tpu.memory_space<hbm>>
        %dma_wait3A_1159 = tpu.memref_squeeze %dma_wait3A_1158 : memref<1x50x128xf32, #tpu.memory_space<hbm>> -> memref<50x128xf32, #tpu.memory_space<hbm>>
        %dma_wait3A_1160 = arith.constant 0 : i32
        %dma_wait3A_1161 = arith.constant 0 : i32
        %dma_wait3A_1162 = tpu.memref_slice %arg4[%add3A_1150, %dma_wait3A_1160, %dma_wait3A_1161] : memref<4096x50x128xf32, #tpu.memory_space<hbm>> -> memref<1x50x128xf32, #tpu.memory_space<hbm>>
        %dma_wait3A_1163 = tpu.memref_squeeze %dma_wait3A_1162 : memref<1x50x128xf32, #tpu.memory_space<hbm>> -> memref<50x128xf32, #tpu.memory_space<hbm>>
        %dma_wait3A_1164 = arith.constant 0 : i32
        %dma_wait3A_1165 = arith.constant 0 : i32
        %dma_wait3A_1166 = tpu.memref_slice %arg8[%dma_wait3A_1151, %dma_wait3A_1164, %dma_wait3A_1165] : memref<8x50x128xf32, #tpu.memory_space<vmem>> -> memref<1x50x128xf32, #tpu.memory_space<vmem>>
        %dma_wait3A_1167 = tpu.memref_squeeze %dma_wait3A_1166 : memref<1x50x128xf32, #tpu.memory_space<vmem>> -> memref<50x128xf32, #tpu.memory_space<vmem>>
        tpu.wait_dma2 semaphore(%arg11 : memref<!tpu.dma_semaphore, #tpu.memory_space<semaphore_mem>>) src(%dma_wait3A_1167 : memref<50x128xf32, #tpu.memory_space<vmem>>) dst(%dma_wait3A_1163 : memref<50x128xf32, #tpu.memory_space<hbm>>)
        %add3A_1168 = arith.constant 6 : i32
        %add3A_1169 = arith.addi %add3A_1053, %add3A_1168 : i32
        %dma_wait3A_1170 = arith.constant 6 : i32
        %dma_wait3A_1171 = arith.constant 0 : i32
        %dma_wait3A_1172 = arith.constant 0 : i32
        %dma_wait3A_1173 = tpu.memref_slice %arg8[%dma_wait3A_1170, %dma_wait3A_1171, %dma_wait3A_1172] : memref<8x50x128xf32, #tpu.memory_space<vmem>> -> memref<1x50x128xf32, #tpu.memory_space<vmem>>
        %dma_wait3A_1174 = tpu.memref_squeeze %dma_wait3A_1173 : memref<1x50x128xf32, #tpu.memory_space<vmem>> -> memref<50x128xf32, #tpu.memory_space<vmem>>
        %dma_wait3A_1175 = arith.constant 0 : i32
        %dma_wait3A_1176 = arith.constant 0 : i32
        %dma_wait3A_1177 = tpu.memref_slice %arg4[%add3A_1169, %dma_wait3A_1175, %dma_wait3A_1176] : memref<4096x50x128xf32, #tpu.memory_space<hbm>> -> memref<1x50x128xf32, #tpu.memory_space<hbm>>
        %dma_wait3A_1178 = tpu.memref_squeeze %dma_wait3A_1177 : memref<1x50x128xf32, #tpu.memory_space<hbm>> -> memref<50x128xf32, #tpu.memory_space<hbm>>
        %dma_wait3A_1179 = arith.constant 0 : i32
        %dma_wait3A_1180 = arith.constant 0 : i32
        %dma_wait3A_1181 = tpu.memref_slice %arg4[%add3A_1169, %dma_wait3A_1179, %dma_wait3A_1180] : memref<4096x50x128xf32, #tpu.memory_space<hbm>> -> memref<1x50x128xf32, #tpu.memory_space<hbm>>
        %dma_wait3A_1182 = tpu.memref_squeeze %dma_wait3A_1181 : memref<1x50x128xf32, #tpu.memory_space<hbm>> -> memref<50x128xf32, #tpu.memory_space<hbm>>
        %dma_wait3A_1183 = arith.constant 0 : i32
        %dma_wait3A_1184 = arith.constant 0 : i32
        %dma_wait3A_1185 = tpu.memref_slice %arg8[%dma_wait3A_1170, %dma_wait3A_1183, %dma_wait3A_1184] : memref<8x50x128xf32, #tpu.memory_space<vmem>> -> memref<1x50x128xf32, #tpu.memory_space<vmem>>
        %dma_wait3A_1186 = tpu.memref_squeeze %dma_wait3A_1185 : memref<1x50x128xf32, #tpu.memory_space<vmem>> -> memref<50x128xf32, #tpu.memory_space<vmem>>
        tpu.wait_dma2 semaphore(%arg11 : memref<!tpu.dma_semaphore, #tpu.memory_space<semaphore_mem>>) src(%dma_wait3A_1186 : memref<50x128xf32, #tpu.memory_space<vmem>>) dst(%dma_wait3A_1182 : memref<50x128xf32, #tpu.memory_space<hbm>>)
        %add3A_1187 = arith.constant 7 : i32
        %add3A_1188 = arith.addi %add3A_1053, %add3A_1187 : i32
        %dma_wait3A_1189 = arith.constant 7 : i32
        %dma_wait3A_1190 = arith.constant 0 : i32
        %dma_wait3A_1191 = arith.constant 0 : i32
        %dma_wait3A_1192 = tpu.memref_slice %arg8[%dma_wait3A_1189, %dma_wait3A_1190, %dma_wait3A_1191] : memref<8x50x128xf32, #tpu.memory_space<vmem>> -> memref<1x50x128xf32, #tpu.memory_space<vmem>>
        %dma_wait3A_1193 = tpu.memref_squeeze %dma_wait3A_1192 : memref<1x50x128xf32, #tpu.memory_space<vmem>> -> memref<50x128xf32, #tpu.memory_space<vmem>>
        %dma_wait3A_1194 = arith.constant 0 : i32
        %dma_wait3A_1195 = arith.constant 0 : i32
        %dma_wait3A_1196 = tpu.memref_slice %arg4[%add3A_1188, %dma_wait3A_1194, %dma_wait3A_1195] : memref<4096x50x128xf32, #tpu.memory_space<hbm>> -> memref<1x50x128xf32, #tpu.memory_space<hbm>>
        %dma_wait3A_1197 = tpu.memref_squeeze %dma_wait3A_1196 : memref<1x50x128xf32, #tpu.memory_space<hbm>> -> memref<50x128xf32, #tpu.memory_space<hbm>>
        %dma_wait3A_1198 = arith.constant 0 : i32
        %dma_wait3A_1199 = arith.constant 0 : i32
        %dma_wait3A_1200 = tpu.memref_slice %arg4[%add3A_1188, %dma_wait3A_1198, %dma_wait3A_1199] : memref<4096x50x128xf32, #tpu.memory_space<hbm>> -> memref<1x50x128xf32, #tpu.memory_space<hbm>>
        %dma_wait3A_1201 = tpu.memref_squeeze %dma_wait3A_1200 : memref<1x50x128xf32, #tpu.memory_space<hbm>> -> memref<50x128xf32, #tpu.memory_space<hbm>>
        %dma_wait3A_1202 = arith.constant 0 : i32
        %dma_wait3A_1203 = arith.constant 0 : i32
        %dma_wait3A_1204 = tpu.memref_slice %arg8[%dma_wait3A_1189, %dma_wait3A_1202, %dma_wait3A_1203] : memref<8x50x128xf32, #tpu.memory_space<vmem>> -> memref<1x50x128xf32, #tpu.memory_space<vmem>>
        %dma_wait3A_1205 = tpu.memref_squeeze %dma_wait3A_1204 : memref<1x50x128xf32, #tpu.memory_space<vmem>> -> memref<50x128xf32, #tpu.memory_space<vmem>>
        tpu.wait_dma2 semaphore(%arg11 : memref<!tpu.dma_semaphore, #tpu.memory_space<semaphore_mem>>) src(%dma_wait3A_1205 : memref<50x128xf32, #tpu.memory_space<vmem>>) dst(%dma_wait3A_1201 : memref<50x128xf32, #tpu.memory_space<hbm>>)
      } else {
      }
      %mul3A_436 = arith.constant 8 : i32
      %mul3A_437 = arith.muli %add3A_433, %mul3A_436 : i32
      %add3A_438 = arith.addi %mul3A_2, %mul3A_437 : i32
      %dma_wait3A_439 = arith.constant 0 : i32
      %dma_wait3A_440 = tpu.memref_slice %arg3[%add3A_438, %dma_wait3A_439] : memref<4096x50xi32, #tpu.memory_space<hbm>> -> memref<8x50xi32, #tpu.memory_space<hbm>>
      %dma_wait3A_441 = arith.constant 0 : i32
      %dma_wait3A_442 = tpu.memref_slice %arg3[%add3A_438, %dma_wait3A_441] : memref<4096x50xi32, #tpu.memory_space<hbm>> -> memref<8x50xi32, #tpu.memory_space<hbm>>
      tpu.wait_dma2 semaphore(%arg9 : memref<!tpu.dma_semaphore, #tpu.memory_space<semaphore_mem>>) src(%dma_wait3A_442 : memref<8x50xi32, #tpu.memory_space<hbm>>) dst(%arg6 : memref<8x50xi32, #tpu.memory_space<vmem>>)
      %dma_start3A_443 = arith.constant 0 : i32
      %dma_start3A_444 = arith.constant 0 : i32
      %dma_start3A_445 = arith.constant 0 : i32
      %dma_start3A_446 = arith.constant 0 : i32
      %dma_start3A_447 = tpu.memref_slice %arg8[%dma_start3A_444, %dma_start3A_445, %dma_start3A_446] : memref<8x50x128xf32, #tpu.memory_space<vmem>> -> memref<1x50x128xf32, #tpu.memory_space<vmem>>
      %dma_start3A_448 = tpu.memref_squeeze %dma_start3A_447 : memref<1x50x128xf32, #tpu.memory_space<vmem>> -> memref<50x128xf32, #tpu.memory_space<vmem>>
      %dma_start3A_449 = arith.constant 0 : i32
      %dma_start3A_450 = tpu.memref_slice %arg6[%dma_start3A_443, %dma_start3A_449] : memref<8x50xi32, #tpu.memory_space<vmem>> -> memref<1x50xi32, #tpu.memory_space<vmem>>
      %dma_start3A_451 = tpu.memref_squeeze %dma_start3A_450 : memref<1x50xi32, #tpu.memory_space<vmem>> -> memref<50xi32, #tpu.memory_space<vmem>>
      %dma_start3A_452 = arith.constant 0 : i32
      %dma_start3A_453 = arith.constant 0 : i32
      %dma_start3A_454 = tpu.memref_slice %arg2[%dma_start3A_452, %dma_start3A_453] : memref<100001x128xf32, #tpu.memory_space<hbm>> -> memref<100001x128xf32, #tpu.memory_space<hbm>>
      tpu.enqueue_indirect_dma source(%dma_start3A_454 : memref<100001x128xf32, #tpu.memory_space<hbm>>) target(%dma_start3A_448 : memref<50x128xf32, #tpu.memory_space<vmem>>) offsets(%dma_start3A_451 : memref<50xi32, #tpu.memory_space<vmem>>) semaphore(%arg10 : memref<!tpu.dma_semaphore, #tpu.memory_space<semaphore_mem>>)
      %dma_start3A_455 = arith.constant 1 : i32
      %dma_start3A_456 = arith.constant 1 : i32
      %dma_start3A_457 = arith.constant 0 : i32
      %dma_start3A_458 = arith.constant 0 : i32
      %dma_start3A_459 = tpu.memref_slice %arg8[%dma_start3A_456, %dma_start3A_457, %dma_start3A_458] : memref<8x50x128xf32, #tpu.memory_space<vmem>> -> memref<1x50x128xf32, #tpu.memory_space<vmem>>
      %dma_start3A_460 = tpu.memref_squeeze %dma_start3A_459 : memref<1x50x128xf32, #tpu.memory_space<vmem>> -> memref<50x128xf32, #tpu.memory_space<vmem>>
      %dma_start3A_461 = arith.constant 0 : i32
      %dma_start3A_462 = tpu.memref_slice %arg6[%dma_start3A_455, %dma_start3A_461] : memref<8x50xi32, #tpu.memory_space<vmem>> -> memref<1x50xi32, #tpu.memory_space<vmem>>
      %dma_start3A_463 = tpu.memref_squeeze %dma_start3A_462 : memref<1x50xi32, #tpu.memory_space<vmem>> -> memref<50xi32, #tpu.memory_space<vmem>>
      %dma_start3A_464 = arith.constant 0 : i32
      %dma_start3A_465 = arith.constant 0 : i32
      %dma_start3A_466 = tpu.memref_slice %arg2[%dma_start3A_464, %dma_start3A_465] : memref<100001x128xf32, #tpu.memory_space<hbm>> -> memref<100001x128xf32, #tpu.memory_space<hbm>>
      tpu.enqueue_indirect_dma source(%dma_start3A_466 : memref<100001x128xf32, #tpu.memory_space<hbm>>) target(%dma_start3A_460 : memref<50x128xf32, #tpu.memory_space<vmem>>) offsets(%dma_start3A_463 : memref<50xi32, #tpu.memory_space<vmem>>) semaphore(%arg10 : memref<!tpu.dma_semaphore, #tpu.memory_space<semaphore_mem>>)
      %dma_start3A_467 = arith.constant 2 : i32
      %dma_start3A_468 = arith.constant 2 : i32
      %dma_start3A_469 = arith.constant 0 : i32
      %dma_start3A_470 = arith.constant 0 : i32
      %dma_start3A_471 = tpu.memref_slice %arg8[%dma_start3A_468, %dma_start3A_469, %dma_start3A_470] : memref<8x50x128xf32, #tpu.memory_space<vmem>> -> memref<1x50x128xf32, #tpu.memory_space<vmem>>
      %dma_start3A_472 = tpu.memref_squeeze %dma_start3A_471 : memref<1x50x128xf32, #tpu.memory_space<vmem>> -> memref<50x128xf32, #tpu.memory_space<vmem>>
      %dma_start3A_473 = arith.constant 0 : i32
      %dma_start3A_474 = tpu.memref_slice %arg6[%dma_start3A_467, %dma_start3A_473] : memref<8x50xi32, #tpu.memory_space<vmem>> -> memref<1x50xi32, #tpu.memory_space<vmem>>
      %dma_start3A_475 = tpu.memref_squeeze %dma_start3A_474 : memref<1x50xi32, #tpu.memory_space<vmem>> -> memref<50xi32, #tpu.memory_space<vmem>>
      %dma_start3A_476 = arith.constant 0 : i32
      %dma_start3A_477 = arith.constant 0 : i32
      %dma_start3A_478 = tpu.memref_slice %arg2[%dma_start3A_476, %dma_start3A_477] : memref<100001x128xf32, #tpu.memory_space<hbm>> -> memref<100001x128xf32, #tpu.memory_space<hbm>>
      tpu.enqueue_indirect_dma source(%dma_start3A_478 : memref<100001x128xf32, #tpu.memory_space<hbm>>) target(%dma_start3A_472 : memref<50x128xf32, #tpu.memory_space<vmem>>) offsets(%dma_start3A_475 : memref<50xi32, #tpu.memory_space<vmem>>) semaphore(%arg10 : memref<!tpu.dma_semaphore, #tpu.memory_space<semaphore_mem>>)
      %dma_start3A_479 = arith.constant 3 : i32
      %dma_start3A_480 = arith.constant 3 : i32
      %dma_start3A_481 = arith.constant 0 : i32
      %dma_start3A_482 = arith.constant 0 : i32
      %dma_start3A_483 = tpu.memref_slice %arg8[%dma_start3A_480, %dma_start3A_481, %dma_start3A_482] : memref<8x50x128xf32, #tpu.memory_space<vmem>> -> memref<1x50x128xf32, #tpu.memory_space<vmem>>
      %dma_start3A_484 = tpu.memref_squeeze %dma_start3A_483 : memref<1x50x128xf32, #tpu.memory_space<vmem>> -> memref<50x128xf32, #tpu.memory_space<vmem>>
      %dma_start3A_485 = arith.constant 0 : i32
      %dma_start3A_486 = tpu.memref_slice %arg6[%dma_start3A_479, %dma_start3A_485] : memref<8x50xi32, #tpu.memory_space<vmem>> -> memref<1x50xi32, #tpu.memory_space<vmem>>
      %dma_start3A_487 = tpu.memref_squeeze %dma_start3A_486 : memref<1x50xi32, #tpu.memory_space<vmem>> -> memref<50xi32, #tpu.memory_space<vmem>>
      %dma_start3A_488 = arith.constant 0 : i32
      %dma_start3A_489 = arith.constant 0 : i32
      %dma_start3A_490 = tpu.memref_slice %arg2[%dma_start3A_488, %dma_start3A_489] : memref<100001x128xf32, #tpu.memory_space<hbm>> -> memref<100001x128xf32, #tpu.memory_space<hbm>>
      tpu.enqueue_indirect_dma source(%dma_start3A_490 : memref<100001x128xf32, #tpu.memory_space<hbm>>) target(%dma_start3A_484 : memref<50x128xf32, #tpu.memory_space<vmem>>) offsets(%dma_start3A_487 : memref<50xi32, #tpu.memory_space<vmem>>) semaphore(%arg10 : memref<!tpu.dma_semaphore, #tpu.memory_space<semaphore_mem>>)
      %dma_start3A_491 = arith.constant 4 : i32
      %dma_start3A_492 = arith.constant 4 : i32
      %dma_start3A_493 = arith.constant 0 : i32
      %dma_start3A_494 = arith.constant 0 : i32
      %dma_start3A_495 = tpu.memref_slice %arg8[%dma_start3A_492, %dma_start3A_493, %dma_start3A_494] : memref<8x50x128xf32, #tpu.memory_space<vmem>> -> memref<1x50x128xf32, #tpu.memory_space<vmem>>
      %dma_start3A_496 = tpu.memref_squeeze %dma_start3A_495 : memref<1x50x128xf32, #tpu.memory_space<vmem>> -> memref<50x128xf32, #tpu.memory_space<vmem>>
      %dma_start3A_497 = arith.constant 0 : i32
      %dma_start3A_498 = tpu.memref_slice %arg6[%dma_start3A_491, %dma_start3A_497] : memref<8x50xi32, #tpu.memory_space<vmem>> -> memref<1x50xi32, #tpu.memory_space<vmem>>
      %dma_start3A_499 = tpu.memref_squeeze %dma_start3A_498 : memref<1x50xi32, #tpu.memory_space<vmem>> -> memref<50xi32, #tpu.memory_space<vmem>>
      %dma_start3A_500 = arith.constant 0 : i32
      %dma_start3A_501 = arith.constant 0 : i32
      %dma_start3A_502 = tpu.memref_slice %arg2[%dma_start3A_500, %dma_start3A_501] : memref<100001x128xf32, #tpu.memory_space<hbm>> -> memref<100001x128xf32, #tpu.memory_space<hbm>>
      tpu.enqueue_indirect_dma source(%dma_start3A_502 : memref<100001x128xf32, #tpu.memory_space<hbm>>) target(%dma_start3A_496 : memref<50x128xf32, #tpu.memory_space<vmem>>) offsets(%dma_start3A_499 : memref<50xi32, #tpu.memory_space<vmem>>) semaphore(%arg10 : memref<!tpu.dma_semaphore, #tpu.memory_space<semaphore_mem>>)
      %dma_start3A_503 = arith.constant 5 : i32
      %dma_start3A_504 = arith.constant 5 : i32
      %dma_start3A_505 = arith.constant 0 : i32
      %dma_start3A_506 = arith.constant 0 : i32
      %dma_start3A_507 = tpu.memref_slice %arg8[%dma_start3A_504, %dma_start3A_505, %dma_start3A_506] : memref<8x50x128xf32, #tpu.memory_space<vmem>> -> memref<1x50x128xf32, #tpu.memory_space<vmem>>
      %dma_start3A_508 = tpu.memref_squeeze %dma_start3A_507 : memref<1x50x128xf32, #tpu.memory_space<vmem>> -> memref<50x128xf32, #tpu.memory_space<vmem>>
      %dma_start3A_509 = arith.constant 0 : i32
      %dma_start3A_510 = tpu.memref_slice %arg6[%dma_start3A_503, %dma_start3A_509] : memref<8x50xi32, #tpu.memory_space<vmem>> -> memref<1x50xi32, #tpu.memory_space<vmem>>
      %dma_start3A_511 = tpu.memref_squeeze %dma_start3A_510 : memref<1x50xi32, #tpu.memory_space<vmem>> -> memref<50xi32, #tpu.memory_space<vmem>>
      %dma_start3A_512 = arith.constant 0 : i32
      %dma_start3A_513 = arith.constant 0 : i32
      %dma_start3A_514 = tpu.memref_slice %arg2[%dma_start3A_512, %dma_start3A_513] : memref<100001x128xf32, #tpu.memory_space<hbm>> -> memref<100001x128xf32, #tpu.memory_space<hbm>>
      tpu.enqueue_indirect_dma source(%dma_start3A_514 : memref<100001x128xf32, #tpu.memory_space<hbm>>) target(%dma_start3A_508 : memref<50x128xf32, #tpu.memory_space<vmem>>) offsets(%dma_start3A_511 : memref<50xi32, #tpu.memory_space<vmem>>) semaphore(%arg10 : memref<!tpu.dma_semaphore, #tpu.memory_space<semaphore_mem>>)
      %dma_start3A_515 = arith.constant 6 : i32
      %dma_start3A_516 = arith.constant 6 : i32
      %dma_start3A_517 = arith.constant 0 : i32
      %dma_start3A_518 = arith.constant 0 : i32
      %dma_start3A_519 = tpu.memref_slice %arg8[%dma_start3A_516, %dma_start3A_517, %dma_start3A_518] : memref<8x50x128xf32, #tpu.memory_space<vmem>> -> memref<1x50x128xf32, #tpu.memory_space<vmem>>
      %dma_start3A_520 = tpu.memref_squeeze %dma_start3A_519 : memref<1x50x128xf32, #tpu.memory_space<vmem>> -> memref<50x128xf32, #tpu.memory_space<vmem>>
      %dma_start3A_521 = arith.constant 0 : i32
      %dma_start3A_522 = tpu.memref_slice %arg6[%dma_start3A_515, %dma_start3A_521] : memref<8x50xi32, #tpu.memory_space<vmem>> -> memref<1x50xi32, #tpu.memory_space<vmem>>
      %dma_start3A_523 = tpu.memref_squeeze %dma_start3A_522 : memref<1x50xi32, #tpu.memory_space<vmem>> -> memref<50xi32, #tpu.memory_space<vmem>>
      %dma_start3A_524 = arith.constant 0 : i32
      %dma_start3A_525 = arith.constant 0 : i32
      %dma_start3A_526 = tpu.memref_slice %arg2[%dma_start3A_524, %dma_start3A_525] : memref<100001x128xf32, #tpu.memory_space<hbm>> -> memref<100001x128xf32, #tpu.memory_space<hbm>>
      tpu.enqueue_indirect_dma source(%dma_start3A_526 : memref<100001x128xf32, #tpu.memory_space<hbm>>) target(%dma_start3A_520 : memref<50x128xf32, #tpu.memory_space<vmem>>) offsets(%dma_start3A_523 : memref<50xi32, #tpu.memory_space<vmem>>) semaphore(%arg10 : memref<!tpu.dma_semaphore, #tpu.memory_space<semaphore_mem>>)
      %dma_start3A_527 = arith.constant 7 : i32
      %dma_start3A_528 = arith.constant 7 : i32
      %dma_start3A_529 = arith.constant 0 : i32
      %dma_start3A_530 = arith.constant 0 : i32
      %dma_start3A_531 = tpu.memref_slice %arg8[%dma_start3A_528, %dma_start3A_529, %dma_start3A_530] : memref<8x50x128xf32, #tpu.memory_space<vmem>> -> memref<1x50x128xf32, #tpu.memory_space<vmem>>
      %dma_start3A_532 = tpu.memref_squeeze %dma_start3A_531 : memref<1x50x128xf32, #tpu.memory_space<vmem>> -> memref<50x128xf32, #tpu.memory_space<vmem>>
      %dma_start3A_533 = arith.constant 0 : i32
      %dma_start3A_534 = tpu.memref_slice %arg6[%dma_start3A_527, %dma_start3A_533] : memref<8x50xi32, #tpu.memory_space<vmem>> -> memref<1x50xi32, #tpu.memory_space<vmem>>
      %dma_start3A_535 = tpu.memref_squeeze %dma_start3A_534 : memref<1x50xi32, #tpu.memory_space<vmem>> -> memref<50xi32, #tpu.memory_space<vmem>>
      %dma_start3A_536 = arith.constant 0 : i32
      %dma_start3A_537 = arith.constant 0 : i32
      %dma_start3A_538 = tpu.memref_slice %arg2[%dma_start3A_536, %dma_start3A_537] : memref<100001x128xf32, #tpu.memory_space<hbm>> -> memref<100001x128xf32, #tpu.memory_space<hbm>>
      tpu.enqueue_indirect_dma source(%dma_start3A_538 : memref<100001x128xf32, #tpu.memory_space<hbm>>) target(%dma_start3A_532 : memref<50x128xf32, #tpu.memory_space<vmem>>) offsets(%dma_start3A_535 : memref<50xi32, #tpu.memory_space<vmem>>) semaphore(%arg10 : memref<!tpu.dma_semaphore, #tpu.memory_space<semaphore_mem>>)
      %dma_wait3A_539 = arith.constant 0 : i32
      %dma_wait3A_540 = arith.constant 0 : i32
      %dma_wait3A_541 = arith.constant 0 : i32
      %dma_wait3A_542 = arith.constant 0 : i32
      %dma_wait3A_543 = tpu.memref_slice %arg7[%dma_wait3A_540, %dma_wait3A_541, %dma_wait3A_542] : memref<8x50x128xf32, #tpu.memory_space<vmem>> -> memref<1x50x128xf32, #tpu.memory_space<vmem>>
      %dma_wait3A_544 = tpu.memref_squeeze %dma_wait3A_543 : memref<1x50x128xf32, #tpu.memory_space<vmem>> -> memref<50x128xf32, #tpu.memory_space<vmem>>
      %dma_wait3A_545 = arith.constant 0 : i32
      %dma_wait3A_546 = tpu.memref_slice %arg5[%dma_wait3A_539, %dma_wait3A_545] : memref<8x50xi32, #tpu.memory_space<vmem>> -> memref<1x50xi32, #tpu.memory_space<vmem>>
      %dma_wait3A_547 = tpu.memref_squeeze %dma_wait3A_546 : memref<1x50xi32, #tpu.memory_space<vmem>> -> memref<50xi32, #tpu.memory_space<vmem>>
      %dma_wait3A_548 = arith.constant 0 : i32
      %dma_wait3A_549 = arith.constant 0 : i32
      %dma_wait3A_550 = tpu.memref_slice %arg2[%dma_wait3A_548, %dma_wait3A_549] : memref<100001x128xf32, #tpu.memory_space<hbm>> -> memref<100001x128xf32, #tpu.memory_space<hbm>>
      tpu.wait_indirect_dma semaphore(%arg10 : memref<!tpu.dma_semaphore, #tpu.memory_space<semaphore_mem>>) src(%dma_wait3A_550 : memref<100001x128xf32, #tpu.memory_space<hbm>>) dst(%dma_wait3A_544 : memref<50x128xf32, #tpu.memory_space<vmem>>)
      %dma_wait3A_551 = arith.constant 1 : i32
      %dma_wait3A_552 = arith.constant 1 : i32
      %dma_wait3A_553 = arith.constant 0 : i32
      %dma_wait3A_554 = arith.constant 0 : i32
      %dma_wait3A_555 = tpu.memref_slice %arg7[%dma_wait3A_552, %dma_wait3A_553, %dma_wait3A_554] : memref<8x50x128xf32, #tpu.memory_space<vmem>> -> memref<1x50x128xf32, #tpu.memory_space<vmem>>
      %dma_wait3A_556 = tpu.memref_squeeze %dma_wait3A_555 : memref<1x50x128xf32, #tpu.memory_space<vmem>> -> memref<50x128xf32, #tpu.memory_space<vmem>>
      %dma_wait3A_557 = arith.constant 0 : i32
      %dma_wait3A_558 = tpu.memref_slice %arg5[%dma_wait3A_551, %dma_wait3A_557] : memref<8x50xi32, #tpu.memory_space<vmem>> -> memref<1x50xi32, #tpu.memory_space<vmem>>
      %dma_wait3A_559 = tpu.memref_squeeze %dma_wait3A_558 : memref<1x50xi32, #tpu.memory_space<vmem>> -> memref<50xi32, #tpu.memory_space<vmem>>
      %dma_wait3A_560 = arith.constant 0 : i32
      %dma_wait3A_561 = arith.constant 0 : i32
      %dma_wait3A_562 = tpu.memref_slice %arg2[%dma_wait3A_560, %dma_wait3A_561] : memref<100001x128xf32, #tpu.memory_space<hbm>> -> memref<100001x128xf32, #tpu.memory_space<hbm>>
      tpu.wait_indirect_dma semaphore(%arg10 : memref<!tpu.dma_semaphore, #tpu.memory_space<semaphore_mem>>) src(%dma_wait3A_562 : memref<100001x128xf32, #tpu.memory_space<hbm>>) dst(%dma_wait3A_556 : memref<50x128xf32, #tpu.memory_space<vmem>>)
      %dma_wait3A_563 = arith.constant 2 : i32
      %dma_wait3A_564 = arith.constant 2 : i32
      %dma_wait3A_565 = arith.constant 0 : i32
      %dma_wait3A_566 = arith.constant 0 : i32
      %dma_wait3A_567 = tpu.memref_slice %arg7[%dma_wait3A_564, %dma_wait3A_565, %dma_wait3A_566] : memref<8x50x128xf32, #tpu.memory_space<vmem>> -> memref<1x50x128xf32, #tpu.memory_space<vmem>>
      %dma_wait3A_568 = tpu.memref_squeeze %dma_wait3A_567 : memref<1x50x128xf32, #tpu.memory_space<vmem>> -> memref<50x128xf32, #tpu.memory_space<vmem>>
      %dma_wait3A_569 = arith.constant 0 : i32
      %dma_wait3A_570 = tpu.memref_slice %arg5[%dma_wait3A_563, %dma_wait3A_569] : memref<8x50xi32, #tpu.memory_space<vmem>> -> memref<1x50xi32, #tpu.memory_space<vmem>>
      %dma_wait3A_571 = tpu.memref_squeeze %dma_wait3A_570 : memref<1x50xi32, #tpu.memory_space<vmem>> -> memref<50xi32, #tpu.memory_space<vmem>>
      %dma_wait3A_572 = arith.constant 0 : i32
      %dma_wait3A_573 = arith.constant 0 : i32
      %dma_wait3A_574 = tpu.memref_slice %arg2[%dma_wait3A_572, %dma_wait3A_573] : memref<100001x128xf32, #tpu.memory_space<hbm>> -> memref<100001x128xf32, #tpu.memory_space<hbm>>
      tpu.wait_indirect_dma semaphore(%arg10 : memref<!tpu.dma_semaphore, #tpu.memory_space<semaphore_mem>>) src(%dma_wait3A_574 : memref<100001x128xf32, #tpu.memory_space<hbm>>) dst(%dma_wait3A_568 : memref<50x128xf32, #tpu.memory_space<vmem>>)
      %dma_wait3A_575 = arith.constant 3 : i32
      %dma_wait3A_576 = arith.constant 3 : i32
      %dma_wait3A_577 = arith.constant 0 : i32
      %dma_wait3A_578 = arith.constant 0 : i32
      %dma_wait3A_579 = tpu.memref_slice %arg7[%dma_wait3A_576, %dma_wait3A_577, %dma_wait3A_578] : memref<8x50x128xf32, #tpu.memory_space<vmem>> -> memref<1x50x128xf32, #tpu.memory_space<vmem>>
      %dma_wait3A_580 = tpu.memref_squeeze %dma_wait3A_579 : memref<1x50x128xf32, #tpu.memory_space<vmem>> -> memref<50x128xf32, #tpu.memory_space<vmem>>
      %dma_wait3A_581 = arith.constant 0 : i32
      %dma_wait3A_582 = tpu.memref_slice %arg5[%dma_wait3A_575, %dma_wait3A_581] : memref<8x50xi32, #tpu.memory_space<vmem>> -> memref<1x50xi32, #tpu.memory_space<vmem>>
      %dma_wait3A_583 = tpu.memref_squeeze %dma_wait3A_582 : memref<1x50xi32, #tpu.memory_space<vmem>> -> memref<50xi32, #tpu.memory_space<vmem>>
      %dma_wait3A_584 = arith.constant 0 : i32
      %dma_wait3A_585 = arith.constant 0 : i32
      %dma_wait3A_586 = tpu.memref_slice %arg2[%dma_wait3A_584, %dma_wait3A_585] : memref<100001x128xf32, #tpu.memory_space<hbm>> -> memref<100001x128xf32, #tpu.memory_space<hbm>>
      tpu.wait_indirect_dma semaphore(%arg10 : memref<!tpu.dma_semaphore, #tpu.memory_space<semaphore_mem>>) src(%dma_wait3A_586 : memref<100001x128xf32, #tpu.memory_space<hbm>>) dst(%dma_wait3A_580 : memref<50x128xf32, #tpu.memory_space<vmem>>)
      %dma_wait3A_587 = arith.constant 4 : i32
      %dma_wait3A_588 = arith.constant 4 : i32
      %dma_wait3A_589 = arith.constant 0 : i32
      %dma_wait3A_590 = arith.constant 0 : i32
      %dma_wait3A_591 = tpu.memref_slice %arg7[%dma_wait3A_588, %dma_wait3A_589, %dma_wait3A_590] : memref<8x50x128xf32, #tpu.memory_space<vmem>> -> memref<1x50x128xf32, #tpu.memory_space<vmem>>
      %dma_wait3A_592 = tpu.memref_squeeze %dma_wait3A_591 : memref<1x50x128xf32, #tpu.memory_space<vmem>> -> memref<50x128xf32, #tpu.memory_space<vmem>>
      %dma_wait3A_593 = arith.constant 0 : i32
      %dma_wait3A_594 = tpu.memref_slice %arg5[%dma_wait3A_587, %dma_wait3A_593] : memref<8x50xi32, #tpu.memory_space<vmem>> -> memref<1x50xi32, #tpu.memory_space<vmem>>
      %dma_wait3A_595 = tpu.memref_squeeze %dma_wait3A_594 : memref<1x50xi32, #tpu.memory_space<vmem>> -> memref<50xi32, #tpu.memory_space<vmem>>
      %dma_wait3A_596 = arith.constant 0 : i32
      %dma_wait3A_597 = arith.constant 0 : i32
      %dma_wait3A_598 = tpu.memref_slice %arg2[%dma_wait3A_596, %dma_wait3A_597] : memref<100001x128xf32, #tpu.memory_space<hbm>> -> memref<100001x128xf32, #tpu.memory_space<hbm>>
      tpu.wait_indirect_dma semaphore(%arg10 : memref<!tpu.dma_semaphore, #tpu.memory_space<semaphore_mem>>) src(%dma_wait3A_598 : memref<100001x128xf32, #tpu.memory_space<hbm>>) dst(%dma_wait3A_592 : memref<50x128xf32, #tpu.memory_space<vmem>>)
      %dma_wait3A_599 = arith.constant 5 : i32
      %dma_wait3A_600 = arith.constant 5 : i32
      %dma_wait3A_601 = arith.constant 0 : i32
      %dma_wait3A_602 = arith.constant 0 : i32
      %dma_wait3A_603 = tpu.memref_slice %arg7[%dma_wait3A_600, %dma_wait3A_601, %dma_wait3A_602] : memref<8x50x128xf32, #tpu.memory_space<vmem>> -> memref<1x50x128xf32, #tpu.memory_space<vmem>>
      %dma_wait3A_604 = tpu.memref_squeeze %dma_wait3A_603 : memref<1x50x128xf32, #tpu.memory_space<vmem>> -> memref<50x128xf32, #tpu.memory_space<vmem>>
      %dma_wait3A_605 = arith.constant 0 : i32
      %dma_wait3A_606 = tpu.memref_slice %arg5[%dma_wait3A_599, %dma_wait3A_605] : memref<8x50xi32, #tpu.memory_space<vmem>> -> memref<1x50xi32, #tpu.memory_space<vmem>>
      %dma_wait3A_607 = tpu.memref_squeeze %dma_wait3A_606 : memref<1x50xi32, #tpu.memory_space<vmem>> -> memref<50xi32, #tpu.memory_space<vmem>>
      %dma_wait3A_608 = arith.constant 0 : i32
      %dma_wait3A_609 = arith.constant 0 : i32
      %dma_wait3A_610 = tpu.memref_slice %arg2[%dma_wait3A_608, %dma_wait3A_609] : memref<100001x128xf32, #tpu.memory_space<hbm>> -> memref<100001x128xf32, #tpu.memory_space<hbm>>
      tpu.wait_indirect_dma semaphore(%arg10 : memref<!tpu.dma_semaphore, #tpu.memory_space<semaphore_mem>>) src(%dma_wait3A_610 : memref<100001x128xf32, #tpu.memory_space<hbm>>) dst(%dma_wait3A_604 : memref<50x128xf32, #tpu.memory_space<vmem>>)
      %dma_wait3A_611 = arith.constant 6 : i32
      %dma_wait3A_612 = arith.constant 6 : i32
      %dma_wait3A_613 = arith.constant 0 : i32
      %dma_wait3A_614 = arith.constant 0 : i32
      %dma_wait3A_615 = tpu.memref_slice %arg7[%dma_wait3A_612, %dma_wait3A_613, %dma_wait3A_614] : memref<8x50x128xf32, #tpu.memory_space<vmem>> -> memref<1x50x128xf32, #tpu.memory_space<vmem>>
      %dma_wait3A_616 = tpu.memref_squeeze %dma_wait3A_615 : memref<1x50x128xf32, #tpu.memory_space<vmem>> -> memref<50x128xf32, #tpu.memory_space<vmem>>
      %dma_wait3A_617 = arith.constant 0 : i32
      %dma_wait3A_618 = tpu.memref_slice %arg5[%dma_wait3A_611, %dma_wait3A_617] : memref<8x50xi32, #tpu.memory_space<vmem>> -> memref<1x50xi32, #tpu.memory_space<vmem>>
      %dma_wait3A_619 = tpu.memref_squeeze %dma_wait3A_618 : memref<1x50xi32, #tpu.memory_space<vmem>> -> memref<50xi32, #tpu.memory_space<vmem>>
      %dma_wait3A_620 = arith.constant 0 : i32
      %dma_wait3A_621 = arith.constant 0 : i32
      %dma_wait3A_622 = tpu.memref_slice %arg2[%dma_wait3A_620, %dma_wait3A_621] : memref<100001x128xf32, #tpu.memory_space<hbm>> -> memref<100001x128xf32, #tpu.memory_space<hbm>>
      tpu.wait_indirect_dma semaphore(%arg10 : memref<!tpu.dma_semaphore, #tpu.memory_space<semaphore_mem>>) src(%dma_wait3A_622 : memref<100001x128xf32, #tpu.memory_space<hbm>>) dst(%dma_wait3A_616 : memref<50x128xf32, #tpu.memory_space<vmem>>)
      %dma_wait3A_623 = arith.constant 7 : i32
      %dma_wait3A_624 = arith.constant 7 : i32
      %dma_wait3A_625 = arith.constant 0 : i32
      %dma_wait3A_626 = arith.constant 0 : i32
      %dma_wait3A_627 = tpu.memref_slice %arg7[%dma_wait3A_624, %dma_wait3A_625, %dma_wait3A_626] : memref<8x50x128xf32, #tpu.memory_space<vmem>> -> memref<1x50x128xf32, #tpu.memory_space<vmem>>
      %dma_wait3A_628 = tpu.memref_squeeze %dma_wait3A_627 : memref<1x50x128xf32, #tpu.memory_space<vmem>> -> memref<50x128xf32, #tpu.memory_space<vmem>>
      %dma_wait3A_629 = arith.constant 0 : i32
      %dma_wait3A_630 = tpu.memref_slice %arg5[%dma_wait3A_623, %dma_wait3A_629] : memref<8x50xi32, #tpu.memory_space<vmem>> -> memref<1x50xi32, #tpu.memory_space<vmem>>
      %dma_wait3A_631 = tpu.memref_squeeze %dma_wait3A_630 : memref<1x50xi32, #tpu.memory_space<vmem>> -> memref<50xi32, #tpu.memory_space<vmem>>
      %dma_wait3A_632 = arith.constant 0 : i32
      %dma_wait3A_633 = arith.constant 0 : i32
      %dma_wait3A_634 = tpu.memref_slice %arg2[%dma_wait3A_632, %dma_wait3A_633] : memref<100001x128xf32, #tpu.memory_space<hbm>> -> memref<100001x128xf32, #tpu.memory_space<hbm>>
      tpu.wait_indirect_dma semaphore(%arg10 : memref<!tpu.dma_semaphore, #tpu.memory_space<semaphore_mem>>) src(%dma_wait3A_634 : memref<100001x128xf32, #tpu.memory_space<hbm>>) dst(%dma_wait3A_628 : memref<50x128xf32, #tpu.memory_space<vmem>>)
      %mul3A_635 = arith.constant 8 : i32
      %mul3A_636 = arith.muli %mul3A_431, %mul3A_635 : i32
      %add3A_637 = arith.addi %mul3A_2, %mul3A_636 : i32
      %add3A_638 = arith.constant 0 : i32
      %add3A_639 = arith.addi %add3A_637, %add3A_638 : i32
      %dma_start3A_640 = arith.constant 0 : i32
      %dma_start3A_641 = arith.constant 0 : i32
      %dma_start3A_642 = arith.constant 0 : i32
      %dma_start3A_643 = tpu.memref_slice %arg7[%dma_start3A_640, %dma_start3A_641, %dma_start3A_642] : memref<8x50x128xf32, #tpu.memory_space<vmem>> -> memref<1x50x128xf32, #tpu.memory_space<vmem>>
      %dma_start3A_644 = tpu.memref_squeeze %dma_start3A_643 : memref<1x50x128xf32, #tpu.memory_space<vmem>> -> memref<50x128xf32, #tpu.memory_space<vmem>>
      %dma_start3A_645 = arith.constant 0 : i32
      %dma_start3A_646 = arith.constant 0 : i32
      %dma_start3A_647 = tpu.memref_slice %arg4[%add3A_639, %dma_start3A_645, %dma_start3A_646] : memref<4096x50x128xf32, #tpu.memory_space<hbm>> -> memref<1x50x128xf32, #tpu.memory_space<hbm>>
      %dma_start3A_648 = tpu.memref_squeeze %dma_start3A_647 : memref<1x50x128xf32, #tpu.memory_space<hbm>> -> memref<50x128xf32, #tpu.memory_space<hbm>>
      %dma_start3A_649 = arith.constant 0 : i32
      %dma_start3A_650 = arith.constant 0 : i32
      %dma_start3A_651 = tpu.memref_slice %arg4[%add3A_639, %dma_start3A_649, %dma_start3A_650] : memref<4096x50x128xf32, #tpu.memory_space<hbm>> -> memref<1x50x128xf32, #tpu.memory_space<hbm>>
      %dma_start3A_652 = tpu.memref_squeeze %dma_start3A_651 : memref<1x50x128xf32, #tpu.memory_space<hbm>> -> memref<50x128xf32, #tpu.memory_space<hbm>>
      %dma_start3A_653 = arith.constant 0 : i32
      %dma_start3A_654 = arith.constant 0 : i32
      %dma_start3A_655 = tpu.memref_slice %arg7[%dma_start3A_640, %dma_start3A_653, %dma_start3A_654] : memref<8x50x128xf32, #tpu.memory_space<vmem>> -> memref<1x50x128xf32, #tpu.memory_space<vmem>>
      %dma_start3A_656 = tpu.memref_squeeze %dma_start3A_655 : memref<1x50x128xf32, #tpu.memory_space<vmem>> -> memref<50x128xf32, #tpu.memory_space<vmem>>
      tpu.enqueue_dma source(%dma_start3A_656 : memref<50x128xf32, #tpu.memory_space<vmem>>) target(%dma_start3A_652 : memref<50x128xf32, #tpu.memory_space<hbm>>) target_semaphore(%arg11 : memref<!tpu.dma_semaphore, #tpu.memory_space<semaphore_mem>>)
      %add3A_657 = arith.constant 1 : i32
      %add3A_658 = arith.addi %add3A_637, %add3A_657 : i32
      %dma_start3A_659 = arith.constant 1 : i32
      %dma_start3A_660 = arith.constant 0 : i32
      %dma_start3A_661 = arith.constant 0 : i32
      %dma_start3A_662 = tpu.memref_slice %arg7[%dma_start3A_659, %dma_start3A_660, %dma_start3A_661] : memref<8x50x128xf32, #tpu.memory_space<vmem>> -> memref<1x50x128xf32, #tpu.memory_space<vmem>>
      %dma_start3A_663 = tpu.memref_squeeze %dma_start3A_662 : memref<1x50x128xf32, #tpu.memory_space<vmem>> -> memref<50x128xf32, #tpu.memory_space<vmem>>
      %dma_start3A_664 = arith.constant 0 : i32
      %dma_start3A_665 = arith.constant 0 : i32
      %dma_start3A_666 = tpu.memref_slice %arg4[%add3A_658, %dma_start3A_664, %dma_start3A_665] : memref<4096x50x128xf32, #tpu.memory_space<hbm>> -> memref<1x50x128xf32, #tpu.memory_space<hbm>>
      %dma_start3A_667 = tpu.memref_squeeze %dma_start3A_666 : memref<1x50x128xf32, #tpu.memory_space<hbm>> -> memref<50x128xf32, #tpu.memory_space<hbm>>
      %dma_start3A_668 = arith.constant 0 : i32
      %dma_start3A_669 = arith.constant 0 : i32
      %dma_start3A_670 = tpu.memref_slice %arg4[%add3A_658, %dma_start3A_668, %dma_start3A_669] : memref<4096x50x128xf32, #tpu.memory_space<hbm>> -> memref<1x50x128xf32, #tpu.memory_space<hbm>>
      %dma_start3A_671 = tpu.memref_squeeze %dma_start3A_670 : memref<1x50x128xf32, #tpu.memory_space<hbm>> -> memref<50x128xf32, #tpu.memory_space<hbm>>
      %dma_start3A_672 = arith.constant 0 : i32
      %dma_start3A_673 = arith.constant 0 : i32
      %dma_start3A_674 = tpu.memref_slice %arg7[%dma_start3A_659, %dma_start3A_672, %dma_start3A_673] : memref<8x50x128xf32, #tpu.memory_space<vmem>> -> memref<1x50x128xf32, #tpu.memory_space<vmem>>
      %dma_start3A_675 = tpu.memref_squeeze %dma_start3A_674 : memref<1x50x128xf32, #tpu.memory_space<vmem>> -> memref<50x128xf32, #tpu.memory_space<vmem>>
      tpu.enqueue_dma source(%dma_start3A_675 : memref<50x128xf32, #tpu.memory_space<vmem>>) target(%dma_start3A_671 : memref<50x128xf32, #tpu.memory_space<hbm>>) target_semaphore(%arg11 : memref<!tpu.dma_semaphore, #tpu.memory_space<semaphore_mem>>)
      %add3A_676 = arith.constant 2 : i32
      %add3A_677 = arith.addi %add3A_637, %add3A_676 : i32
      %dma_start3A_678 = arith.constant 2 : i32
      %dma_start3A_679 = arith.constant 0 : i32
      %dma_start3A_680 = arith.constant 0 : i32
      %dma_start3A_681 = tpu.memref_slice %arg7[%dma_start3A_678, %dma_start3A_679, %dma_start3A_680] : memref<8x50x128xf32, #tpu.memory_space<vmem>> -> memref<1x50x128xf32, #tpu.memory_space<vmem>>
      %dma_start3A_682 = tpu.memref_squeeze %dma_start3A_681 : memref<1x50x128xf32, #tpu.memory_space<vmem>> -> memref<50x128xf32, #tpu.memory_space<vmem>>
      %dma_start3A_683 = arith.constant 0 : i32
      %dma_start3A_684 = arith.constant 0 : i32
      %dma_start3A_685 = tpu.memref_slice %arg4[%add3A_677, %dma_start3A_683, %dma_start3A_684] : memref<4096x50x128xf32, #tpu.memory_space<hbm>> -> memref<1x50x128xf32, #tpu.memory_space<hbm>>
      %dma_start3A_686 = tpu.memref_squeeze %dma_start3A_685 : memref<1x50x128xf32, #tpu.memory_space<hbm>> -> memref<50x128xf32, #tpu.memory_space<hbm>>
      %dma_start3A_687 = arith.constant 0 : i32
      %dma_start3A_688 = arith.constant 0 : i32
      %dma_start3A_689 = tpu.memref_slice %arg4[%add3A_677, %dma_start3A_687, %dma_start3A_688] : memref<4096x50x128xf32, #tpu.memory_space<hbm>> -> memref<1x50x128xf32, #tpu.memory_space<hbm>>
      %dma_start3A_690 = tpu.memref_squeeze %dma_start3A_689 : memref<1x50x128xf32, #tpu.memory_space<hbm>> -> memref<50x128xf32, #tpu.memory_space<hbm>>
      %dma_start3A_691 = arith.constant 0 : i32
      %dma_start3A_692 = arith.constant 0 : i32
      %dma_start3A_693 = tpu.memref_slice %arg7[%dma_start3A_678, %dma_start3A_691, %dma_start3A_692] : memref<8x50x128xf32, #tpu.memory_space<vmem>> -> memref<1x50x128xf32, #tpu.memory_space<vmem>>
      %dma_start3A_694 = tpu.memref_squeeze %dma_start3A_693 : memref<1x50x128xf32, #tpu.memory_space<vmem>> -> memref<50x128xf32, #tpu.memory_space<vmem>>
      tpu.enqueue_dma source(%dma_start3A_694 : memref<50x128xf32, #tpu.memory_space<vmem>>) target(%dma_start3A_690 : memref<50x128xf32, #tpu.memory_space<hbm>>) target_semaphore(%arg11 : memref<!tpu.dma_semaphore, #tpu.memory_space<semaphore_mem>>)
      %add3A_695 = arith.constant 3 : i32
      %add3A_696 = arith.addi %add3A_637, %add3A_695 : i32
      %dma_start3A_697 = arith.constant 3 : i32
      %dma_start3A_698 = arith.constant 0 : i32
      %dma_start3A_699 = arith.constant 0 : i32
      %dma_start3A_700 = tpu.memref_slice %arg7[%dma_start3A_697, %dma_start3A_698, %dma_start3A_699] : memref<8x50x128xf32, #tpu.memory_space<vmem>> -> memref<1x50x128xf32, #tpu.memory_space<vmem>>
      %dma_start3A_701 = tpu.memref_squeeze %dma_start3A_700 : memref<1x50x128xf32, #tpu.memory_space<vmem>> -> memref<50x128xf32, #tpu.memory_space<vmem>>
      %dma_start3A_702 = arith.constant 0 : i32
      %dma_start3A_703 = arith.constant 0 : i32
      %dma_start3A_704 = tpu.memref_slice %arg4[%add3A_696, %dma_start3A_702, %dma_start3A_703] : memref<4096x50x128xf32, #tpu.memory_space<hbm>> -> memref<1x50x128xf32, #tpu.memory_space<hbm>>
      %dma_start3A_705 = tpu.memref_squeeze %dma_start3A_704 : memref<1x50x128xf32, #tpu.memory_space<hbm>> -> memref<50x128xf32, #tpu.memory_space<hbm>>
      %dma_start3A_706 = arith.constant 0 : i32
      %dma_start3A_707 = arith.constant 0 : i32
      %dma_start3A_708 = tpu.memref_slice %arg4[%add3A_696, %dma_start3A_706, %dma_start3A_707] : memref<4096x50x128xf32, #tpu.memory_space<hbm>> -> memref<1x50x128xf32, #tpu.memory_space<hbm>>
      %dma_start3A_709 = tpu.memref_squeeze %dma_start3A_708 : memref<1x50x128xf32, #tpu.memory_space<hbm>> -> memref<50x128xf32, #tpu.memory_space<hbm>>
      %dma_start3A_710 = arith.constant 0 : i32
      %dma_start3A_711 = arith.constant 0 : i32
      %dma_start3A_712 = tpu.memref_slice %arg7[%dma_start3A_697, %dma_start3A_710, %dma_start3A_711] : memref<8x50x128xf32, #tpu.memory_space<vmem>> -> memref<1x50x128xf32, #tpu.memory_space<vmem>>
      %dma_start3A_713 = tpu.memref_squeeze %dma_start3A_712 : memref<1x50x128xf32, #tpu.memory_space<vmem>> -> memref<50x128xf32, #tpu.memory_space<vmem>>
      tpu.enqueue_dma source(%dma_start3A_713 : memref<50x128xf32, #tpu.memory_space<vmem>>) target(%dma_start3A_709 : memref<50x128xf32, #tpu.memory_space<hbm>>) target_semaphore(%arg11 : memref<!tpu.dma_semaphore, #tpu.memory_space<semaphore_mem>>)
      %add3A_714 = arith.constant 4 : i32
      %add3A_715 = arith.addi %add3A_637, %add3A_714 : i32
      %dma_start3A_716 = arith.constant 4 : i32
      %dma_start3A_717 = arith.constant 0 : i32
      %dma_start3A_718 = arith.constant 0 : i32
      %dma_start3A_719 = tpu.memref_slice %arg7[%dma_start3A_716, %dma_start3A_717, %dma_start3A_718] : memref<8x50x128xf32, #tpu.memory_space<vmem>> -> memref<1x50x128xf32, #tpu.memory_space<vmem>>
      %dma_start3A_720 = tpu.memref_squeeze %dma_start3A_719 : memref<1x50x128xf32, #tpu.memory_space<vmem>> -> memref<50x128xf32, #tpu.memory_space<vmem>>
      %dma_start3A_721 = arith.constant 0 : i32
      %dma_start3A_722 = arith.constant 0 : i32
      %dma_start3A_723 = tpu.memref_slice %arg4[%add3A_715, %dma_start3A_721, %dma_start3A_722] : memref<4096x50x128xf32, #tpu.memory_space<hbm>> -> memref<1x50x128xf32, #tpu.memory_space<hbm>>
      %dma_start3A_724 = tpu.memref_squeeze %dma_start3A_723 : memref<1x50x128xf32, #tpu.memory_space<hbm>> -> memref<50x128xf32, #tpu.memory_space<hbm>>
      %dma_start3A_725 = arith.constant 0 : i32
      %dma_start3A_726 = arith.constant 0 : i32
      %dma_start3A_727 = tpu.memref_slice %arg4[%add3A_715, %dma_start3A_725, %dma_start3A_726] : memref<4096x50x128xf32, #tpu.memory_space<hbm>> -> memref<1x50x128xf32, #tpu.memory_space<hbm>>
      %dma_start3A_728 = tpu.memref_squeeze %dma_start3A_727 : memref<1x50x128xf32, #tpu.memory_space<hbm>> -> memref<50x128xf32, #tpu.memory_space<hbm>>
      %dma_start3A_729 = arith.constant 0 : i32
      %dma_start3A_730 = arith.constant 0 : i32
      %dma_start3A_731 = tpu.memref_slice %arg7[%dma_start3A_716, %dma_start3A_729, %dma_start3A_730] : memref<8x50x128xf32, #tpu.memory_space<vmem>> -> memref<1x50x128xf32, #tpu.memory_space<vmem>>
      %dma_start3A_732 = tpu.memref_squeeze %dma_start3A_731 : memref<1x50x128xf32, #tpu.memory_space<vmem>> -> memref<50x128xf32, #tpu.memory_space<vmem>>
      tpu.enqueue_dma source(%dma_start3A_732 : memref<50x128xf32, #tpu.memory_space<vmem>>) target(%dma_start3A_728 : memref<50x128xf32, #tpu.memory_space<hbm>>) target_semaphore(%arg11 : memref<!tpu.dma_semaphore, #tpu.memory_space<semaphore_mem>>)
      %add3A_733 = arith.constant 5 : i32
      %add3A_734 = arith.addi %add3A_637, %add3A_733 : i32
      %dma_start3A_735 = arith.constant 5 : i32
      %dma_start3A_736 = arith.constant 0 : i32
      %dma_start3A_737 = arith.constant 0 : i32
      %dma_start3A_738 = tpu.memref_slice %arg7[%dma_start3A_735, %dma_start3A_736, %dma_start3A_737] : memref<8x50x128xf32, #tpu.memory_space<vmem>> -> memref<1x50x128xf32, #tpu.memory_space<vmem>>
      %dma_start3A_739 = tpu.memref_squeeze %dma_start3A_738 : memref<1x50x128xf32, #tpu.memory_space<vmem>> -> memref<50x128xf32, #tpu.memory_space<vmem>>
      %dma_start3A_740 = arith.constant 0 : i32
      %dma_start3A_741 = arith.constant 0 : i32
      %dma_start3A_742 = tpu.memref_slice %arg4[%add3A_734, %dma_start3A_740, %dma_start3A_741] : memref<4096x50x128xf32, #tpu.memory_space<hbm>> -> memref<1x50x128xf32, #tpu.memory_space<hbm>>
      %dma_start3A_743 = tpu.memref_squeeze %dma_start3A_742 : memref<1x50x128xf32, #tpu.memory_space<hbm>> -> memref<50x128xf32, #tpu.memory_space<hbm>>
      %dma_start3A_744 = arith.constant 0 : i32
      %dma_start3A_745 = arith.constant 0 : i32
      %dma_start3A_746 = tpu.memref_slice %arg4[%add3A_734, %dma_start3A_744, %dma_start3A_745] : memref<4096x50x128xf32, #tpu.memory_space<hbm>> -> memref<1x50x128xf32, #tpu.memory_space<hbm>>
      %dma_start3A_747 = tpu.memref_squeeze %dma_start3A_746 : memref<1x50x128xf32, #tpu.memory_space<hbm>> -> memref<50x128xf32, #tpu.memory_space<hbm>>
      %dma_start3A_748 = arith.constant 0 : i32
      %dma_start3A_749 = arith.constant 0 : i32
      %dma_start3A_750 = tpu.memref_slice %arg7[%dma_start3A_735, %dma_start3A_748, %dma_start3A_749] : memref<8x50x128xf32, #tpu.memory_space<vmem>> -> memref<1x50x128xf32, #tpu.memory_space<vmem>>
      %dma_start3A_751 = tpu.memref_squeeze %dma_start3A_750 : memref<1x50x128xf32, #tpu.memory_space<vmem>> -> memref<50x128xf32, #tpu.memory_space<vmem>>
      tpu.enqueue_dma source(%dma_start3A_751 : memref<50x128xf32, #tpu.memory_space<vmem>>) target(%dma_start3A_747 : memref<50x128xf32, #tpu.memory_space<hbm>>) target_semaphore(%arg11 : memref<!tpu.dma_semaphore, #tpu.memory_space<semaphore_mem>>)
      %add3A_752 = arith.constant 6 : i32
      %add3A_753 = arith.addi %add3A_637, %add3A_752 : i32
      %dma_start3A_754 = arith.constant 6 : i32
      %dma_start3A_755 = arith.constant 0 : i32
      %dma_start3A_756 = arith.constant 0 : i32
      %dma_start3A_757 = tpu.memref_slice %arg7[%dma_start3A_754, %dma_start3A_755, %dma_start3A_756] : memref<8x50x128xf32, #tpu.memory_space<vmem>> -> memref<1x50x128xf32, #tpu.memory_space<vmem>>
      %dma_start3A_758 = tpu.memref_squeeze %dma_start3A_757 : memref<1x50x128xf32, #tpu.memory_space<vmem>> -> memref<50x128xf32, #tpu.memory_space<vmem>>
      %dma_start3A_759 = arith.constant 0 : i32
      %dma_start3A_760 = arith.constant 0 : i32
      %dma_start3A_761 = tpu.memref_slice %arg4[%add3A_753, %dma_start3A_759, %dma_start3A_760] : memref<4096x50x128xf32, #tpu.memory_space<hbm>> -> memref<1x50x128xf32, #tpu.memory_space<hbm>>
      %dma_start3A_762 = tpu.memref_squeeze %dma_start3A_761 : memref<1x50x128xf32, #tpu.memory_space<hbm>> -> memref<50x128xf32, #tpu.memory_space<hbm>>
      %dma_start3A_763 = arith.constant 0 : i32
      %dma_start3A_764 = arith.constant 0 : i32
      %dma_start3A_765 = tpu.memref_slice %arg4[%add3A_753, %dma_start3A_763, %dma_start3A_764] : memref<4096x50x128xf32, #tpu.memory_space<hbm>> -> memref<1x50x128xf32, #tpu.memory_space<hbm>>
      %dma_start3A_766 = tpu.memref_squeeze %dma_start3A_765 : memref<1x50x128xf32, #tpu.memory_space<hbm>> -> memref<50x128xf32, #tpu.memory_space<hbm>>
      %dma_start3A_767 = arith.constant 0 : i32
      %dma_start3A_768 = arith.constant 0 : i32
      %dma_start3A_769 = tpu.memref_slice %arg7[%dma_start3A_754, %dma_start3A_767, %dma_start3A_768] : memref<8x50x128xf32, #tpu.memory_space<vmem>> -> memref<1x50x128xf32, #tpu.memory_space<vmem>>
      %dma_start3A_770 = tpu.memref_squeeze %dma_start3A_769 : memref<1x50x128xf32, #tpu.memory_space<vmem>> -> memref<50x128xf32, #tpu.memory_space<vmem>>
      tpu.enqueue_dma source(%dma_start3A_770 : memref<50x128xf32, #tpu.memory_space<vmem>>) target(%dma_start3A_766 : memref<50x128xf32, #tpu.memory_space<hbm>>) target_semaphore(%arg11 : memref<!tpu.dma_semaphore, #tpu.memory_space<semaphore_mem>>)
      %add3A_771 = arith.constant 7 : i32
      %add3A_772 = arith.addi %add3A_637, %add3A_771 : i32
      %dma_start3A_773 = arith.constant 7 : i32
      %dma_start3A_774 = arith.constant 0 : i32
      %dma_start3A_775 = arith.constant 0 : i32
      %dma_start3A_776 = tpu.memref_slice %arg7[%dma_start3A_773, %dma_start3A_774, %dma_start3A_775] : memref<8x50x128xf32, #tpu.memory_space<vmem>> -> memref<1x50x128xf32, #tpu.memory_space<vmem>>
      %dma_start3A_777 = tpu.memref_squeeze %dma_start3A_776 : memref<1x50x128xf32, #tpu.memory_space<vmem>> -> memref<50x128xf32, #tpu.memory_space<vmem>>
      %dma_start3A_778 = arith.constant 0 : i32
      %dma_start3A_779 = arith.constant 0 : i32
      %dma_start3A_780 = tpu.memref_slice %arg4[%add3A_772, %dma_start3A_778, %dma_start3A_779] : memref<4096x50x128xf32, #tpu.memory_space<hbm>> -> memref<1x50x128xf32, #tpu.memory_space<hbm>>
      %dma_start3A_781 = tpu.memref_squeeze %dma_start3A_780 : memref<1x50x128xf32, #tpu.memory_space<hbm>> -> memref<50x128xf32, #tpu.memory_space<hbm>>
      %dma_start3A_782 = arith.constant 0 : i32
      %dma_start3A_783 = arith.constant 0 : i32
      %dma_start3A_784 = tpu.memref_slice %arg4[%add3A_772, %dma_start3A_782, %dma_start3A_783] : memref<4096x50x128xf32, #tpu.memory_space<hbm>> -> memref<1x50x128xf32, #tpu.memory_space<hbm>>
      %dma_start3A_785 = tpu.memref_squeeze %dma_start3A_784 : memref<1x50x128xf32, #tpu.memory_space<hbm>> -> memref<50x128xf32, #tpu.memory_space<hbm>>
      %dma_start3A_786 = arith.constant 0 : i32
      %dma_start3A_787 = arith.constant 0 : i32
      %dma_start3A_788 = tpu.memref_slice %arg7[%dma_start3A_773, %dma_start3A_786, %dma_start3A_787] : memref<8x50x128xf32, #tpu.memory_space<vmem>> -> memref<1x50x128xf32, #tpu.memory_space<vmem>>
      %dma_start3A_789 = tpu.memref_squeeze %dma_start3A_788 : memref<1x50x128xf32, #tpu.memory_space<vmem>> -> memref<50x128xf32, #tpu.memory_space<vmem>>
      tpu.enqueue_dma source(%dma_start3A_789 : memref<50x128xf32, #tpu.memory_space<vmem>>) target(%dma_start3A_785 : memref<50x128xf32, #tpu.memory_space<hbm>>) target_semaphore(%arg11 : memref<!tpu.dma_semaphore, #tpu.memory_space<semaphore_mem>>)
      %lt3A = arith.constant 7 : i32
      %lt3A_790 = arith.cmpi slt, %add3A_429, %lt3A : i32
      %convert_element_type3A_791 = arith.extui %lt3A_790 : i1 to i32
      %cond3A_792 = arith.constant 0 : i32
      %cond3A_793 = arith.cmpi ne, %convert_element_type3A_791, %cond3A_792 : i32
      scf.if %cond3A_793 {
        %add3A_1050 = arith.constant 2 : i32
        %add3A_1051 = arith.addi %mul3A_431, %add3A_1050 : i32
        %mul3A_1052 = arith.constant 8 : i32
        %mul3A_1053 = arith.muli %add3A_1051, %mul3A_1052 : i32
        %add3A_1054 = arith.addi %mul3A_2, %mul3A_1053 : i32
        %dma_start3A_1055 = arith.constant 0 : i32
        %dma_start3A_1056 = tpu.memref_slice %arg3[%add3A_1054, %dma_start3A_1055] : memref<4096x50xi32, #tpu.memory_space<hbm>> -> memref<8x50xi32, #tpu.memory_space<hbm>>
        %dma_start3A_1057 = arith.constant 0 : i32
        %dma_start3A_1058 = tpu.memref_slice %arg3[%add3A_1054, %dma_start3A_1057] : memref<4096x50xi32, #tpu.memory_space<hbm>> -> memref<8x50xi32, #tpu.memory_space<hbm>>
        tpu.enqueue_dma source(%dma_start3A_1058 : memref<8x50xi32, #tpu.memory_space<hbm>>) target(%arg5 : memref<8x50xi32, #tpu.memory_space<vmem>>) target_semaphore(%arg9 : memref<!tpu.dma_semaphore, #tpu.memory_space<semaphore_mem>>)
        %mul3A_1059 = arith.constant 8 : i32
        %mul3A_1060 = arith.muli %mul3A_431, %mul3A_1059 : i32
        %add3A_1061 = arith.addi %mul3A_2, %mul3A_1060 : i32
        %add3A_1062 = arith.constant 0 : i32
        %add3A_1063 = arith.addi %add3A_1061, %add3A_1062 : i32
        %dma_wait3A_1064 = arith.constant 0 : i32
        %dma_wait3A_1065 = arith.constant 0 : i32
        %dma_wait3A_1066 = arith.constant 0 : i32
        %dma_wait3A_1067 = tpu.memref_slice %arg7[%dma_wait3A_1064, %dma_wait3A_1065, %dma_wait3A_1066] : memref<8x50x128xf32, #tpu.memory_space<vmem>> -> memref<1x50x128xf32, #tpu.memory_space<vmem>>
        %dma_wait3A_1068 = tpu.memref_squeeze %dma_wait3A_1067 : memref<1x50x128xf32, #tpu.memory_space<vmem>> -> memref<50x128xf32, #tpu.memory_space<vmem>>
        %dma_wait3A_1069 = arith.constant 0 : i32
        %dma_wait3A_1070 = arith.constant 0 : i32
        %dma_wait3A_1071 = tpu.memref_slice %arg4[%add3A_1063, %dma_wait3A_1069, %dma_wait3A_1070] : memref<4096x50x128xf32, #tpu.memory_space<hbm>> -> memref<1x50x128xf32, #tpu.memory_space<hbm>>
        %dma_wait3A_1072 = tpu.memref_squeeze %dma_wait3A_1071 : memref<1x50x128xf32, #tpu.memory_space<hbm>> -> memref<50x128xf32, #tpu.memory_space<hbm>>
        %dma_wait3A_1073 = arith.constant 0 : i32
        %dma_wait3A_1074 = arith.constant 0 : i32
        %dma_wait3A_1075 = tpu.memref_slice %arg4[%add3A_1063, %dma_wait3A_1073, %dma_wait3A_1074] : memref<4096x50x128xf32, #tpu.memory_space<hbm>> -> memref<1x50x128xf32, #tpu.memory_space<hbm>>
        %dma_wait3A_1076 = tpu.memref_squeeze %dma_wait3A_1075 : memref<1x50x128xf32, #tpu.memory_space<hbm>> -> memref<50x128xf32, #tpu.memory_space<hbm>>
        %dma_wait3A_1077 = arith.constant 0 : i32
        %dma_wait3A_1078 = arith.constant 0 : i32
        %dma_wait3A_1079 = tpu.memref_slice %arg7[%dma_wait3A_1064, %dma_wait3A_1077, %dma_wait3A_1078] : memref<8x50x128xf32, #tpu.memory_space<vmem>> -> memref<1x50x128xf32, #tpu.memory_space<vmem>>
        %dma_wait3A_1080 = tpu.memref_squeeze %dma_wait3A_1079 : memref<1x50x128xf32, #tpu.memory_space<vmem>> -> memref<50x128xf32, #tpu.memory_space<vmem>>
        tpu.wait_dma2 semaphore(%arg11 : memref<!tpu.dma_semaphore, #tpu.memory_space<semaphore_mem>>) src(%dma_wait3A_1080 : memref<50x128xf32, #tpu.memory_space<vmem>>) dst(%dma_wait3A_1076 : memref<50x128xf32, #tpu.memory_space<hbm>>)
        %add3A_1081 = arith.constant 1 : i32
        %add3A_1082 = arith.addi %add3A_1061, %add3A_1081 : i32
        %dma_wait3A_1083 = arith.constant 1 : i32
        %dma_wait3A_1084 = arith.constant 0 : i32
        %dma_wait3A_1085 = arith.constant 0 : i32
        %dma_wait3A_1086 = tpu.memref_slice %arg7[%dma_wait3A_1083, %dma_wait3A_1084, %dma_wait3A_1085] : memref<8x50x128xf32, #tpu.memory_space<vmem>> -> memref<1x50x128xf32, #tpu.memory_space<vmem>>
        %dma_wait3A_1087 = tpu.memref_squeeze %dma_wait3A_1086 : memref<1x50x128xf32, #tpu.memory_space<vmem>> -> memref<50x128xf32, #tpu.memory_space<vmem>>
        %dma_wait3A_1088 = arith.constant 0 : i32
        %dma_wait3A_1089 = arith.constant 0 : i32
        %dma_wait3A_1090 = tpu.memref_slice %arg4[%add3A_1082, %dma_wait3A_1088, %dma_wait3A_1089] : memref<4096x50x128xf32, #tpu.memory_space<hbm>> -> memref<1x50x128xf32, #tpu.memory_space<hbm>>
        %dma_wait3A_1091 = tpu.memref_squeeze %dma_wait3A_1090 : memref<1x50x128xf32, #tpu.memory_space<hbm>> -> memref<50x128xf32, #tpu.memory_space<hbm>>
        %dma_wait3A_1092 = arith.constant 0 : i32
        %dma_wait3A_1093 = arith.constant 0 : i32
        %dma_wait3A_1094 = tpu.memref_slice %arg4[%add3A_1082, %dma_wait3A_1092, %dma_wait3A_1093] : memref<4096x50x128xf32, #tpu.memory_space<hbm>> -> memref<1x50x128xf32, #tpu.memory_space<hbm>>
        %dma_wait3A_1095 = tpu.memref_squeeze %dma_wait3A_1094 : memref<1x50x128xf32, #tpu.memory_space<hbm>> -> memref<50x128xf32, #tpu.memory_space<hbm>>
        %dma_wait3A_1096 = arith.constant 0 : i32
        %dma_wait3A_1097 = arith.constant 0 : i32
        %dma_wait3A_1098 = tpu.memref_slice %arg7[%dma_wait3A_1083, %dma_wait3A_1096, %dma_wait3A_1097] : memref<8x50x128xf32, #tpu.memory_space<vmem>> -> memref<1x50x128xf32, #tpu.memory_space<vmem>>
        %dma_wait3A_1099 = tpu.memref_squeeze %dma_wait3A_1098 : memref<1x50x128xf32, #tpu.memory_space<vmem>> -> memref<50x128xf32, #tpu.memory_space<vmem>>
        tpu.wait_dma2 semaphore(%arg11 : memref<!tpu.dma_semaphore, #tpu.memory_space<semaphore_mem>>) src(%dma_wait3A_1099 : memref<50x128xf32, #tpu.memory_space<vmem>>) dst(%dma_wait3A_1095 : memref<50x128xf32, #tpu.memory_space<hbm>>)
        %add3A_1100 = arith.constant 2 : i32
        %add3A_1101 = arith.addi %add3A_1061, %add3A_1100 : i32
        %dma_wait3A_1102 = arith.constant 2 : i32
        %dma_wait3A_1103 = arith.constant 0 : i32
        %dma_wait3A_1104 = arith.constant 0 : i32
        %dma_wait3A_1105 = tpu.memref_slice %arg7[%dma_wait3A_1102, %dma_wait3A_1103, %dma_wait3A_1104] : memref<8x50x128xf32, #tpu.memory_space<vmem>> -> memref<1x50x128xf32, #tpu.memory_space<vmem>>
        %dma_wait3A_1106 = tpu.memref_squeeze %dma_wait3A_1105 : memref<1x50x128xf32, #tpu.memory_space<vmem>> -> memref<50x128xf32, #tpu.memory_space<vmem>>
        %dma_wait3A_1107 = arith.constant 0 : i32
        %dma_wait3A_1108 = arith.constant 0 : i32
        %dma_wait3A_1109 = tpu.memref_slice %arg4[%add3A_1101, %dma_wait3A_1107, %dma_wait3A_1108] : memref<4096x50x128xf32, #tpu.memory_space<hbm>> -> memref<1x50x128xf32, #tpu.memory_space<hbm>>
        %dma_wait3A_1110 = tpu.memref_squeeze %dma_wait3A_1109 : memref<1x50x128xf32, #tpu.memory_space<hbm>> -> memref<50x128xf32, #tpu.memory_space<hbm>>
        %dma_wait3A_1111 = arith.constant 0 : i32
        %dma_wait3A_1112 = arith.constant 0 : i32
        %dma_wait3A_1113 = tpu.memref_slice %arg4[%add3A_1101, %dma_wait3A_1111, %dma_wait3A_1112] : memref<4096x50x128xf32, #tpu.memory_space<hbm>> -> memref<1x50x128xf32, #tpu.memory_space<hbm>>
        %dma_wait3A_1114 = tpu.memref_squeeze %dma_wait3A_1113 : memref<1x50x128xf32, #tpu.memory_space<hbm>> -> memref<50x128xf32, #tpu.memory_space<hbm>>
        %dma_wait3A_1115 = arith.constant 0 : i32
        %dma_wait3A_1116 = arith.constant 0 : i32
        %dma_wait3A_1117 = tpu.memref_slice %arg7[%dma_wait3A_1102, %dma_wait3A_1115, %dma_wait3A_1116] : memref<8x50x128xf32, #tpu.memory_space<vmem>> -> memref<1x50x128xf32, #tpu.memory_space<vmem>>
        %dma_wait3A_1118 = tpu.memref_squeeze %dma_wait3A_1117 : memref<1x50x128xf32, #tpu.memory_space<vmem>> -> memref<50x128xf32, #tpu.memory_space<vmem>>
        tpu.wait_dma2 semaphore(%arg11 : memref<!tpu.dma_semaphore, #tpu.memory_space<semaphore_mem>>) src(%dma_wait3A_1118 : memref<50x128xf32, #tpu.memory_space<vmem>>) dst(%dma_wait3A_1114 : memref<50x128xf32, #tpu.memory_space<hbm>>)
        %add3A_1119 = arith.constant 3 : i32
        %add3A_1120 = arith.addi %add3A_1061, %add3A_1119 : i32
        %dma_wait3A_1121 = arith.constant 3 : i32
        %dma_wait3A_1122 = arith.constant 0 : i32
        %dma_wait3A_1123 = arith.constant 0 : i32
        %dma_wait3A_1124 = tpu.memref_slice %arg7[%dma_wait3A_1121, %dma_wait3A_1122, %dma_wait3A_1123] : memref<8x50x128xf32, #tpu.memory_space<vmem>> -> memref<1x50x128xf32, #tpu.memory_space<vmem>>
        %dma_wait3A_1125 = tpu.memref_squeeze %dma_wait3A_1124 : memref<1x50x128xf32, #tpu.memory_space<vmem>> -> memref<50x128xf32, #tpu.memory_space<vmem>>
        %dma_wait3A_1126 = arith.constant 0 : i32
        %dma_wait3A_1127 = arith.constant 0 : i32
        %dma_wait3A_1128 = tpu.memref_slice %arg4[%add3A_1120, %dma_wait3A_1126, %dma_wait3A_1127] : memref<4096x50x128xf32, #tpu.memory_space<hbm>> -> memref<1x50x128xf32, #tpu.memory_space<hbm>>
        %dma_wait3A_1129 = tpu.memref_squeeze %dma_wait3A_1128 : memref<1x50x128xf32, #tpu.memory_space<hbm>> -> memref<50x128xf32, #tpu.memory_space<hbm>>
        %dma_wait3A_1130 = arith.constant 0 : i32
        %dma_wait3A_1131 = arith.constant 0 : i32
        %dma_wait3A_1132 = tpu.memref_slice %arg4[%add3A_1120, %dma_wait3A_1130, %dma_wait3A_1131] : memref<4096x50x128xf32, #tpu.memory_space<hbm>> -> memref<1x50x128xf32, #tpu.memory_space<hbm>>
        %dma_wait3A_1133 = tpu.memref_squeeze %dma_wait3A_1132 : memref<1x50x128xf32, #tpu.memory_space<hbm>> -> memref<50x128xf32, #tpu.memory_space<hbm>>
        %dma_wait3A_1134 = arith.constant 0 : i32
        %dma_wait3A_1135 = arith.constant 0 : i32
        %dma_wait3A_1136 = tpu.memref_slice %arg7[%dma_wait3A_1121, %dma_wait3A_1134, %dma_wait3A_1135] : memref<8x50x128xf32, #tpu.memory_space<vmem>> -> memref<1x50x128xf32, #tpu.memory_space<vmem>>
        %dma_wait3A_1137 = tpu.memref_squeeze %dma_wait3A_1136 : memref<1x50x128xf32, #tpu.memory_space<vmem>> -> memref<50x128xf32, #tpu.memory_space<vmem>>
        tpu.wait_dma2 semaphore(%arg11 : memref<!tpu.dma_semaphore, #tpu.memory_space<semaphore_mem>>) src(%dma_wait3A_1137 : memref<50x128xf32, #tpu.memory_space<vmem>>) dst(%dma_wait3A_1133 : memref<50x128xf32, #tpu.memory_space<hbm>>)
        %add3A_1138 = arith.constant 4 : i32
        %add3A_1139 = arith.addi %add3A_1061, %add3A_1138 : i32
        %dma_wait3A_1140 = arith.constant 4 : i32
        %dma_wait3A_1141 = arith.constant 0 : i32
        %dma_wait3A_1142 = arith.constant 0 : i32
        %dma_wait3A_1143 = tpu.memref_slice %arg7[%dma_wait3A_1140, %dma_wait3A_1141, %dma_wait3A_1142] : memref<8x50x128xf32, #tpu.memory_space<vmem>> -> memref<1x50x128xf32, #tpu.memory_space<vmem>>
        %dma_wait3A_1144 = tpu.memref_squeeze %dma_wait3A_1143 : memref<1x50x128xf32, #tpu.memory_space<vmem>> -> memref<50x128xf32, #tpu.memory_space<vmem>>
        %dma_wait3A_1145 = arith.constant 0 : i32
        %dma_wait3A_1146 = arith.constant 0 : i32
        %dma_wait3A_1147 = tpu.memref_slice %arg4[%add3A_1139, %dma_wait3A_1145, %dma_wait3A_1146] : memref<4096x50x128xf32, #tpu.memory_space<hbm>> -> memref<1x50x128xf32, #tpu.memory_space<hbm>>
        %dma_wait3A_1148 = tpu.memref_squeeze %dma_wait3A_1147 : memref<1x50x128xf32, #tpu.memory_space<hbm>> -> memref<50x128xf32, #tpu.memory_space<hbm>>
        %dma_wait3A_1149 = arith.constant 0 : i32
        %dma_wait3A_1150 = arith.constant 0 : i32
        %dma_wait3A_1151 = tpu.memref_slice %arg4[%add3A_1139, %dma_wait3A_1149, %dma_wait3A_1150] : memref<4096x50x128xf32, #tpu.memory_space<hbm>> -> memref<1x50x128xf32, #tpu.memory_space<hbm>>
        %dma_wait3A_1152 = tpu.memref_squeeze %dma_wait3A_1151 : memref<1x50x128xf32, #tpu.memory_space<hbm>> -> memref<50x128xf32, #tpu.memory_space<hbm>>
        %dma_wait3A_1153 = arith.constant 0 : i32
        %dma_wait3A_1154 = arith.constant 0 : i32
        %dma_wait3A_1155 = tpu.memref_slice %arg7[%dma_wait3A_1140, %dma_wait3A_1153, %dma_wait3A_1154] : memref<8x50x128xf32, #tpu.memory_space<vmem>> -> memref<1x50x128xf32, #tpu.memory_space<vmem>>
        %dma_wait3A_1156 = tpu.memref_squeeze %dma_wait3A_1155 : memref<1x50x128xf32, #tpu.memory_space<vmem>> -> memref<50x128xf32, #tpu.memory_space<vmem>>
        tpu.wait_dma2 semaphore(%arg11 : memref<!tpu.dma_semaphore, #tpu.memory_space<semaphore_mem>>) src(%dma_wait3A_1156 : memref<50x128xf32, #tpu.memory_space<vmem>>) dst(%dma_wait3A_1152 : memref<50x128xf32, #tpu.memory_space<hbm>>)
        %add3A_1157 = arith.constant 5 : i32
        %add3A_1158 = arith.addi %add3A_1061, %add3A_1157 : i32
        %dma_wait3A_1159 = arith.constant 5 : i32
        %dma_wait3A_1160 = arith.constant 0 : i32
        %dma_wait3A_1161 = arith.constant 0 : i32
        %dma_wait3A_1162 = tpu.memref_slice %arg7[%dma_wait3A_1159, %dma_wait3A_1160, %dma_wait3A_1161] : memref<8x50x128xf32, #tpu.memory_space<vmem>> -> memref<1x50x128xf32, #tpu.memory_space<vmem>>
        %dma_wait3A_1163 = tpu.memref_squeeze %dma_wait3A_1162 : memref<1x50x128xf32, #tpu.memory_space<vmem>> -> memref<50x128xf32, #tpu.memory_space<vmem>>
        %dma_wait3A_1164 = arith.constant 0 : i32
        %dma_wait3A_1165 = arith.constant 0 : i32
        %dma_wait3A_1166 = tpu.memref_slice %arg4[%add3A_1158, %dma_wait3A_1164, %dma_wait3A_1165] : memref<4096x50x128xf32, #tpu.memory_space<hbm>> -> memref<1x50x128xf32, #tpu.memory_space<hbm>>
        %dma_wait3A_1167 = tpu.memref_squeeze %dma_wait3A_1166 : memref<1x50x128xf32, #tpu.memory_space<hbm>> -> memref<50x128xf32, #tpu.memory_space<hbm>>
        %dma_wait3A_1168 = arith.constant 0 : i32
        %dma_wait3A_1169 = arith.constant 0 : i32
        %dma_wait3A_1170 = tpu.memref_slice %arg4[%add3A_1158, %dma_wait3A_1168, %dma_wait3A_1169] : memref<4096x50x128xf32, #tpu.memory_space<hbm>> -> memref<1x50x128xf32, #tpu.memory_space<hbm>>
        %dma_wait3A_1171 = tpu.memref_squeeze %dma_wait3A_1170 : memref<1x50x128xf32, #tpu.memory_space<hbm>> -> memref<50x128xf32, #tpu.memory_space<hbm>>
        %dma_wait3A_1172 = arith.constant 0 : i32
        %dma_wait3A_1173 = arith.constant 0 : i32
        %dma_wait3A_1174 = tpu.memref_slice %arg7[%dma_wait3A_1159, %dma_wait3A_1172, %dma_wait3A_1173] : memref<8x50x128xf32, #tpu.memory_space<vmem>> -> memref<1x50x128xf32, #tpu.memory_space<vmem>>
        %dma_wait3A_1175 = tpu.memref_squeeze %dma_wait3A_1174 : memref<1x50x128xf32, #tpu.memory_space<vmem>> -> memref<50x128xf32, #tpu.memory_space<vmem>>
        tpu.wait_dma2 semaphore(%arg11 : memref<!tpu.dma_semaphore, #tpu.memory_space<semaphore_mem>>) src(%dma_wait3A_1175 : memref<50x128xf32, #tpu.memory_space<vmem>>) dst(%dma_wait3A_1171 : memref<50x128xf32, #tpu.memory_space<hbm>>)
        %add3A_1176 = arith.constant 6 : i32
        %add3A_1177 = arith.addi %add3A_1061, %add3A_1176 : i32
        %dma_wait3A_1178 = arith.constant 6 : i32
        %dma_wait3A_1179 = arith.constant 0 : i32
        %dma_wait3A_1180 = arith.constant 0 : i32
        %dma_wait3A_1181 = tpu.memref_slice %arg7[%dma_wait3A_1178, %dma_wait3A_1179, %dma_wait3A_1180] : memref<8x50x128xf32, #tpu.memory_space<vmem>> -> memref<1x50x128xf32, #tpu.memory_space<vmem>>
        %dma_wait3A_1182 = tpu.memref_squeeze %dma_wait3A_1181 : memref<1x50x128xf32, #tpu.memory_space<vmem>> -> memref<50x128xf32, #tpu.memory_space<vmem>>
        %dma_wait3A_1183 = arith.constant 0 : i32
        %dma_wait3A_1184 = arith.constant 0 : i32
        %dma_wait3A_1185 = tpu.memref_slice %arg4[%add3A_1177, %dma_wait3A_1183, %dma_wait3A_1184] : memref<4096x50x128xf32, #tpu.memory_space<hbm>> -> memref<1x50x128xf32, #tpu.memory_space<hbm>>
        %dma_wait3A_1186 = tpu.memref_squeeze %dma_wait3A_1185 : memref<1x50x128xf32, #tpu.memory_space<hbm>> -> memref<50x128xf32, #tpu.memory_space<hbm>>
        %dma_wait3A_1187 = arith.constant 0 : i32
        %dma_wait3A_1188 = arith.constant 0 : i32
        %dma_wait3A_1189 = tpu.memref_slice %arg4[%add3A_1177, %dma_wait3A_1187, %dma_wait3A_1188] : memref<4096x50x128xf32, #tpu.memory_space<hbm>> -> memref<1x50x128xf32, #tpu.memory_space<hbm>>
        %dma_wait3A_1190 = tpu.memref_squeeze %dma_wait3A_1189 : memref<1x50x128xf32, #tpu.memory_space<hbm>> -> memref<50x128xf32, #tpu.memory_space<hbm>>
        %dma_wait3A_1191 = arith.constant 0 : i32
        %dma_wait3A_1192 = arith.constant 0 : i32
        %dma_wait3A_1193 = tpu.memref_slice %arg7[%dma_wait3A_1178, %dma_wait3A_1191, %dma_wait3A_1192] : memref<8x50x128xf32, #tpu.memory_space<vmem>> -> memref<1x50x128xf32, #tpu.memory_space<vmem>>
        %dma_wait3A_1194 = tpu.memref_squeeze %dma_wait3A_1193 : memref<1x50x128xf32, #tpu.memory_space<vmem>> -> memref<50x128xf32, #tpu.memory_space<vmem>>
        tpu.wait_dma2 semaphore(%arg11 : memref<!tpu.dma_semaphore, #tpu.memory_space<semaphore_mem>>) src(%dma_wait3A_1194 : memref<50x128xf32, #tpu.memory_space<vmem>>) dst(%dma_wait3A_1190 : memref<50x128xf32, #tpu.memory_space<hbm>>)
        %add3A_1195 = arith.constant 7 : i32
        %add3A_1196 = arith.addi %add3A_1061, %add3A_1195 : i32
        %dma_wait3A_1197 = arith.constant 7 : i32
        %dma_wait3A_1198 = arith.constant 0 : i32
        %dma_wait3A_1199 = arith.constant 0 : i32
        %dma_wait3A_1200 = tpu.memref_slice %arg7[%dma_wait3A_1197, %dma_wait3A_1198, %dma_wait3A_1199] : memref<8x50x128xf32, #tpu.memory_space<vmem>> -> memref<1x50x128xf32, #tpu.memory_space<vmem>>
        %dma_wait3A_1201 = tpu.memref_squeeze %dma_wait3A_1200 : memref<1x50x128xf32, #tpu.memory_space<vmem>> -> memref<50x128xf32, #tpu.memory_space<vmem>>
        %dma_wait3A_1202 = arith.constant 0 : i32
        %dma_wait3A_1203 = arith.constant 0 : i32
        %dma_wait3A_1204 = tpu.memref_slice %arg4[%add3A_1196, %dma_wait3A_1202, %dma_wait3A_1203] : memref<4096x50x128xf32, #tpu.memory_space<hbm>> -> memref<1x50x128xf32, #tpu.memory_space<hbm>>
        %dma_wait3A_1205 = tpu.memref_squeeze %dma_wait3A_1204 : memref<1x50x128xf32, #tpu.memory_space<hbm>> -> memref<50x128xf32, #tpu.memory_space<hbm>>
        %dma_wait3A_1206 = arith.constant 0 : i32
        %dma_wait3A_1207 = arith.constant 0 : i32
        %dma_wait3A_1208 = tpu.memref_slice %arg4[%add3A_1196, %dma_wait3A_1206, %dma_wait3A_1207] : memref<4096x50x128xf32, #tpu.memory_space<hbm>> -> memref<1x50x128xf32, #tpu.memory_space<hbm>>
        %dma_wait3A_1209 = tpu.memref_squeeze %dma_wait3A_1208 : memref<1x50x128xf32, #tpu.memory_space<hbm>> -> memref<50x128xf32, #tpu.memory_space<hbm>>
        %dma_wait3A_1210 = arith.constant 0 : i32
        %dma_wait3A_1211 = arith.constant 0 : i32
        %dma_wait3A_1212 = tpu.memref_slice %arg7[%dma_wait3A_1197, %dma_wait3A_1210, %dma_wait3A_1211] : memref<8x50x128xf32, #tpu.memory_space<vmem>> -> memref<1x50x128xf32, #tpu.memory_space<vmem>>
        %dma_wait3A_1213 = tpu.memref_squeeze %dma_wait3A_1212 : memref<1x50x128xf32, #tpu.memory_space<vmem>> -> memref<50x128xf32, #tpu.memory_space<vmem>>
        tpu.wait_dma2 semaphore(%arg11 : memref<!tpu.dma_semaphore, #tpu.memory_space<semaphore_mem>>) src(%dma_wait3A_1213 : memref<50x128xf32, #tpu.memory_space<vmem>>) dst(%dma_wait3A_1209 : memref<50x128xf32, #tpu.memory_space<hbm>>)
        %add3A_1214 = arith.constant 2 : i32
        %add3A_1215 = arith.addi %mul3A_431, %add3A_1214 : i32
        %mul3A_1216 = arith.constant 8 : i32
        %mul3A_1217 = arith.muli %add3A_1215, %mul3A_1216 : i32
        %add3A_1218 = arith.addi %mul3A_2, %mul3A_1217 : i32
        %dma_wait3A_1219 = arith.constant 0 : i32
        %dma_wait3A_1220 = tpu.memref_slice %arg3[%add3A_1218, %dma_wait3A_1219] : memref<4096x50xi32, #tpu.memory_space<hbm>> -> memref<8x50xi32, #tpu.memory_space<hbm>>
        %dma_wait3A_1221 = arith.constant 0 : i32
        %dma_wait3A_1222 = tpu.memref_slice %arg3[%add3A_1218, %dma_wait3A_1221] : memref<4096x50xi32, #tpu.memory_space<hbm>> -> memref<8x50xi32, #tpu.memory_space<hbm>>
        tpu.wait_dma2 semaphore(%arg9 : memref<!tpu.dma_semaphore, #tpu.memory_space<semaphore_mem>>) src(%dma_wait3A_1222 : memref<8x50xi32, #tpu.memory_space<hbm>>) dst(%arg5 : memref<8x50xi32, #tpu.memory_space<vmem>>)
        %dma_start3A_1223 = arith.constant 0 : i32
        %dma_start3A_1224 = arith.constant 0 : i32
        %dma_start3A_1225 = arith.constant 0 : i32
        %dma_start3A_1226 = arith.constant 0 : i32
        %dma_start3A_1227 = tpu.memref_slice %arg7[%dma_start3A_1224, %dma_start3A_1225, %dma_start3A_1226] : memref<8x50x128xf32, #tpu.memory_space<vmem>> -> memref<1x50x128xf32, #tpu.memory_space<vmem>>
        %dma_start3A_1228 = tpu.memref_squeeze %dma_start3A_1227 : memref<1x50x128xf32, #tpu.memory_space<vmem>> -> memref<50x128xf32, #tpu.memory_space<vmem>>
        %dma_start3A_1229 = arith.constant 0 : i32
        %dma_start3A_1230 = tpu.memref_slice %arg5[%dma_start3A_1223, %dma_start3A_1229] : memref<8x50xi32, #tpu.memory_space<vmem>> -> memref<1x50xi32, #tpu.memory_space<vmem>>
        %dma_start3A_1231 = tpu.memref_squeeze %dma_start3A_1230 : memref<1x50xi32, #tpu.memory_space<vmem>> -> memref<50xi32, #tpu.memory_space<vmem>>
        %dma_start3A_1232 = arith.constant 0 : i32
        %dma_start3A_1233 = arith.constant 0 : i32
        %dma_start3A_1234 = tpu.memref_slice %arg2[%dma_start3A_1232, %dma_start3A_1233] : memref<100001x128xf32, #tpu.memory_space<hbm>> -> memref<100001x128xf32, #tpu.memory_space<hbm>>
        tpu.enqueue_indirect_dma source(%dma_start3A_1234 : memref<100001x128xf32, #tpu.memory_space<hbm>>) target(%dma_start3A_1228 : memref<50x128xf32, #tpu.memory_space<vmem>>) offsets(%dma_start3A_1231 : memref<50xi32, #tpu.memory_space<vmem>>) semaphore(%arg10 : memref<!tpu.dma_semaphore, #tpu.memory_space<semaphore_mem>>)
        %dma_start3A_1235 = arith.constant 1 : i32
        %dma_start3A_1236 = arith.constant 1 : i32
        %dma_start3A_1237 = arith.constant 0 : i32
        %dma_start3A_1238 = arith.constant 0 : i32
        %dma_start3A_1239 = tpu.memref_slice %arg7[%dma_start3A_1236, %dma_start3A_1237, %dma_start3A_1238] : memref<8x50x128xf32, #tpu.memory_space<vmem>> -> memref<1x50x128xf32, #tpu.memory_space<vmem>>
        %dma_start3A_1240 = tpu.memref_squeeze %dma_start3A_1239 : memref<1x50x128xf32, #tpu.memory_space<vmem>> -> memref<50x128xf32, #tpu.memory_space<vmem>>
        %dma_start3A_1241 = arith.constant 0 : i32
        %dma_start3A_1242 = tpu.memref_slice %arg5[%dma_start3A_1235, %dma_start3A_1241] : memref<8x50xi32, #tpu.memory_space<vmem>> -> memref<1x50xi32, #tpu.memory_space<vmem>>
        %dma_start3A_1243 = tpu.memref_squeeze %dma_start3A_1242 : memref<1x50xi32, #tpu.memory_space<vmem>> -> memref<50xi32, #tpu.memory_space<vmem>>
        %dma_start3A_1244 = arith.constant 0 : i32
        %dma_start3A_1245 = arith.constant 0 : i32
        %dma_start3A_1246 = tpu.memref_slice %arg2[%dma_start3A_1244, %dma_start3A_1245] : memref<100001x128xf32, #tpu.memory_space<hbm>> -> memref<100001x128xf32, #tpu.memory_space<hbm>>
        tpu.enqueue_indirect_dma source(%dma_start3A_1246 : memref<100001x128xf32, #tpu.memory_space<hbm>>) target(%dma_start3A_1240 : memref<50x128xf32, #tpu.memory_space<vmem>>) offsets(%dma_start3A_1243 : memref<50xi32, #tpu.memory_space<vmem>>) semaphore(%arg10 : memref<!tpu.dma_semaphore, #tpu.memory_space<semaphore_mem>>)
        %dma_start3A_1247 = arith.constant 2 : i32
        %dma_start3A_1248 = arith.constant 2 : i32
        %dma_start3A_1249 = arith.constant 0 : i32
        %dma_start3A_1250 = arith.constant 0 : i32
        %dma_start3A_1251 = tpu.memref_slice %arg7[%dma_start3A_1248, %dma_start3A_1249, %dma_start3A_1250] : memref<8x50x128xf32, #tpu.memory_space<vmem>> -> memref<1x50x128xf32, #tpu.memory_space<vmem>>
        %dma_start3A_1252 = tpu.memref_squeeze %dma_start3A_1251 : memref<1x50x128xf32, #tpu.memory_space<vmem>> -> memref<50x128xf32, #tpu.memory_space<vmem>>
        %dma_start3A_1253 = arith.constant 0 : i32
        %dma_start3A_1254 = tpu.memref_slice %arg5[%dma_start3A_1247, %dma_start3A_1253] : memref<8x50xi32, #tpu.memory_space<vmem>> -> memref<1x50xi32, #tpu.memory_space<vmem>>
        %dma_start3A_1255 = tpu.memref_squeeze %dma_start3A_1254 : memref<1x50xi32, #tpu.memory_space<vmem>> -> memref<50xi32, #tpu.memory_space<vmem>>
        %dma_start3A_1256 = arith.constant 0 : i32
        %dma_start3A_1257 = arith.constant 0 : i32
        %dma_start3A_1258 = tpu.memref_slice %arg2[%dma_start3A_1256, %dma_start3A_1257] : memref<100001x128xf32, #tpu.memory_space<hbm>> -> memref<100001x128xf32, #tpu.memory_space<hbm>>
        tpu.enqueue_indirect_dma source(%dma_start3A_1258 : memref<100001x128xf32, #tpu.memory_space<hbm>>) target(%dma_start3A_1252 : memref<50x128xf32, #tpu.memory_space<vmem>>) offsets(%dma_start3A_1255 : memref<50xi32, #tpu.memory_space<vmem>>) semaphore(%arg10 : memref<!tpu.dma_semaphore, #tpu.memory_space<semaphore_mem>>)
        %dma_start3A_1259 = arith.constant 3 : i32
        %dma_start3A_1260 = arith.constant 3 : i32
        %dma_start3A_1261 = arith.constant 0 : i32
        %dma_start3A_1262 = arith.constant 0 : i32
        %dma_start3A_1263 = tpu.memref_slice %arg7[%dma_start3A_1260, %dma_start3A_1261, %dma_start3A_1262] : memref<8x50x128xf32, #tpu.memory_space<vmem>> -> memref<1x50x128xf32, #tpu.memory_space<vmem>>
        %dma_start3A_1264 = tpu.memref_squeeze %dma_start3A_1263 : memref<1x50x128xf32, #tpu.memory_space<vmem>> -> memref<50x128xf32, #tpu.memory_space<vmem>>
        %dma_start3A_1265 = arith.constant 0 : i32
        %dma_start3A_1266 = tpu.memref_slice %arg5[%dma_start3A_1259, %dma_start3A_1265] : memref<8x50xi32, #tpu.memory_space<vmem>> -> memref<1x50xi32, #tpu.memory_space<vmem>>
        %dma_start3A_1267 = tpu.memref_squeeze %dma_start3A_1266 : memref<1x50xi32, #tpu.memory_space<vmem>> -> memref<50xi32, #tpu.memory_space<vmem>>
        %dma_start3A_1268 = arith.constant 0 : i32
        %dma_start3A_1269 = arith.constant 0 : i32
        %dma_start3A_1270 = tpu.memref_slice %arg2[%dma_start3A_1268, %dma_start3A_1269] : memref<100001x128xf32, #tpu.memory_space<hbm>> -> memref<100001x128xf32, #tpu.memory_space<hbm>>
        tpu.enqueue_indirect_dma source(%dma_start3A_1270 : memref<100001x128xf32, #tpu.memory_space<hbm>>) target(%dma_start3A_1264 : memref<50x128xf32, #tpu.memory_space<vmem>>) offsets(%dma_start3A_1267 : memref<50xi32, #tpu.memory_space<vmem>>) semaphore(%arg10 : memref<!tpu.dma_semaphore, #tpu.memory_space<semaphore_mem>>)
        %dma_start3A_1271 = arith.constant 4 : i32
        %dma_start3A_1272 = arith.constant 4 : i32
        %dma_start3A_1273 = arith.constant 0 : i32
        %dma_start3A_1274 = arith.constant 0 : i32
        %dma_start3A_1275 = tpu.memref_slice %arg7[%dma_start3A_1272, %dma_start3A_1273, %dma_start3A_1274] : memref<8x50x128xf32, #tpu.memory_space<vmem>> -> memref<1x50x128xf32, #tpu.memory_space<vmem>>
        %dma_start3A_1276 = tpu.memref_squeeze %dma_start3A_1275 : memref<1x50x128xf32, #tpu.memory_space<vmem>> -> memref<50x128xf32, #tpu.memory_space<vmem>>
        %dma_start3A_1277 = arith.constant 0 : i32
        %dma_start3A_1278 = tpu.memref_slice %arg5[%dma_start3A_1271, %dma_start3A_1277] : memref<8x50xi32, #tpu.memory_space<vmem>> -> memref<1x50xi32, #tpu.memory_space<vmem>>
        %dma_start3A_1279 = tpu.memref_squeeze %dma_start3A_1278 : memref<1x50xi32, #tpu.memory_space<vmem>> -> memref<50xi32, #tpu.memory_space<vmem>>
        %dma_start3A_1280 = arith.constant 0 : i32
        %dma_start3A_1281 = arith.constant 0 : i32
        %dma_start3A_1282 = tpu.memref_slice %arg2[%dma_start3A_1280, %dma_start3A_1281] : memref<100001x128xf32, #tpu.memory_space<hbm>> -> memref<100001x128xf32, #tpu.memory_space<hbm>>
        tpu.enqueue_indirect_dma source(%dma_start3A_1282 : memref<100001x128xf32, #tpu.memory_space<hbm>>) target(%dma_start3A_1276 : memref<50x128xf32, #tpu.memory_space<vmem>>) offsets(%dma_start3A_1279 : memref<50xi32, #tpu.memory_space<vmem>>) semaphore(%arg10 : memref<!tpu.dma_semaphore, #tpu.memory_space<semaphore_mem>>)
        %dma_start3A_1283 = arith.constant 5 : i32
        %dma_start3A_1284 = arith.constant 5 : i32
        %dma_start3A_1285 = arith.constant 0 : i32
        %dma_start3A_1286 = arith.constant 0 : i32
        %dma_start3A_1287 = tpu.memref_slice %arg7[%dma_start3A_1284, %dma_start3A_1285, %dma_start3A_1286] : memref<8x50x128xf32, #tpu.memory_space<vmem>> -> memref<1x50x128xf32, #tpu.memory_space<vmem>>
        %dma_start3A_1288 = tpu.memref_squeeze %dma_start3A_1287 : memref<1x50x128xf32, #tpu.memory_space<vmem>> -> memref<50x128xf32, #tpu.memory_space<vmem>>
        %dma_start3A_1289 = arith.constant 0 : i32
        %dma_start3A_1290 = tpu.memref_slice %arg5[%dma_start3A_1283, %dma_start3A_1289] : memref<8x50xi32, #tpu.memory_space<vmem>> -> memref<1x50xi32, #tpu.memory_space<vmem>>
        %dma_start3A_1291 = tpu.memref_squeeze %dma_start3A_1290 : memref<1x50xi32, #tpu.memory_space<vmem>> -> memref<50xi32, #tpu.memory_space<vmem>>
        %dma_start3A_1292 = arith.constant 0 : i32
        %dma_start3A_1293 = arith.constant 0 : i32
        %dma_start3A_1294 = tpu.memref_slice %arg2[%dma_start3A_1292, %dma_start3A_1293] : memref<100001x128xf32, #tpu.memory_space<hbm>> -> memref<100001x128xf32, #tpu.memory_space<hbm>>
        tpu.enqueue_indirect_dma source(%dma_start3A_1294 : memref<100001x128xf32, #tpu.memory_space<hbm>>) target(%dma_start3A_1288 : memref<50x128xf32, #tpu.memory_space<vmem>>) offsets(%dma_start3A_1291 : memref<50xi32, #tpu.memory_space<vmem>>) semaphore(%arg10 : memref<!tpu.dma_semaphore, #tpu.memory_space<semaphore_mem>>)
        %dma_start3A_1295 = arith.constant 6 : i32
        %dma_start3A_1296 = arith.constant 6 : i32
        %dma_start3A_1297 = arith.constant 0 : i32
        %dma_start3A_1298 = arith.constant 0 : i32
        %dma_start3A_1299 = tpu.memref_slice %arg7[%dma_start3A_1296, %dma_start3A_1297, %dma_start3A_1298] : memref<8x50x128xf32, #tpu.memory_space<vmem>> -> memref<1x50x128xf32, #tpu.memory_space<vmem>>
        %dma_start3A_1300 = tpu.memref_squeeze %dma_start3A_1299 : memref<1x50x128xf32, #tpu.memory_space<vmem>> -> memref<50x128xf32, #tpu.memory_space<vmem>>
        %dma_start3A_1301 = arith.constant 0 : i32
        %dma_start3A_1302 = tpu.memref_slice %arg5[%dma_start3A_1295, %dma_start3A_1301] : memref<8x50xi32, #tpu.memory_space<vmem>> -> memref<1x50xi32, #tpu.memory_space<vmem>>
        %dma_start3A_1303 = tpu.memref_squeeze %dma_start3A_1302 : memref<1x50xi32, #tpu.memory_space<vmem>> -> memref<50xi32, #tpu.memory_space<vmem>>
        %dma_start3A_1304 = arith.constant 0 : i32
        %dma_start3A_1305 = arith.constant 0 : i32
        %dma_start3A_1306 = tpu.memref_slice %arg2[%dma_start3A_1304, %dma_start3A_1305] : memref<100001x128xf32, #tpu.memory_space<hbm>> -> memref<100001x128xf32, #tpu.memory_space<hbm>>
        tpu.enqueue_indirect_dma source(%dma_start3A_1306 : memref<100001x128xf32, #tpu.memory_space<hbm>>) target(%dma_start3A_1300 : memref<50x128xf32, #tpu.memory_space<vmem>>) offsets(%dma_start3A_1303 : memref<50xi32, #tpu.memory_space<vmem>>) semaphore(%arg10 : memref<!tpu.dma_semaphore, #tpu.memory_space<semaphore_mem>>)
        %dma_start3A_1307 = arith.constant 7 : i32
        %dma_start3A_1308 = arith.constant 7 : i32
        %dma_start3A_1309 = arith.constant 0 : i32
        %dma_start3A_1310 = arith.constant 0 : i32
        %dma_start3A_1311 = tpu.memref_slice %arg7[%dma_start3A_1308, %dma_start3A_1309, %dma_start3A_1310] : memref<8x50x128xf32, #tpu.memory_space<vmem>> -> memref<1x50x128xf32, #tpu.memory_space<vmem>>
        %dma_start3A_1312 = tpu.memref_squeeze %dma_start3A_1311 : memref<1x50x128xf32, #tpu.memory_space<vmem>> -> memref<50x128xf32, #tpu.memory_space<vmem>>
        %dma_start3A_1313 = arith.constant 0 : i32
        %dma_start3A_1314 = tpu.memref_slice %arg5[%dma_start3A_1307, %dma_start3A_1313] : memref<8x50xi32, #tpu.memory_space<vmem>> -> memref<1x50xi32, #tpu.memory_space<vmem>>
        %dma_start3A_1315 = tpu.memref_squeeze %dma_start3A_1314 : memref<1x50xi32, #tpu.memory_space<vmem>> -> memref<50xi32, #tpu.memory_space<vmem>>
        %dma_start3A_1316 = arith.constant 0 : i32
        %dma_start3A_1317 = arith.constant 0 : i32
        %dma_start3A_1318 = tpu.memref_slice %arg2[%dma_start3A_1316, %dma_start3A_1317] : memref<100001x128xf32, #tpu.memory_space<hbm>> -> memref<100001x128xf32, #tpu.memory_space<hbm>>
        tpu.enqueue_indirect_dma source(%dma_start3A_1318 : memref<100001x128xf32, #tpu.memory_space<hbm>>) target(%dma_start3A_1312 : memref<50x128xf32, #tpu.memory_space<vmem>>) offsets(%dma_start3A_1315 : memref<50xi32, #tpu.memory_space<vmem>>) semaphore(%arg10 : memref<!tpu.dma_semaphore, #tpu.memory_space<semaphore_mem>>)
      } else {
      }
      %dma_wait3A_794 = arith.constant 0 : i32
      %dma_wait3A_795 = arith.constant 0 : i32
      %dma_wait3A_796 = arith.constant 0 : i32
      %dma_wait3A_797 = arith.constant 0 : i32
      %dma_wait3A_798 = tpu.memref_slice %arg8[%dma_wait3A_795, %dma_wait3A_796, %dma_wait3A_797] : memref<8x50x128xf32, #tpu.memory_space<vmem>> -> memref<1x50x128xf32, #tpu.memory_space<vmem>>
      %dma_wait3A_799 = tpu.memref_squeeze %dma_wait3A_798 : memref<1x50x128xf32, #tpu.memory_space<vmem>> -> memref<50x128xf32, #tpu.memory_space<vmem>>
      %dma_wait3A_800 = arith.constant 0 : i32
      %dma_wait3A_801 = tpu.memref_slice %arg6[%dma_wait3A_794, %dma_wait3A_800] : memref<8x50xi32, #tpu.memory_space<vmem>> -> memref<1x50xi32, #tpu.memory_space<vmem>>
      %dma_wait3A_802 = tpu.memref_squeeze %dma_wait3A_801 : memref<1x50xi32, #tpu.memory_space<vmem>> -> memref<50xi32, #tpu.memory_space<vmem>>
      %dma_wait3A_803 = arith.constant 0 : i32
      %dma_wait3A_804 = arith.constant 0 : i32
      %dma_wait3A_805 = tpu.memref_slice %arg2[%dma_wait3A_803, %dma_wait3A_804] : memref<100001x128xf32, #tpu.memory_space<hbm>> -> memref<100001x128xf32, #tpu.memory_space<hbm>>
      tpu.wait_indirect_dma semaphore(%arg10 : memref<!tpu.dma_semaphore, #tpu.memory_space<semaphore_mem>>) src(%dma_wait3A_805 : memref<100001x128xf32, #tpu.memory_space<hbm>>) dst(%dma_wait3A_799 : memref<50x128xf32, #tpu.memory_space<vmem>>)
      %dma_wait3A_806 = arith.constant 1 : i32
      %dma_wait3A_807 = arith.constant 1 : i32
      %dma_wait3A_808 = arith.constant 0 : i32
      %dma_wait3A_809 = arith.constant 0 : i32
      %dma_wait3A_810 = tpu.memref_slice %arg8[%dma_wait3A_807, %dma_wait3A_808, %dma_wait3A_809] : memref<8x50x128xf32, #tpu.memory_space<vmem>> -> memref<1x50x128xf32, #tpu.memory_space<vmem>>
      %dma_wait3A_811 = tpu.memref_squeeze %dma_wait3A_810 : memref<1x50x128xf32, #tpu.memory_space<vmem>> -> memref<50x128xf32, #tpu.memory_space<vmem>>
      %dma_wait3A_812 = arith.constant 0 : i32
      %dma_wait3A_813 = tpu.memref_slice %arg6[%dma_wait3A_806, %dma_wait3A_812] : memref<8x50xi32, #tpu.memory_space<vmem>> -> memref<1x50xi32, #tpu.memory_space<vmem>>
      %dma_wait3A_814 = tpu.memref_squeeze %dma_wait3A_813 : memref<1x50xi32, #tpu.memory_space<vmem>> -> memref<50xi32, #tpu.memory_space<vmem>>
      %dma_wait3A_815 = arith.constant 0 : i32
      %dma_wait3A_816 = arith.constant 0 : i32
      %dma_wait3A_817 = tpu.memref_slice %arg2[%dma_wait3A_815, %dma_wait3A_816] : memref<100001x128xf32, #tpu.memory_space<hbm>> -> memref<100001x128xf32, #tpu.memory_space<hbm>>
      tpu.wait_indirect_dma semaphore(%arg10 : memref<!tpu.dma_semaphore, #tpu.memory_space<semaphore_mem>>) src(%dma_wait3A_817 : memref<100001x128xf32, #tpu.memory_space<hbm>>) dst(%dma_wait3A_811 : memref<50x128xf32, #tpu.memory_space<vmem>>)
      %dma_wait3A_818 = arith.constant 2 : i32
      %dma_wait3A_819 = arith.constant 2 : i32
      %dma_wait3A_820 = arith.constant 0 : i32
      %dma_wait3A_821 = arith.constant 0 : i32
      %dma_wait3A_822 = tpu.memref_slice %arg8[%dma_wait3A_819, %dma_wait3A_820, %dma_wait3A_821] : memref<8x50x128xf32, #tpu.memory_space<vmem>> -> memref<1x50x128xf32, #tpu.memory_space<vmem>>
      %dma_wait3A_823 = tpu.memref_squeeze %dma_wait3A_822 : memref<1x50x128xf32, #tpu.memory_space<vmem>> -> memref<50x128xf32, #tpu.memory_space<vmem>>
      %dma_wait3A_824 = arith.constant 0 : i32
      %dma_wait3A_825 = tpu.memref_slice %arg6[%dma_wait3A_818, %dma_wait3A_824] : memref<8x50xi32, #tpu.memory_space<vmem>> -> memref<1x50xi32, #tpu.memory_space<vmem>>
      %dma_wait3A_826 = tpu.memref_squeeze %dma_wait3A_825 : memref<1x50xi32, #tpu.memory_space<vmem>> -> memref<50xi32, #tpu.memory_space<vmem>>
      %dma_wait3A_827 = arith.constant 0 : i32
      %dma_wait3A_828 = arith.constant 0 : i32
      %dma_wait3A_829 = tpu.memref_slice %arg2[%dma_wait3A_827, %dma_wait3A_828] : memref<100001x128xf32, #tpu.memory_space<hbm>> -> memref<100001x128xf32, #tpu.memory_space<hbm>>
      tpu.wait_indirect_dma semaphore(%arg10 : memref<!tpu.dma_semaphore, #tpu.memory_space<semaphore_mem>>) src(%dma_wait3A_829 : memref<100001x128xf32, #tpu.memory_space<hbm>>) dst(%dma_wait3A_823 : memref<50x128xf32, #tpu.memory_space<vmem>>)
      %dma_wait3A_830 = arith.constant 3 : i32
      %dma_wait3A_831 = arith.constant 3 : i32
      %dma_wait3A_832 = arith.constant 0 : i32
      %dma_wait3A_833 = arith.constant 0 : i32
      %dma_wait3A_834 = tpu.memref_slice %arg8[%dma_wait3A_831, %dma_wait3A_832, %dma_wait3A_833] : memref<8x50x128xf32, #tpu.memory_space<vmem>> -> memref<1x50x128xf32, #tpu.memory_space<vmem>>
      %dma_wait3A_835 = tpu.memref_squeeze %dma_wait3A_834 : memref<1x50x128xf32, #tpu.memory_space<vmem>> -> memref<50x128xf32, #tpu.memory_space<vmem>>
      %dma_wait3A_836 = arith.constant 0 : i32
      %dma_wait3A_837 = tpu.memref_slice %arg6[%dma_wait3A_830, %dma_wait3A_836] : memref<8x50xi32, #tpu.memory_space<vmem>> -> memref<1x50xi32, #tpu.memory_space<vmem>>
      %dma_wait3A_838 = tpu.memref_squeeze %dma_wait3A_837 : memref<1x50xi32, #tpu.memory_space<vmem>> -> memref<50xi32, #tpu.memory_space<vmem>>
      %dma_wait3A_839 = arith.constant 0 : i32
      %dma_wait3A_840 = arith.constant 0 : i32
      %dma_wait3A_841 = tpu.memref_slice %arg2[%dma_wait3A_839, %dma_wait3A_840] : memref<100001x128xf32, #tpu.memory_space<hbm>> -> memref<100001x128xf32, #tpu.memory_space<hbm>>
      tpu.wait_indirect_dma semaphore(%arg10 : memref<!tpu.dma_semaphore, #tpu.memory_space<semaphore_mem>>) src(%dma_wait3A_841 : memref<100001x128xf32, #tpu.memory_space<hbm>>) dst(%dma_wait3A_835 : memref<50x128xf32, #tpu.memory_space<vmem>>)
      %dma_wait3A_842 = arith.constant 4 : i32
      %dma_wait3A_843 = arith.constant 4 : i32
      %dma_wait3A_844 = arith.constant 0 : i32
      %dma_wait3A_845 = arith.constant 0 : i32
      %dma_wait3A_846 = tpu.memref_slice %arg8[%dma_wait3A_843, %dma_wait3A_844, %dma_wait3A_845] : memref<8x50x128xf32, #tpu.memory_space<vmem>> -> memref<1x50x128xf32, #tpu.memory_space<vmem>>
      %dma_wait3A_847 = tpu.memref_squeeze %dma_wait3A_846 : memref<1x50x128xf32, #tpu.memory_space<vmem>> -> memref<50x128xf32, #tpu.memory_space<vmem>>
      %dma_wait3A_848 = arith.constant 0 : i32
      %dma_wait3A_849 = tpu.memref_slice %arg6[%dma_wait3A_842, %dma_wait3A_848] : memref<8x50xi32, #tpu.memory_space<vmem>> -> memref<1x50xi32, #tpu.memory_space<vmem>>
      %dma_wait3A_850 = tpu.memref_squeeze %dma_wait3A_849 : memref<1x50xi32, #tpu.memory_space<vmem>> -> memref<50xi32, #tpu.memory_space<vmem>>
      %dma_wait3A_851 = arith.constant 0 : i32
      %dma_wait3A_852 = arith.constant 0 : i32
      %dma_wait3A_853 = tpu.memref_slice %arg2[%dma_wait3A_851, %dma_wait3A_852] : memref<100001x128xf32, #tpu.memory_space<hbm>> -> memref<100001x128xf32, #tpu.memory_space<hbm>>
      tpu.wait_indirect_dma semaphore(%arg10 : memref<!tpu.dma_semaphore, #tpu.memory_space<semaphore_mem>>) src(%dma_wait3A_853 : memref<100001x128xf32, #tpu.memory_space<hbm>>) dst(%dma_wait3A_847 : memref<50x128xf32, #tpu.memory_space<vmem>>)
      %dma_wait3A_854 = arith.constant 5 : i32
      %dma_wait3A_855 = arith.constant 5 : i32
      %dma_wait3A_856 = arith.constant 0 : i32
      %dma_wait3A_857 = arith.constant 0 : i32
      %dma_wait3A_858 = tpu.memref_slice %arg8[%dma_wait3A_855, %dma_wait3A_856, %dma_wait3A_857] : memref<8x50x128xf32, #tpu.memory_space<vmem>> -> memref<1x50x128xf32, #tpu.memory_space<vmem>>
      %dma_wait3A_859 = tpu.memref_squeeze %dma_wait3A_858 : memref<1x50x128xf32, #tpu.memory_space<vmem>> -> memref<50x128xf32, #tpu.memory_space<vmem>>
      %dma_wait3A_860 = arith.constant 0 : i32
      %dma_wait3A_861 = tpu.memref_slice %arg6[%dma_wait3A_854, %dma_wait3A_860] : memref<8x50xi32, #tpu.memory_space<vmem>> -> memref<1x50xi32, #tpu.memory_space<vmem>>
      %dma_wait3A_862 = tpu.memref_squeeze %dma_wait3A_861 : memref<1x50xi32, #tpu.memory_space<vmem>> -> memref<50xi32, #tpu.memory_space<vmem>>
      %dma_wait3A_863 = arith.constant 0 : i32
      %dma_wait3A_864 = arith.constant 0 : i32
      %dma_wait3A_865 = tpu.memref_slice %arg2[%dma_wait3A_863, %dma_wait3A_864] : memref<100001x128xf32, #tpu.memory_space<hbm>> -> memref<100001x128xf32, #tpu.memory_space<hbm>>
      tpu.wait_indirect_dma semaphore(%arg10 : memref<!tpu.dma_semaphore, #tpu.memory_space<semaphore_mem>>) src(%dma_wait3A_865 : memref<100001x128xf32, #tpu.memory_space<hbm>>) dst(%dma_wait3A_859 : memref<50x128xf32, #tpu.memory_space<vmem>>)
      %dma_wait3A_866 = arith.constant 6 : i32
      %dma_wait3A_867 = arith.constant 6 : i32
      %dma_wait3A_868 = arith.constant 0 : i32
      %dma_wait3A_869 = arith.constant 0 : i32
      %dma_wait3A_870 = tpu.memref_slice %arg8[%dma_wait3A_867, %dma_wait3A_868, %dma_wait3A_869] : memref<8x50x128xf32, #tpu.memory_space<vmem>> -> memref<1x50x128xf32, #tpu.memory_space<vmem>>
      %dma_wait3A_871 = tpu.memref_squeeze %dma_wait3A_870 : memref<1x50x128xf32, #tpu.memory_space<vmem>> -> memref<50x128xf32, #tpu.memory_space<vmem>>
      %dma_wait3A_872 = arith.constant 0 : i32
      %dma_wait3A_873 = tpu.memref_slice %arg6[%dma_wait3A_866, %dma_wait3A_872] : memref<8x50xi32, #tpu.memory_space<vmem>> -> memref<1x50xi32, #tpu.memory_space<vmem>>
      %dma_wait3A_874 = tpu.memref_squeeze %dma_wait3A_873 : memref<1x50xi32, #tpu.memory_space<vmem>> -> memref<50xi32, #tpu.memory_space<vmem>>
      %dma_wait3A_875 = arith.constant 0 : i32
      %dma_wait3A_876 = arith.constant 0 : i32
      %dma_wait3A_877 = tpu.memref_slice %arg2[%dma_wait3A_875, %dma_wait3A_876] : memref<100001x128xf32, #tpu.memory_space<hbm>> -> memref<100001x128xf32, #tpu.memory_space<hbm>>
      tpu.wait_indirect_dma semaphore(%arg10 : memref<!tpu.dma_semaphore, #tpu.memory_space<semaphore_mem>>) src(%dma_wait3A_877 : memref<100001x128xf32, #tpu.memory_space<hbm>>) dst(%dma_wait3A_871 : memref<50x128xf32, #tpu.memory_space<vmem>>)
      %dma_wait3A_878 = arith.constant 7 : i32
      %dma_wait3A_879 = arith.constant 7 : i32
      %dma_wait3A_880 = arith.constant 0 : i32
      %dma_wait3A_881 = arith.constant 0 : i32
      %dma_wait3A_882 = tpu.memref_slice %arg8[%dma_wait3A_879, %dma_wait3A_880, %dma_wait3A_881] : memref<8x50x128xf32, #tpu.memory_space<vmem>> -> memref<1x50x128xf32, #tpu.memory_space<vmem>>
      %dma_wait3A_883 = tpu.memref_squeeze %dma_wait3A_882 : memref<1x50x128xf32, #tpu.memory_space<vmem>> -> memref<50x128xf32, #tpu.memory_space<vmem>>
      %dma_wait3A_884 = arith.constant 0 : i32
      %dma_wait3A_885 = tpu.memref_slice %arg6[%dma_wait3A_878, %dma_wait3A_884] : memref<8x50xi32, #tpu.memory_space<vmem>> -> memref<1x50xi32, #tpu.memory_space<vmem>>
      %dma_wait3A_886 = tpu.memref_squeeze %dma_wait3A_885 : memref<1x50xi32, #tpu.memory_space<vmem>> -> memref<50xi32, #tpu.memory_space<vmem>>
      %dma_wait3A_887 = arith.constant 0 : i32
      %dma_wait3A_888 = arith.constant 0 : i32
      %dma_wait3A_889 = tpu.memref_slice %arg2[%dma_wait3A_887, %dma_wait3A_888] : memref<100001x128xf32, #tpu.memory_space<hbm>> -> memref<100001x128xf32, #tpu.memory_space<hbm>>
      tpu.wait_indirect_dma semaphore(%arg10 : memref<!tpu.dma_semaphore, #tpu.memory_space<semaphore_mem>>) src(%dma_wait3A_889 : memref<100001x128xf32, #tpu.memory_space<hbm>>) dst(%dma_wait3A_883 : memref<50x128xf32, #tpu.memory_space<vmem>>)
      %mul3A_890 = arith.constant 8 : i32
      %mul3A_891 = arith.muli %add3A_433, %mul3A_890 : i32
      %add3A_892 = arith.addi %mul3A_2, %mul3A_891 : i32
      %add3A_893 = arith.constant 0 : i32
      %add3A_894 = arith.addi %add3A_892, %add3A_893 : i32
      %dma_start3A_895 = arith.constant 0 : i32
      %dma_start3A_896 = arith.constant 0 : i32
      %dma_start3A_897 = arith.constant 0 : i32
      %dma_start3A_898 = tpu.memref_slice %arg8[%dma_start3A_895, %dma_start3A_896, %dma_start3A_897] : memref<8x50x128xf32, #tpu.memory_space<vmem>> -> memref<1x50x128xf32, #tpu.memory_space<vmem>>
      %dma_start3A_899 = tpu.memref_squeeze %dma_start3A_898 : memref<1x50x128xf32, #tpu.memory_space<vmem>> -> memref<50x128xf32, #tpu.memory_space<vmem>>
      %dma_start3A_900 = arith.constant 0 : i32
      %dma_start3A_901 = arith.constant 0 : i32
      %dma_start3A_902 = tpu.memref_slice %arg4[%add3A_894, %dma_start3A_900, %dma_start3A_901] : memref<4096x50x128xf32, #tpu.memory_space<hbm>> -> memref<1x50x128xf32, #tpu.memory_space<hbm>>
      %dma_start3A_903 = tpu.memref_squeeze %dma_start3A_902 : memref<1x50x128xf32, #tpu.memory_space<hbm>> -> memref<50x128xf32, #tpu.memory_space<hbm>>
      %dma_start3A_904 = arith.constant 0 : i32
      %dma_start3A_905 = arith.constant 0 : i32
      %dma_start3A_906 = tpu.memref_slice %arg4[%add3A_894, %dma_start3A_904, %dma_start3A_905] : memref<4096x50x128xf32, #tpu.memory_space<hbm>> -> memref<1x50x128xf32, #tpu.memory_space<hbm>>
      %dma_start3A_907 = tpu.memref_squeeze %dma_start3A_906 : memref<1x50x128xf32, #tpu.memory_space<hbm>> -> memref<50x128xf32, #tpu.memory_space<hbm>>
      %dma_start3A_908 = arith.constant 0 : i32
      %dma_start3A_909 = arith.constant 0 : i32
      %dma_start3A_910 = tpu.memref_slice %arg8[%dma_start3A_895, %dma_start3A_908, %dma_start3A_909] : memref<8x50x128xf32, #tpu.memory_space<vmem>> -> memref<1x50x128xf32, #tpu.memory_space<vmem>>
      %dma_start3A_911 = tpu.memref_squeeze %dma_start3A_910 : memref<1x50x128xf32, #tpu.memory_space<vmem>> -> memref<50x128xf32, #tpu.memory_space<vmem>>
      tpu.enqueue_dma source(%dma_start3A_911 : memref<50x128xf32, #tpu.memory_space<vmem>>) target(%dma_start3A_907 : memref<50x128xf32, #tpu.memory_space<hbm>>) target_semaphore(%arg11 : memref<!tpu.dma_semaphore, #tpu.memory_space<semaphore_mem>>)
      %add3A_912 = arith.constant 1 : i32
      %add3A_913 = arith.addi %add3A_892, %add3A_912 : i32
      %dma_start3A_914 = arith.constant 1 : i32
      %dma_start3A_915 = arith.constant 0 : i32
      %dma_start3A_916 = arith.constant 0 : i32
      %dma_start3A_917 = tpu.memref_slice %arg8[%dma_start3A_914, %dma_start3A_915, %dma_start3A_916] : memref<8x50x128xf32, #tpu.memory_space<vmem>> -> memref<1x50x128xf32, #tpu.memory_space<vmem>>
      %dma_start3A_918 = tpu.memref_squeeze %dma_start3A_917 : memref<1x50x128xf32, #tpu.memory_space<vmem>> -> memref<50x128xf32, #tpu.memory_space<vmem>>
      %dma_start3A_919 = arith.constant 0 : i32
      %dma_start3A_920 = arith.constant 0 : i32
      %dma_start3A_921 = tpu.memref_slice %arg4[%add3A_913, %dma_start3A_919, %dma_start3A_920] : memref<4096x50x128xf32, #tpu.memory_space<hbm>> -> memref<1x50x128xf32, #tpu.memory_space<hbm>>
      %dma_start3A_922 = tpu.memref_squeeze %dma_start3A_921 : memref<1x50x128xf32, #tpu.memory_space<hbm>> -> memref<50x128xf32, #tpu.memory_space<hbm>>
      %dma_start3A_923 = arith.constant 0 : i32
      %dma_start3A_924 = arith.constant 0 : i32
      %dma_start3A_925 = tpu.memref_slice %arg4[%add3A_913, %dma_start3A_923, %dma_start3A_924] : memref<4096x50x128xf32, #tpu.memory_space<hbm>> -> memref<1x50x128xf32, #tpu.memory_space<hbm>>
      %dma_start3A_926 = tpu.memref_squeeze %dma_start3A_925 : memref<1x50x128xf32, #tpu.memory_space<hbm>> -> memref<50x128xf32, #tpu.memory_space<hbm>>
      %dma_start3A_927 = arith.constant 0 : i32
      %dma_start3A_928 = arith.constant 0 : i32
      %dma_start3A_929 = tpu.memref_slice %arg8[%dma_start3A_914, %dma_start3A_927, %dma_start3A_928] : memref<8x50x128xf32, #tpu.memory_space<vmem>> -> memref<1x50x128xf32, #tpu.memory_space<vmem>>
      %dma_start3A_930 = tpu.memref_squeeze %dma_start3A_929 : memref<1x50x128xf32, #tpu.memory_space<vmem>> -> memref<50x128xf32, #tpu.memory_space<vmem>>
      tpu.enqueue_dma source(%dma_start3A_930 : memref<50x128xf32, #tpu.memory_space<vmem>>) target(%dma_start3A_926 : memref<50x128xf32, #tpu.memory_space<hbm>>) target_semaphore(%arg11 : memref<!tpu.dma_semaphore, #tpu.memory_space<semaphore_mem>>)
      %add3A_931 = arith.constant 2 : i32
      %add3A_932 = arith.addi %add3A_892, %add3A_931 : i32
      %dma_start3A_933 = arith.constant 2 : i32
      %dma_start3A_934 = arith.constant 0 : i32
      %dma_start3A_935 = arith.constant 0 : i32
      %dma_start3A_936 = tpu.memref_slice %arg8[%dma_start3A_933, %dma_start3A_934, %dma_start3A_935] : memref<8x50x128xf32, #tpu.memory_space<vmem>> -> memref<1x50x128xf32, #tpu.memory_space<vmem>>
      %dma_start3A_937 = tpu.memref_squeeze %dma_start3A_936 : memref<1x50x128xf32, #tpu.memory_space<vmem>> -> memref<50x128xf32, #tpu.memory_space<vmem>>
      %dma_start3A_938 = arith.constant 0 : i32
      %dma_start3A_939 = arith.constant 0 : i32
      %dma_start3A_940 = tpu.memref_slice %arg4[%add3A_932, %dma_start3A_938, %dma_start3A_939] : memref<4096x50x128xf32, #tpu.memory_space<hbm>> -> memref<1x50x128xf32, #tpu.memory_space<hbm>>
      %dma_start3A_941 = tpu.memref_squeeze %dma_start3A_940 : memref<1x50x128xf32, #tpu.memory_space<hbm>> -> memref<50x128xf32, #tpu.memory_space<hbm>>
      %dma_start3A_942 = arith.constant 0 : i32
      %dma_start3A_943 = arith.constant 0 : i32
      %dma_start3A_944 = tpu.memref_slice %arg4[%add3A_932, %dma_start3A_942, %dma_start3A_943] : memref<4096x50x128xf32, #tpu.memory_space<hbm>> -> memref<1x50x128xf32, #tpu.memory_space<hbm>>
      %dma_start3A_945 = tpu.memref_squeeze %dma_start3A_944 : memref<1x50x128xf32, #tpu.memory_space<hbm>> -> memref<50x128xf32, #tpu.memory_space<hbm>>
      %dma_start3A_946 = arith.constant 0 : i32
      %dma_start3A_947 = arith.constant 0 : i32
      %dma_start3A_948 = tpu.memref_slice %arg8[%dma_start3A_933, %dma_start3A_946, %dma_start3A_947] : memref<8x50x128xf32, #tpu.memory_space<vmem>> -> memref<1x50x128xf32, #tpu.memory_space<vmem>>
      %dma_start3A_949 = tpu.memref_squeeze %dma_start3A_948 : memref<1x50x128xf32, #tpu.memory_space<vmem>> -> memref<50x128xf32, #tpu.memory_space<vmem>>
      tpu.enqueue_dma source(%dma_start3A_949 : memref<50x128xf32, #tpu.memory_space<vmem>>) target(%dma_start3A_945 : memref<50x128xf32, #tpu.memory_space<hbm>>) target_semaphore(%arg11 : memref<!tpu.dma_semaphore, #tpu.memory_space<semaphore_mem>>)
      %add3A_950 = arith.constant 3 : i32
      %add3A_951 = arith.addi %add3A_892, %add3A_950 : i32
      %dma_start3A_952 = arith.constant 3 : i32
      %dma_start3A_953 = arith.constant 0 : i32
      %dma_start3A_954 = arith.constant 0 : i32
      %dma_start3A_955 = tpu.memref_slice %arg8[%dma_start3A_952, %dma_start3A_953, %dma_start3A_954] : memref<8x50x128xf32, #tpu.memory_space<vmem>> -> memref<1x50x128xf32, #tpu.memory_space<vmem>>
      %dma_start3A_956 = tpu.memref_squeeze %dma_start3A_955 : memref<1x50x128xf32, #tpu.memory_space<vmem>> -> memref<50x128xf32, #tpu.memory_space<vmem>>
      %dma_start3A_957 = arith.constant 0 : i32
      %dma_start3A_958 = arith.constant 0 : i32
      %dma_start3A_959 = tpu.memref_slice %arg4[%add3A_951, %dma_start3A_957, %dma_start3A_958] : memref<4096x50x128xf32, #tpu.memory_space<hbm>> -> memref<1x50x128xf32, #tpu.memory_space<hbm>>
      %dma_start3A_960 = tpu.memref_squeeze %dma_start3A_959 : memref<1x50x128xf32, #tpu.memory_space<hbm>> -> memref<50x128xf32, #tpu.memory_space<hbm>>
      %dma_start3A_961 = arith.constant 0 : i32
      %dma_start3A_962 = arith.constant 0 : i32
      %dma_start3A_963 = tpu.memref_slice %arg4[%add3A_951, %dma_start3A_961, %dma_start3A_962] : memref<4096x50x128xf32, #tpu.memory_space<hbm>> -> memref<1x50x128xf32, #tpu.memory_space<hbm>>
      %dma_start3A_964 = tpu.memref_squeeze %dma_start3A_963 : memref<1x50x128xf32, #tpu.memory_space<hbm>> -> memref<50x128xf32, #tpu.memory_space<hbm>>
      %dma_start3A_965 = arith.constant 0 : i32
      %dma_start3A_966 = arith.constant 0 : i32
      %dma_start3A_967 = tpu.memref_slice %arg8[%dma_start3A_952, %dma_start3A_965, %dma_start3A_966] : memref<8x50x128xf32, #tpu.memory_space<vmem>> -> memref<1x50x128xf32, #tpu.memory_space<vmem>>
      %dma_start3A_968 = tpu.memref_squeeze %dma_start3A_967 : memref<1x50x128xf32, #tpu.memory_space<vmem>> -> memref<50x128xf32, #tpu.memory_space<vmem>>
      tpu.enqueue_dma source(%dma_start3A_968 : memref<50x128xf32, #tpu.memory_space<vmem>>) target(%dma_start3A_964 : memref<50x128xf32, #tpu.memory_space<hbm>>) target_semaphore(%arg11 : memref<!tpu.dma_semaphore, #tpu.memory_space<semaphore_mem>>)
      %add3A_969 = arith.constant 4 : i32
      %add3A_970 = arith.addi %add3A_892, %add3A_969 : i32
      %dma_start3A_971 = arith.constant 4 : i32
      %dma_start3A_972 = arith.constant 0 : i32
      %dma_start3A_973 = arith.constant 0 : i32
      %dma_start3A_974 = tpu.memref_slice %arg8[%dma_start3A_971, %dma_start3A_972, %dma_start3A_973] : memref<8x50x128xf32, #tpu.memory_space<vmem>> -> memref<1x50x128xf32, #tpu.memory_space<vmem>>
      %dma_start3A_975 = tpu.memref_squeeze %dma_start3A_974 : memref<1x50x128xf32, #tpu.memory_space<vmem>> -> memref<50x128xf32, #tpu.memory_space<vmem>>
      %dma_start3A_976 = arith.constant 0 : i32
      %dma_start3A_977 = arith.constant 0 : i32
      %dma_start3A_978 = tpu.memref_slice %arg4[%add3A_970, %dma_start3A_976, %dma_start3A_977] : memref<4096x50x128xf32, #tpu.memory_space<hbm>> -> memref<1x50x128xf32, #tpu.memory_space<hbm>>
      %dma_start3A_979 = tpu.memref_squeeze %dma_start3A_978 : memref<1x50x128xf32, #tpu.memory_space<hbm>> -> memref<50x128xf32, #tpu.memory_space<hbm>>
      %dma_start3A_980 = arith.constant 0 : i32
      %dma_start3A_981 = arith.constant 0 : i32
      %dma_start3A_982 = tpu.memref_slice %arg4[%add3A_970, %dma_start3A_980, %dma_start3A_981] : memref<4096x50x128xf32, #tpu.memory_space<hbm>> -> memref<1x50x128xf32, #tpu.memory_space<hbm>>
      %dma_start3A_983 = tpu.memref_squeeze %dma_start3A_982 : memref<1x50x128xf32, #tpu.memory_space<hbm>> -> memref<50x128xf32, #tpu.memory_space<hbm>>
      %dma_start3A_984 = arith.constant 0 : i32
      %dma_start3A_985 = arith.constant 0 : i32
      %dma_start3A_986 = tpu.memref_slice %arg8[%dma_start3A_971, %dma_start3A_984, %dma_start3A_985] : memref<8x50x128xf32, #tpu.memory_space<vmem>> -> memref<1x50x128xf32, #tpu.memory_space<vmem>>
      %dma_start3A_987 = tpu.memref_squeeze %dma_start3A_986 : memref<1x50x128xf32, #tpu.memory_space<vmem>> -> memref<50x128xf32, #tpu.memory_space<vmem>>
      tpu.enqueue_dma source(%dma_start3A_987 : memref<50x128xf32, #tpu.memory_space<vmem>>) target(%dma_start3A_983 : memref<50x128xf32, #tpu.memory_space<hbm>>) target_semaphore(%arg11 : memref<!tpu.dma_semaphore, #tpu.memory_space<semaphore_mem>>)
      %add3A_988 = arith.constant 5 : i32
      %add3A_989 = arith.addi %add3A_892, %add3A_988 : i32
      %dma_start3A_990 = arith.constant 5 : i32
      %dma_start3A_991 = arith.constant 0 : i32
      %dma_start3A_992 = arith.constant 0 : i32
      %dma_start3A_993 = tpu.memref_slice %arg8[%dma_start3A_990, %dma_start3A_991, %dma_start3A_992] : memref<8x50x128xf32, #tpu.memory_space<vmem>> -> memref<1x50x128xf32, #tpu.memory_space<vmem>>
      %dma_start3A_994 = tpu.memref_squeeze %dma_start3A_993 : memref<1x50x128xf32, #tpu.memory_space<vmem>> -> memref<50x128xf32, #tpu.memory_space<vmem>>
      %dma_start3A_995 = arith.constant 0 : i32
      %dma_start3A_996 = arith.constant 0 : i32
      %dma_start3A_997 = tpu.memref_slice %arg4[%add3A_989, %dma_start3A_995, %dma_start3A_996] : memref<4096x50x128xf32, #tpu.memory_space<hbm>> -> memref<1x50x128xf32, #tpu.memory_space<hbm>>
      %dma_start3A_998 = tpu.memref_squeeze %dma_start3A_997 : memref<1x50x128xf32, #tpu.memory_space<hbm>> -> memref<50x128xf32, #tpu.memory_space<hbm>>
      %dma_start3A_999 = arith.constant 0 : i32
      %dma_start3A_1000 = arith.constant 0 : i32
      %dma_start3A_1001 = tpu.memref_slice %arg4[%add3A_989, %dma_start3A_999, %dma_start3A_1000] : memref<4096x50x128xf32, #tpu.memory_space<hbm>> -> memref<1x50x128xf32, #tpu.memory_space<hbm>>
      %dma_start3A_1002 = tpu.memref_squeeze %dma_start3A_1001 : memref<1x50x128xf32, #tpu.memory_space<hbm>> -> memref<50x128xf32, #tpu.memory_space<hbm>>
      %dma_start3A_1003 = arith.constant 0 : i32
      %dma_start3A_1004 = arith.constant 0 : i32
      %dma_start3A_1005 = tpu.memref_slice %arg8[%dma_start3A_990, %dma_start3A_1003, %dma_start3A_1004] : memref<8x50x128xf32, #tpu.memory_space<vmem>> -> memref<1x50x128xf32, #tpu.memory_space<vmem>>
      %dma_start3A_1006 = tpu.memref_squeeze %dma_start3A_1005 : memref<1x50x128xf32, #tpu.memory_space<vmem>> -> memref<50x128xf32, #tpu.memory_space<vmem>>
      tpu.enqueue_dma source(%dma_start3A_1006 : memref<50x128xf32, #tpu.memory_space<vmem>>) target(%dma_start3A_1002 : memref<50x128xf32, #tpu.memory_space<hbm>>) target_semaphore(%arg11 : memref<!tpu.dma_semaphore, #tpu.memory_space<semaphore_mem>>)
      %add3A_1007 = arith.constant 6 : i32
      %add3A_1008 = arith.addi %add3A_892, %add3A_1007 : i32
      %dma_start3A_1009 = arith.constant 6 : i32
      %dma_start3A_1010 = arith.constant 0 : i32
      %dma_start3A_1011 = arith.constant 0 : i32
      %dma_start3A_1012 = tpu.memref_slice %arg8[%dma_start3A_1009, %dma_start3A_1010, %dma_start3A_1011] : memref<8x50x128xf32, #tpu.memory_space<vmem>> -> memref<1x50x128xf32, #tpu.memory_space<vmem>>
      %dma_start3A_1013 = tpu.memref_squeeze %dma_start3A_1012 : memref<1x50x128xf32, #tpu.memory_space<vmem>> -> memref<50x128xf32, #tpu.memory_space<vmem>>
      %dma_start3A_1014 = arith.constant 0 : i32
      %dma_start3A_1015 = arith.constant 0 : i32
      %dma_start3A_1016 = tpu.memref_slice %arg4[%add3A_1008, %dma_start3A_1014, %dma_start3A_1015] : memref<4096x50x128xf32, #tpu.memory_space<hbm>> -> memref<1x50x128xf32, #tpu.memory_space<hbm>>
      %dma_start3A_1017 = tpu.memref_squeeze %dma_start3A_1016 : memref<1x50x128xf32, #tpu.memory_space<hbm>> -> memref<50x128xf32, #tpu.memory_space<hbm>>
      %dma_start3A_1018 = arith.constant 0 : i32
      %dma_start3A_1019 = arith.constant 0 : i32
      %dma_start3A_1020 = tpu.memref_slice %arg4[%add3A_1008, %dma_start3A_1018, %dma_start3A_1019] : memref<4096x50x128xf32, #tpu.memory_space<hbm>> -> memref<1x50x128xf32, #tpu.memory_space<hbm>>
      %dma_start3A_1021 = tpu.memref_squeeze %dma_start3A_1020 : memref<1x50x128xf32, #tpu.memory_space<hbm>> -> memref<50x128xf32, #tpu.memory_space<hbm>>
      %dma_start3A_1022 = arith.constant 0 : i32
      %dma_start3A_1023 = arith.constant 0 : i32
      %dma_start3A_1024 = tpu.memref_slice %arg8[%dma_start3A_1009, %dma_start3A_1022, %dma_start3A_1023] : memref<8x50x128xf32, #tpu.memory_space<vmem>> -> memref<1x50x128xf32, #tpu.memory_space<vmem>>
      %dma_start3A_1025 = tpu.memref_squeeze %dma_start3A_1024 : memref<1x50x128xf32, #tpu.memory_space<vmem>> -> memref<50x128xf32, #tpu.memory_space<vmem>>
      tpu.enqueue_dma source(%dma_start3A_1025 : memref<50x128xf32, #tpu.memory_space<vmem>>) target(%dma_start3A_1021 : memref<50x128xf32, #tpu.memory_space<hbm>>) target_semaphore(%arg11 : memref<!tpu.dma_semaphore, #tpu.memory_space<semaphore_mem>>)
      %add3A_1026 = arith.constant 7 : i32
      %add3A_1027 = arith.addi %add3A_892, %add3A_1026 : i32
      %dma_start3A_1028 = arith.constant 7 : i32
      %dma_start3A_1029 = arith.constant 0 : i32
      %dma_start3A_1030 = arith.constant 0 : i32
      %dma_start3A_1031 = tpu.memref_slice %arg8[%dma_start3A_1028, %dma_start3A_1029, %dma_start3A_1030] : memref<8x50x128xf32, #tpu.memory_space<vmem>> -> memref<1x50x128xf32, #tpu.memory_space<vmem>>
      %dma_start3A_1032 = tpu.memref_squeeze %dma_start3A_1031 : memref<1x50x128xf32, #tpu.memory_space<vmem>> -> memref<50x128xf32, #tpu.memory_space<vmem>>
      %dma_start3A_1033 = arith.constant 0 : i32
      %dma_start3A_1034 = arith.constant 0 : i32
      %dma_start3A_1035 = tpu.memref_slice %arg4[%add3A_1027, %dma_start3A_1033, %dma_start3A_1034] : memref<4096x50x128xf32, #tpu.memory_space<hbm>> -> memref<1x50x128xf32, #tpu.memory_space<hbm>>
      %dma_start3A_1036 = tpu.memref_squeeze %dma_start3A_1035 : memref<1x50x128xf32, #tpu.memory_space<hbm>> -> memref<50x128xf32, #tpu.memory_space<hbm>>
      %dma_start3A_1037 = arith.constant 0 : i32
      %dma_start3A_1038 = arith.constant 0 : i32
      %dma_start3A_1039 = tpu.memref_slice %arg4[%add3A_1027, %dma_start3A_1037, %dma_start3A_1038] : memref<4096x50x128xf32, #tpu.memory_space<hbm>> -> memref<1x50x128xf32, #tpu.memory_space<hbm>>
      %dma_start3A_1040 = tpu.memref_squeeze %dma_start3A_1039 : memref<1x50x128xf32, #tpu.memory_space<hbm>> -> memref<50x128xf32, #tpu.memory_space<hbm>>
      %dma_start3A_1041 = arith.constant 0 : i32
      %dma_start3A_1042 = arith.constant 0 : i32
      %dma_start3A_1043 = tpu.memref_slice %arg8[%dma_start3A_1028, %dma_start3A_1041, %dma_start3A_1042] : memref<8x50x128xf32, #tpu.memory_space<vmem>> -> memref<1x50x128xf32, #tpu.memory_space<vmem>>
      %dma_start3A_1044 = tpu.memref_squeeze %dma_start3A_1043 : memref<1x50x128xf32, #tpu.memory_space<vmem>> -> memref<50x128xf32, #tpu.memory_space<vmem>>
      tpu.enqueue_dma source(%dma_start3A_1044 : memref<50x128xf32, #tpu.memory_space<vmem>>) target(%dma_start3A_1040 : memref<50x128xf32, #tpu.memory_space<hbm>>) target_semaphore(%arg11 : memref<!tpu.dma_semaphore, #tpu.memory_space<semaphore_mem>>)
      %lt3A_1045 = arith.constant 7 : i32
      %lt3A_1046 = arith.cmpi slt, %add3A_429, %lt3A_1045 : i32
      %convert_element_type3A_1047 = arith.extui %lt3A_1046 : i1 to i32
      %cond3A_1048 = arith.constant 0 : i32
      %cond3A_1049 = arith.cmpi ne, %convert_element_type3A_1047, %cond3A_1048 : i32
      scf.if %cond3A_1049 {
        %add3A_1050 = arith.constant 2 : i32
        %add3A_1051 = arith.addi %add3A_433, %add3A_1050 : i32
        %mul3A_1052 = arith.constant 8 : i32
        %mul3A_1053 = arith.muli %add3A_1051, %mul3A_1052 : i32
        %add3A_1054 = arith.addi %mul3A_2, %mul3A_1053 : i32
        %dma_start3A_1055 = arith.constant 0 : i32
        %dma_start3A_1056 = tpu.memref_slice %arg3[%add3A_1054, %dma_start3A_1055] : memref<4096x50xi32, #tpu.memory_space<hbm>> -> memref<8x50xi32, #tpu.memory_space<hbm>>
        %dma_start3A_1057 = arith.constant 0 : i32
        %dma_start3A_1058 = tpu.memref_slice %arg3[%add3A_1054, %dma_start3A_1057] : memref<4096x50xi32, #tpu.memory_space<hbm>> -> memref<8x50xi32, #tpu.memory_space<hbm>>
        tpu.enqueue_dma source(%dma_start3A_1058 : memref<8x50xi32, #tpu.memory_space<hbm>>) target(%arg6 : memref<8x50xi32, #tpu.memory_space<vmem>>) target_semaphore(%arg9 : memref<!tpu.dma_semaphore, #tpu.memory_space<semaphore_mem>>)
      } else {
      }
    }
    %scan3A_116 = arith.constant 8 : i32
    %add3A_117 = arith.constant 112 : i32
    %add3A_118 = arith.addi %mul3A_2, %add3A_117 : i32
    %add3A_119 = arith.constant 0 : i32
    %add3A_120 = arith.addi %add3A_118, %add3A_119 : i32
    %dma_wait3A_121 = arith.constant 0 : i32
    %dma_wait3A_122 = arith.constant 0 : i32
    %dma_wait3A_123 = arith.constant 0 : i32
    %dma_wait3A_124 = tpu.memref_slice %arg7[%dma_wait3A_121, %dma_wait3A_122, %dma_wait3A_123] : memref<8x50x128xf32, #tpu.memory_space<vmem>> -> memref<1x50x128xf32, #tpu.memory_space<vmem>>
    %dma_wait3A_125 = tpu.memref_squeeze %dma_wait3A_124 : memref<1x50x128xf32, #tpu.memory_space<vmem>> -> memref<50x128xf32, #tpu.memory_space<vmem>>
    %dma_wait3A_126 = arith.constant 0 : i32
    %dma_wait3A_127 = arith.constant 0 : i32
    %dma_wait3A_128 = tpu.memref_slice %arg4[%add3A_120, %dma_wait3A_126, %dma_wait3A_127] : memref<4096x50x128xf32, #tpu.memory_space<hbm>> -> memref<1x50x128xf32, #tpu.memory_space<hbm>>
    %dma_wait3A_129 = tpu.memref_squeeze %dma_wait3A_128 : memref<1x50x128xf32, #tpu.memory_space<hbm>> -> memref<50x128xf32, #tpu.memory_space<hbm>>
    %dma_wait3A_130 = arith.constant 0 : i32
    %dma_wait3A_131 = arith.constant 0 : i32
    %dma_wait3A_132 = tpu.memref_slice %arg4[%add3A_120, %dma_wait3A_130, %dma_wait3A_131] : memref<4096x50x128xf32, #tpu.memory_space<hbm>> -> memref<1x50x128xf32, #tpu.memory_space<hbm>>
    %dma_wait3A_133 = tpu.memref_squeeze %dma_wait3A_132 : memref<1x50x128xf32, #tpu.memory_space<hbm>> -> memref<50x128xf32, #tpu.memory_space<hbm>>
    %dma_wait3A_134 = arith.constant 0 : i32
    %dma_wait3A_135 = arith.constant 0 : i32
    %dma_wait3A_136 = tpu.memref_slice %arg7[%dma_wait3A_121, %dma_wait3A_134, %dma_wait3A_135] : memref<8x50x128xf32, #tpu.memory_space<vmem>> -> memref<1x50x128xf32, #tpu.memory_space<vmem>>
    %dma_wait3A_137 = tpu.memref_squeeze %dma_wait3A_136 : memref<1x50x128xf32, #tpu.memory_space<vmem>> -> memref<50x128xf32, #tpu.memory_space<vmem>>
    tpu.wait_dma2 semaphore(%arg11 : memref<!tpu.dma_semaphore, #tpu.memory_space<semaphore_mem>>) src(%dma_wait3A_137 : memref<50x128xf32, #tpu.memory_space<vmem>>) dst(%dma_wait3A_133 : memref<50x128xf32, #tpu.memory_space<hbm>>)
    %add3A_138 = arith.constant 1 : i32
    %add3A_139 = arith.addi %add3A_118, %add3A_138 : i32
    %dma_wait3A_140 = arith.constant 1 : i32
    %dma_wait3A_141 = arith.constant 0 : i32
    %dma_wait3A_142 = arith.constant 0 : i32
    %dma_wait3A_143 = tpu.memref_slice %arg7[%dma_wait3A_140, %dma_wait3A_141, %dma_wait3A_142] : memref<8x50x128xf32, #tpu.memory_space<vmem>> -> memref<1x50x128xf32, #tpu.memory_space<vmem>>
    %dma_wait3A_144 = tpu.memref_squeeze %dma_wait3A_143 : memref<1x50x128xf32, #tpu.memory_space<vmem>> -> memref<50x128xf32, #tpu.memory_space<vmem>>
    %dma_wait3A_145 = arith.constant 0 : i32
    %dma_wait3A_146 = arith.constant 0 : i32
    %dma_wait3A_147 = tpu.memref_slice %arg4[%add3A_139, %dma_wait3A_145, %dma_wait3A_146] : memref<4096x50x128xf32, #tpu.memory_space<hbm>> -> memref<1x50x128xf32, #tpu.memory_space<hbm>>
    %dma_wait3A_148 = tpu.memref_squeeze %dma_wait3A_147 : memref<1x50x128xf32, #tpu.memory_space<hbm>> -> memref<50x128xf32, #tpu.memory_space<hbm>>
    %dma_wait3A_149 = arith.constant 0 : i32
    %dma_wait3A_150 = arith.constant 0 : i32
    %dma_wait3A_151 = tpu.memref_slice %arg4[%add3A_139, %dma_wait3A_149, %dma_wait3A_150] : memref<4096x50x128xf32, #tpu.memory_space<hbm>> -> memref<1x50x128xf32, #tpu.memory_space<hbm>>
    %dma_wait3A_152 = tpu.memref_squeeze %dma_wait3A_151 : memref<1x50x128xf32, #tpu.memory_space<hbm>> -> memref<50x128xf32, #tpu.memory_space<hbm>>
    %dma_wait3A_153 = arith.constant 0 : i32
    %dma_wait3A_154 = arith.constant 0 : i32
    %dma_wait3A_155 = tpu.memref_slice %arg7[%dma_wait3A_140, %dma_wait3A_153, %dma_wait3A_154] : memref<8x50x128xf32, #tpu.memory_space<vmem>> -> memref<1x50x128xf32, #tpu.memory_space<vmem>>
    %dma_wait3A_156 = tpu.memref_squeeze %dma_wait3A_155 : memref<1x50x128xf32, #tpu.memory_space<vmem>> -> memref<50x128xf32, #tpu.memory_space<vmem>>
    tpu.wait_dma2 semaphore(%arg11 : memref<!tpu.dma_semaphore, #tpu.memory_space<semaphore_mem>>) src(%dma_wait3A_156 : memref<50x128xf32, #tpu.memory_space<vmem>>) dst(%dma_wait3A_152 : memref<50x128xf32, #tpu.memory_space<hbm>>)
    %add3A_157 = arith.constant 2 : i32
    %add3A_158 = arith.addi %add3A_118, %add3A_157 : i32
    %dma_wait3A_159 = arith.constant 2 : i32
    %dma_wait3A_160 = arith.constant 0 : i32
    %dma_wait3A_161 = arith.constant 0 : i32
    %dma_wait3A_162 = tpu.memref_slice %arg7[%dma_wait3A_159, %dma_wait3A_160, %dma_wait3A_161] : memref<8x50x128xf32, #tpu.memory_space<vmem>> -> memref<1x50x128xf32, #tpu.memory_space<vmem>>
    %dma_wait3A_163 = tpu.memref_squeeze %dma_wait3A_162 : memref<1x50x128xf32, #tpu.memory_space<vmem>> -> memref<50x128xf32, #tpu.memory_space<vmem>>
    %dma_wait3A_164 = arith.constant 0 : i32
    %dma_wait3A_165 = arith.constant 0 : i32
    %dma_wait3A_166 = tpu.memref_slice %arg4[%add3A_158, %dma_wait3A_164, %dma_wait3A_165] : memref<4096x50x128xf32, #tpu.memory_space<hbm>> -> memref<1x50x128xf32, #tpu.memory_space<hbm>>
    %dma_wait3A_167 = tpu.memref_squeeze %dma_wait3A_166 : memref<1x50x128xf32, #tpu.memory_space<hbm>> -> memref<50x128xf32, #tpu.memory_space<hbm>>
    %dma_wait3A_168 = arith.constant 0 : i32
    %dma_wait3A_169 = arith.constant 0 : i32
    %dma_wait3A_170 = tpu.memref_slice %arg4[%add3A_158, %dma_wait3A_168, %dma_wait3A_169] : memref<4096x50x128xf32, #tpu.memory_space<hbm>> -> memref<1x50x128xf32, #tpu.memory_space<hbm>>
    %dma_wait3A_171 = tpu.memref_squeeze %dma_wait3A_170 : memref<1x50x128xf32, #tpu.memory_space<hbm>> -> memref<50x128xf32, #tpu.memory_space<hbm>>
    %dma_wait3A_172 = arith.constant 0 : i32
    %dma_wait3A_173 = arith.constant 0 : i32
    %dma_wait3A_174 = tpu.memref_slice %arg7[%dma_wait3A_159, %dma_wait3A_172, %dma_wait3A_173] : memref<8x50x128xf32, #tpu.memory_space<vmem>> -> memref<1x50x128xf32, #tpu.memory_space<vmem>>
    %dma_wait3A_175 = tpu.memref_squeeze %dma_wait3A_174 : memref<1x50x128xf32, #tpu.memory_space<vmem>> -> memref<50x128xf32, #tpu.memory_space<vmem>>
    tpu.wait_dma2 semaphore(%arg11 : memref<!tpu.dma_semaphore, #tpu.memory_space<semaphore_mem>>) src(%dma_wait3A_175 : memref<50x128xf32, #tpu.memory_space<vmem>>) dst(%dma_wait3A_171 : memref<50x128xf32, #tpu.memory_space<hbm>>)
    %add3A_176 = arith.constant 3 : i32
    %add3A_177 = arith.addi %add3A_118, %add3A_176 : i32
    %dma_wait3A_178 = arith.constant 3 : i32
    %dma_wait3A_179 = arith.constant 0 : i32
    %dma_wait3A_180 = arith.constant 0 : i32
    %dma_wait3A_181 = tpu.memref_slice %arg7[%dma_wait3A_178, %dma_wait3A_179, %dma_wait3A_180] : memref<8x50x128xf32, #tpu.memory_space<vmem>> -> memref<1x50x128xf32, #tpu.memory_space<vmem>>
    %dma_wait3A_182 = tpu.memref_squeeze %dma_wait3A_181 : memref<1x50x128xf32, #tpu.memory_space<vmem>> -> memref<50x128xf32, #tpu.memory_space<vmem>>
    %dma_wait3A_183 = arith.constant 0 : i32
    %dma_wait3A_184 = arith.constant 0 : i32
    %dma_wait3A_185 = tpu.memref_slice %arg4[%add3A_177, %dma_wait3A_183, %dma_wait3A_184] : memref<4096x50x128xf32, #tpu.memory_space<hbm>> -> memref<1x50x128xf32, #tpu.memory_space<hbm>>
    %dma_wait3A_186 = tpu.memref_squeeze %dma_wait3A_185 : memref<1x50x128xf32, #tpu.memory_space<hbm>> -> memref<50x128xf32, #tpu.memory_space<hbm>>
    %dma_wait3A_187 = arith.constant 0 : i32
    %dma_wait3A_188 = arith.constant 0 : i32
    %dma_wait3A_189 = tpu.memref_slice %arg4[%add3A_177, %dma_wait3A_187, %dma_wait3A_188] : memref<4096x50x128xf32, #tpu.memory_space<hbm>> -> memref<1x50x128xf32, #tpu.memory_space<hbm>>
    %dma_wait3A_190 = tpu.memref_squeeze %dma_wait3A_189 : memref<1x50x128xf32, #tpu.memory_space<hbm>> -> memref<50x128xf32, #tpu.memory_space<hbm>>
    %dma_wait3A_191 = arith.constant 0 : i32
    %dma_wait3A_192 = arith.constant 0 : i32
    %dma_wait3A_193 = tpu.memref_slice %arg7[%dma_wait3A_178, %dma_wait3A_191, %dma_wait3A_192] : memref<8x50x128xf32, #tpu.memory_space<vmem>> -> memref<1x50x128xf32, #tpu.memory_space<vmem>>
    %dma_wait3A_194 = tpu.memref_squeeze %dma_wait3A_193 : memref<1x50x128xf32, #tpu.memory_space<vmem>> -> memref<50x128xf32, #tpu.memory_space<vmem>>
    tpu.wait_dma2 semaphore(%arg11 : memref<!tpu.dma_semaphore, #tpu.memory_space<semaphore_mem>>) src(%dma_wait3A_194 : memref<50x128xf32, #tpu.memory_space<vmem>>) dst(%dma_wait3A_190 : memref<50x128xf32, #tpu.memory_space<hbm>>)
    %add3A_195 = arith.constant 4 : i32
    %add3A_196 = arith.addi %add3A_118, %add3A_195 : i32
    %dma_wait3A_197 = arith.constant 4 : i32
    %dma_wait3A_198 = arith.constant 0 : i32
    %dma_wait3A_199 = arith.constant 0 : i32
    %dma_wait3A_200 = tpu.memref_slice %arg7[%dma_wait3A_197, %dma_wait3A_198, %dma_wait3A_199] : memref<8x50x128xf32, #tpu.memory_space<vmem>> -> memref<1x50x128xf32, #tpu.memory_space<vmem>>
    %dma_wait3A_201 = tpu.memref_squeeze %dma_wait3A_200 : memref<1x50x128xf32, #tpu.memory_space<vmem>> -> memref<50x128xf32, #tpu.memory_space<vmem>>
    %dma_wait3A_202 = arith.constant 0 : i32
    %dma_wait3A_203 = arith.constant 0 : i32
    %dma_wait3A_204 = tpu.memref_slice %arg4[%add3A_196, %dma_wait3A_202, %dma_wait3A_203] : memref<4096x50x128xf32, #tpu.memory_space<hbm>> -> memref<1x50x128xf32, #tpu.memory_space<hbm>>
    %dma_wait3A_205 = tpu.memref_squeeze %dma_wait3A_204 : memref<1x50x128xf32, #tpu.memory_space<hbm>> -> memref<50x128xf32, #tpu.memory_space<hbm>>
    %dma_wait3A_206 = arith.constant 0 : i32
    %dma_wait3A_207 = arith.constant 0 : i32
    %dma_wait3A_208 = tpu.memref_slice %arg4[%add3A_196, %dma_wait3A_206, %dma_wait3A_207] : memref<4096x50x128xf32, #tpu.memory_space<hbm>> -> memref<1x50x128xf32, #tpu.memory_space<hbm>>
    %dma_wait3A_209 = tpu.memref_squeeze %dma_wait3A_208 : memref<1x50x128xf32, #tpu.memory_space<hbm>> -> memref<50x128xf32, #tpu.memory_space<hbm>>
    %dma_wait3A_210 = arith.constant 0 : i32
    %dma_wait3A_211 = arith.constant 0 : i32
    %dma_wait3A_212 = tpu.memref_slice %arg7[%dma_wait3A_197, %dma_wait3A_210, %dma_wait3A_211] : memref<8x50x128xf32, #tpu.memory_space<vmem>> -> memref<1x50x128xf32, #tpu.memory_space<vmem>>
    %dma_wait3A_213 = tpu.memref_squeeze %dma_wait3A_212 : memref<1x50x128xf32, #tpu.memory_space<vmem>> -> memref<50x128xf32, #tpu.memory_space<vmem>>
    tpu.wait_dma2 semaphore(%arg11 : memref<!tpu.dma_semaphore, #tpu.memory_space<semaphore_mem>>) src(%dma_wait3A_213 : memref<50x128xf32, #tpu.memory_space<vmem>>) dst(%dma_wait3A_209 : memref<50x128xf32, #tpu.memory_space<hbm>>)
    %add3A_214 = arith.constant 5 : i32
    %add3A_215 = arith.addi %add3A_118, %add3A_214 : i32
    %dma_wait3A_216 = arith.constant 5 : i32
    %dma_wait3A_217 = arith.constant 0 : i32
    %dma_wait3A_218 = arith.constant 0 : i32
    %dma_wait3A_219 = tpu.memref_slice %arg7[%dma_wait3A_216, %dma_wait3A_217, %dma_wait3A_218] : memref<8x50x128xf32, #tpu.memory_space<vmem>> -> memref<1x50x128xf32, #tpu.memory_space<vmem>>
    %dma_wait3A_220 = tpu.memref_squeeze %dma_wait3A_219 : memref<1x50x128xf32, #tpu.memory_space<vmem>> -> memref<50x128xf32, #tpu.memory_space<vmem>>
    %dma_wait3A_221 = arith.constant 0 : i32
    %dma_wait3A_222 = arith.constant 0 : i32
    %dma_wait3A_223 = tpu.memref_slice %arg4[%add3A_215, %dma_wait3A_221, %dma_wait3A_222] : memref<4096x50x128xf32, #tpu.memory_space<hbm>> -> memref<1x50x128xf32, #tpu.memory_space<hbm>>
    %dma_wait3A_224 = tpu.memref_squeeze %dma_wait3A_223 : memref<1x50x128xf32, #tpu.memory_space<hbm>> -> memref<50x128xf32, #tpu.memory_space<hbm>>
    %dma_wait3A_225 = arith.constant 0 : i32
    %dma_wait3A_226 = arith.constant 0 : i32
    %dma_wait3A_227 = tpu.memref_slice %arg4[%add3A_215, %dma_wait3A_225, %dma_wait3A_226] : memref<4096x50x128xf32, #tpu.memory_space<hbm>> -> memref<1x50x128xf32, #tpu.memory_space<hbm>>
    %dma_wait3A_228 = tpu.memref_squeeze %dma_wait3A_227 : memref<1x50x128xf32, #tpu.memory_space<hbm>> -> memref<50x128xf32, #tpu.memory_space<hbm>>
    %dma_wait3A_229 = arith.constant 0 : i32
    %dma_wait3A_230 = arith.constant 0 : i32
    %dma_wait3A_231 = tpu.memref_slice %arg7[%dma_wait3A_216, %dma_wait3A_229, %dma_wait3A_230] : memref<8x50x128xf32, #tpu.memory_space<vmem>> -> memref<1x50x128xf32, #tpu.memory_space<vmem>>
    %dma_wait3A_232 = tpu.memref_squeeze %dma_wait3A_231 : memref<1x50x128xf32, #tpu.memory_space<vmem>> -> memref<50x128xf32, #tpu.memory_space<vmem>>
    tpu.wait_dma2 semaphore(%arg11 : memref<!tpu.dma_semaphore, #tpu.memory_space<semaphore_mem>>) src(%dma_wait3A_232 : memref<50x128xf32, #tpu.memory_space<vmem>>) dst(%dma_wait3A_228 : memref<50x128xf32, #tpu.memory_space<hbm>>)
    %add3A_233 = arith.constant 6 : i32
    %add3A_234 = arith.addi %add3A_118, %add3A_233 : i32
    %dma_wait3A_235 = arith.constant 6 : i32
    %dma_wait3A_236 = arith.constant 0 : i32
    %dma_wait3A_237 = arith.constant 0 : i32
    %dma_wait3A_238 = tpu.memref_slice %arg7[%dma_wait3A_235, %dma_wait3A_236, %dma_wait3A_237] : memref<8x50x128xf32, #tpu.memory_space<vmem>> -> memref<1x50x128xf32, #tpu.memory_space<vmem>>
    %dma_wait3A_239 = tpu.memref_squeeze %dma_wait3A_238 : memref<1x50x128xf32, #tpu.memory_space<vmem>> -> memref<50x128xf32, #tpu.memory_space<vmem>>
    %dma_wait3A_240 = arith.constant 0 : i32
    %dma_wait3A_241 = arith.constant 0 : i32
    %dma_wait3A_242 = tpu.memref_slice %arg4[%add3A_234, %dma_wait3A_240, %dma_wait3A_241] : memref<4096x50x128xf32, #tpu.memory_space<hbm>> -> memref<1x50x128xf32, #tpu.memory_space<hbm>>
    %dma_wait3A_243 = tpu.memref_squeeze %dma_wait3A_242 : memref<1x50x128xf32, #tpu.memory_space<hbm>> -> memref<50x128xf32, #tpu.memory_space<hbm>>
    %dma_wait3A_244 = arith.constant 0 : i32
    %dma_wait3A_245 = arith.constant 0 : i32
    %dma_wait3A_246 = tpu.memref_slice %arg4[%add3A_234, %dma_wait3A_244, %dma_wait3A_245] : memref<4096x50x128xf32, #tpu.memory_space<hbm>> -> memref<1x50x128xf32, #tpu.memory_space<hbm>>
    %dma_wait3A_247 = tpu.memref_squeeze %dma_wait3A_246 : memref<1x50x128xf32, #tpu.memory_space<hbm>> -> memref<50x128xf32, #tpu.memory_space<hbm>>
    %dma_wait3A_248 = arith.constant 0 : i32
    %dma_wait3A_249 = arith.constant 0 : i32
    %dma_wait3A_250 = tpu.memref_slice %arg7[%dma_wait3A_235, %dma_wait3A_248, %dma_wait3A_249] : memref<8x50x128xf32, #tpu.memory_space<vmem>> -> memref<1x50x128xf32, #tpu.memory_space<vmem>>
    %dma_wait3A_251 = tpu.memref_squeeze %dma_wait3A_250 : memref<1x50x128xf32, #tpu.memory_space<vmem>> -> memref<50x128xf32, #tpu.memory_space<vmem>>
    tpu.wait_dma2 semaphore(%arg11 : memref<!tpu.dma_semaphore, #tpu.memory_space<semaphore_mem>>) src(%dma_wait3A_251 : memref<50x128xf32, #tpu.memory_space<vmem>>) dst(%dma_wait3A_247 : memref<50x128xf32, #tpu.memory_space<hbm>>)
    %add3A_252 = arith.constant 7 : i32
    %add3A_253 = arith.addi %add3A_118, %add3A_252 : i32
    %dma_wait3A_254 = arith.constant 7 : i32
    %dma_wait3A_255 = arith.constant 0 : i32
    %dma_wait3A_256 = arith.constant 0 : i32
    %dma_wait3A_257 = tpu.memref_slice %arg7[%dma_wait3A_254, %dma_wait3A_255, %dma_wait3A_256] : memref<8x50x128xf32, #tpu.memory_space<vmem>> -> memref<1x50x128xf32, #tpu.memory_space<vmem>>
    %dma_wait3A_258 = tpu.memref_squeeze %dma_wait3A_257 : memref<1x50x128xf32, #tpu.memory_space<vmem>> -> memref<50x128xf32, #tpu.memory_space<vmem>>
    %dma_wait3A_259 = arith.constant 0 : i32
    %dma_wait3A_260 = arith.constant 0 : i32
    %dma_wait3A_261 = tpu.memref_slice %arg4[%add3A_253, %dma_wait3A_259, %dma_wait3A_260] : memref<4096x50x128xf32, #tpu.memory_space<hbm>> -> memref<1x50x128xf32, #tpu.memory_space<hbm>>
    %dma_wait3A_262 = tpu.memref_squeeze %dma_wait3A_261 : memref<1x50x128xf32, #tpu.memory_space<hbm>> -> memref<50x128xf32, #tpu.memory_space<hbm>>
    %dma_wait3A_263 = arith.constant 0 : i32
    %dma_wait3A_264 = arith.constant 0 : i32
    %dma_wait3A_265 = tpu.memref_slice %arg4[%add3A_253, %dma_wait3A_263, %dma_wait3A_264] : memref<4096x50x128xf32, #tpu.memory_space<hbm>> -> memref<1x50x128xf32, #tpu.memory_space<hbm>>
    %dma_wait3A_266 = tpu.memref_squeeze %dma_wait3A_265 : memref<1x50x128xf32, #tpu.memory_space<hbm>> -> memref<50x128xf32, #tpu.memory_space<hbm>>
    %dma_wait3A_267 = arith.constant 0 : i32
    %dma_wait3A_268 = arith.constant 0 : i32
    %dma_wait3A_269 = tpu.memref_slice %arg7[%dma_wait3A_254, %dma_wait3A_267, %dma_wait3A_268] : memref<8x50x128xf32, #tpu.memory_space<vmem>> -> memref<1x50x128xf32, #tpu.memory_space<vmem>>
    %dma_wait3A_270 = tpu.memref_squeeze %dma_wait3A_269 : memref<1x50x128xf32, #tpu.memory_space<vmem>> -> memref<50x128xf32, #tpu.memory_space<vmem>>
    tpu.wait_dma2 semaphore(%arg11 : memref<!tpu.dma_semaphore, #tpu.memory_space<semaphore_mem>>) src(%dma_wait3A_270 : memref<50x128xf32, #tpu.memory_space<vmem>>) dst(%dma_wait3A_266 : memref<50x128xf32, #tpu.memory_space<hbm>>)
    %add3A_271 = arith.constant 120 : i32
    %add3A_272 = arith.addi %mul3A_2, %add3A_271 : i32
    %add3A_273 = arith.constant 0 : i32
    %add3A_274 = arith.addi %add3A_272, %add3A_273 : i32
    %dma_wait3A_275 = arith.constant 0 : i32
    %dma_wait3A_276 = arith.constant 0 : i32
    %dma_wait3A_277 = arith.constant 0 : i32
    %dma_wait3A_278 = tpu.memref_slice %arg8[%dma_wait3A_275, %dma_wait3A_276, %dma_wait3A_277] : memref<8x50x128xf32, #tpu.memory_space<vmem>> -> memref<1x50x128xf32, #tpu.memory_space<vmem>>
    %dma_wait3A_279 = tpu.memref_squeeze %dma_wait3A_278 : memref<1x50x128xf32, #tpu.memory_space<vmem>> -> memref<50x128xf32, #tpu.memory_space<vmem>>
    %dma_wait3A_280 = arith.constant 0 : i32
    %dma_wait3A_281 = arith.constant 0 : i32
    %dma_wait3A_282 = tpu.memref_slice %arg4[%add3A_274, %dma_wait3A_280, %dma_wait3A_281] : memref<4096x50x128xf32, #tpu.memory_space<hbm>> -> memref<1x50x128xf32, #tpu.memory_space<hbm>>
    %dma_wait3A_283 = tpu.memref_squeeze %dma_wait3A_282 : memref<1x50x128xf32, #tpu.memory_space<hbm>> -> memref<50x128xf32, #tpu.memory_space<hbm>>
    %dma_wait3A_284 = arith.constant 0 : i32
    %dma_wait3A_285 = arith.constant 0 : i32
    %dma_wait3A_286 = tpu.memref_slice %arg4[%add3A_274, %dma_wait3A_284, %dma_wait3A_285] : memref<4096x50x128xf32, #tpu.memory_space<hbm>> -> memref<1x50x128xf32, #tpu.memory_space<hbm>>
    %dma_wait3A_287 = tpu.memref_squeeze %dma_wait3A_286 : memref<1x50x128xf32, #tpu.memory_space<hbm>> -> memref<50x128xf32, #tpu.memory_space<hbm>>
    %dma_wait3A_288 = arith.constant 0 : i32
    %dma_wait3A_289 = arith.constant 0 : i32
    %dma_wait3A_290 = tpu.memref_slice %arg8[%dma_wait3A_275, %dma_wait3A_288, %dma_wait3A_289] : memref<8x50x128xf32, #tpu.memory_space<vmem>> -> memref<1x50x128xf32, #tpu.memory_space<vmem>>
    %dma_wait3A_291 = tpu.memref_squeeze %dma_wait3A_290 : memref<1x50x128xf32, #tpu.memory_space<vmem>> -> memref<50x128xf32, #tpu.memory_space<vmem>>
    tpu.wait_dma2 semaphore(%arg11 : memref<!tpu.dma_semaphore, #tpu.memory_space<semaphore_mem>>) src(%dma_wait3A_291 : memref<50x128xf32, #tpu.memory_space<vmem>>) dst(%dma_wait3A_287 : memref<50x128xf32, #tpu.memory_space<hbm>>)
    %add3A_292 = arith.constant 1 : i32
    %add3A_293 = arith.addi %add3A_272, %add3A_292 : i32
    %dma_wait3A_294 = arith.constant 1 : i32
    %dma_wait3A_295 = arith.constant 0 : i32
    %dma_wait3A_296 = arith.constant 0 : i32
    %dma_wait3A_297 = tpu.memref_slice %arg8[%dma_wait3A_294, %dma_wait3A_295, %dma_wait3A_296] : memref<8x50x128xf32, #tpu.memory_space<vmem>> -> memref<1x50x128xf32, #tpu.memory_space<vmem>>
    %dma_wait3A_298 = tpu.memref_squeeze %dma_wait3A_297 : memref<1x50x128xf32, #tpu.memory_space<vmem>> -> memref<50x128xf32, #tpu.memory_space<vmem>>
    %dma_wait3A_299 = arith.constant 0 : i32
    %dma_wait3A_300 = arith.constant 0 : i32
    %dma_wait3A_301 = tpu.memref_slice %arg4[%add3A_293, %dma_wait3A_299, %dma_wait3A_300] : memref<4096x50x128xf32, #tpu.memory_space<hbm>> -> memref<1x50x128xf32, #tpu.memory_space<hbm>>
    %dma_wait3A_302 = tpu.memref_squeeze %dma_wait3A_301 : memref<1x50x128xf32, #tpu.memory_space<hbm>> -> memref<50x128xf32, #tpu.memory_space<hbm>>
    %dma_wait3A_303 = arith.constant 0 : i32
    %dma_wait3A_304 = arith.constant 0 : i32
    %dma_wait3A_305 = tpu.memref_slice %arg4[%add3A_293, %dma_wait3A_303, %dma_wait3A_304] : memref<4096x50x128xf32, #tpu.memory_space<hbm>> -> memref<1x50x128xf32, #tpu.memory_space<hbm>>
    %dma_wait3A_306 = tpu.memref_squeeze %dma_wait3A_305 : memref<1x50x128xf32, #tpu.memory_space<hbm>> -> memref<50x128xf32, #tpu.memory_space<hbm>>
    %dma_wait3A_307 = arith.constant 0 : i32
    %dma_wait3A_308 = arith.constant 0 : i32
    %dma_wait3A_309 = tpu.memref_slice %arg8[%dma_wait3A_294, %dma_wait3A_307, %dma_wait3A_308] : memref<8x50x128xf32, #tpu.memory_space<vmem>> -> memref<1x50x128xf32, #tpu.memory_space<vmem>>
    %dma_wait3A_310 = tpu.memref_squeeze %dma_wait3A_309 : memref<1x50x128xf32, #tpu.memory_space<vmem>> -> memref<50x128xf32, #tpu.memory_space<vmem>>
    tpu.wait_dma2 semaphore(%arg11 : memref<!tpu.dma_semaphore, #tpu.memory_space<semaphore_mem>>) src(%dma_wait3A_310 : memref<50x128xf32, #tpu.memory_space<vmem>>) dst(%dma_wait3A_306 : memref<50x128xf32, #tpu.memory_space<hbm>>)
    %add3A_311 = arith.constant 2 : i32
    %add3A_312 = arith.addi %add3A_272, %add3A_311 : i32
    %dma_wait3A_313 = arith.constant 2 : i32
    %dma_wait3A_314 = arith.constant 0 : i32
    %dma_wait3A_315 = arith.constant 0 : i32
    %dma_wait3A_316 = tpu.memref_slice %arg8[%dma_wait3A_313, %dma_wait3A_314, %dma_wait3A_315] : memref<8x50x128xf32, #tpu.memory_space<vmem>> -> memref<1x50x128xf32, #tpu.memory_space<vmem>>
    %dma_wait3A_317 = tpu.memref_squeeze %dma_wait3A_316 : memref<1x50x128xf32, #tpu.memory_space<vmem>> -> memref<50x128xf32, #tpu.memory_space<vmem>>
    %dma_wait3A_318 = arith.constant 0 : i32
    %dma_wait3A_319 = arith.constant 0 : i32
    %dma_wait3A_320 = tpu.memref_slice %arg4[%add3A_312, %dma_wait3A_318, %dma_wait3A_319] : memref<4096x50x128xf32, #tpu.memory_space<hbm>> -> memref<1x50x128xf32, #tpu.memory_space<hbm>>
    %dma_wait3A_321 = tpu.memref_squeeze %dma_wait3A_320 : memref<1x50x128xf32, #tpu.memory_space<hbm>> -> memref<50x128xf32, #tpu.memory_space<hbm>>
    %dma_wait3A_322 = arith.constant 0 : i32
    %dma_wait3A_323 = arith.constant 0 : i32
    %dma_wait3A_324 = tpu.memref_slice %arg4[%add3A_312, %dma_wait3A_322, %dma_wait3A_323] : memref<4096x50x128xf32, #tpu.memory_space<hbm>> -> memref<1x50x128xf32, #tpu.memory_space<hbm>>
    %dma_wait3A_325 = tpu.memref_squeeze %dma_wait3A_324 : memref<1x50x128xf32, #tpu.memory_space<hbm>> -> memref<50x128xf32, #tpu.memory_space<hbm>>
    %dma_wait3A_326 = arith.constant 0 : i32
    %dma_wait3A_327 = arith.constant 0 : i32
    %dma_wait3A_328 = tpu.memref_slice %arg8[%dma_wait3A_313, %dma_wait3A_326, %dma_wait3A_327] : memref<8x50x128xf32, #tpu.memory_space<vmem>> -> memref<1x50x128xf32, #tpu.memory_space<vmem>>
    %dma_wait3A_329 = tpu.memref_squeeze %dma_wait3A_328 : memref<1x50x128xf32, #tpu.memory_space<vmem>> -> memref<50x128xf32, #tpu.memory_space<vmem>>
    tpu.wait_dma2 semaphore(%arg11 : memref<!tpu.dma_semaphore, #tpu.memory_space<semaphore_mem>>) src(%dma_wait3A_329 : memref<50x128xf32, #tpu.memory_space<vmem>>) dst(%dma_wait3A_325 : memref<50x128xf32, #tpu.memory_space<hbm>>)
    %add3A_330 = arith.constant 3 : i32
    %add3A_331 = arith.addi %add3A_272, %add3A_330 : i32
    %dma_wait3A_332 = arith.constant 3 : i32
    %dma_wait3A_333 = arith.constant 0 : i32
    %dma_wait3A_334 = arith.constant 0 : i32
    %dma_wait3A_335 = tpu.memref_slice %arg8[%dma_wait3A_332, %dma_wait3A_333, %dma_wait3A_334] : memref<8x50x128xf32, #tpu.memory_space<vmem>> -> memref<1x50x128xf32, #tpu.memory_space<vmem>>
    %dma_wait3A_336 = tpu.memref_squeeze %dma_wait3A_335 : memref<1x50x128xf32, #tpu.memory_space<vmem>> -> memref<50x128xf32, #tpu.memory_space<vmem>>
    %dma_wait3A_337 = arith.constant 0 : i32
    %dma_wait3A_338 = arith.constant 0 : i32
    %dma_wait3A_339 = tpu.memref_slice %arg4[%add3A_331, %dma_wait3A_337, %dma_wait3A_338] : memref<4096x50x128xf32, #tpu.memory_space<hbm>> -> memref<1x50x128xf32, #tpu.memory_space<hbm>>
    %dma_wait3A_340 = tpu.memref_squeeze %dma_wait3A_339 : memref<1x50x128xf32, #tpu.memory_space<hbm>> -> memref<50x128xf32, #tpu.memory_space<hbm>>
    %dma_wait3A_341 = arith.constant 0 : i32
    %dma_wait3A_342 = arith.constant 0 : i32
    %dma_wait3A_343 = tpu.memref_slice %arg4[%add3A_331, %dma_wait3A_341, %dma_wait3A_342] : memref<4096x50x128xf32, #tpu.memory_space<hbm>> -> memref<1x50x128xf32, #tpu.memory_space<hbm>>
    %dma_wait3A_344 = tpu.memref_squeeze %dma_wait3A_343 : memref<1x50x128xf32, #tpu.memory_space<hbm>> -> memref<50x128xf32, #tpu.memory_space<hbm>>
    %dma_wait3A_345 = arith.constant 0 : i32
    %dma_wait3A_346 = arith.constant 0 : i32
    %dma_wait3A_347 = tpu.memref_slice %arg8[%dma_wait3A_332, %dma_wait3A_345, %dma_wait3A_346] : memref<8x50x128xf32, #tpu.memory_space<vmem>> -> memref<1x50x128xf32, #tpu.memory_space<vmem>>
    %dma_wait3A_348 = tpu.memref_squeeze %dma_wait3A_347 : memref<1x50x128xf32, #tpu.memory_space<vmem>> -> memref<50x128xf32, #tpu.memory_space<vmem>>
    tpu.wait_dma2 semaphore(%arg11 : memref<!tpu.dma_semaphore, #tpu.memory_space<semaphore_mem>>) src(%dma_wait3A_348 : memref<50x128xf32, #tpu.memory_space<vmem>>) dst(%dma_wait3A_344 : memref<50x128xf32, #tpu.memory_space<hbm>>)
    %add3A_349 = arith.constant 4 : i32
    %add3A_350 = arith.addi %add3A_272, %add3A_349 : i32
    %dma_wait3A_351 = arith.constant 4 : i32
    %dma_wait3A_352 = arith.constant 0 : i32
    %dma_wait3A_353 = arith.constant 0 : i32
    %dma_wait3A_354 = tpu.memref_slice %arg8[%dma_wait3A_351, %dma_wait3A_352, %dma_wait3A_353] : memref<8x50x128xf32, #tpu.memory_space<vmem>> -> memref<1x50x128xf32, #tpu.memory_space<vmem>>
    %dma_wait3A_355 = tpu.memref_squeeze %dma_wait3A_354 : memref<1x50x128xf32, #tpu.memory_space<vmem>> -> memref<50x128xf32, #tpu.memory_space<vmem>>
    %dma_wait3A_356 = arith.constant 0 : i32
    %dma_wait3A_357 = arith.constant 0 : i32
    %dma_wait3A_358 = tpu.memref_slice %arg4[%add3A_350, %dma_wait3A_356, %dma_wait3A_357] : memref<4096x50x128xf32, #tpu.memory_space<hbm>> -> memref<1x50x128xf32, #tpu.memory_space<hbm>>
    %dma_wait3A_359 = tpu.memref_squeeze %dma_wait3A_358 : memref<1x50x128xf32, #tpu.memory_space<hbm>> -> memref<50x128xf32, #tpu.memory_space<hbm>>
    %dma_wait3A_360 = arith.constant 0 : i32
    %dma_wait3A_361 = arith.constant 0 : i32
    %dma_wait3A_362 = tpu.memref_slice %arg4[%add3A_350, %dma_wait3A_360, %dma_wait3A_361] : memref<4096x50x128xf32, #tpu.memory_space<hbm>> -> memref<1x50x128xf32, #tpu.memory_space<hbm>>
    %dma_wait3A_363 = tpu.memref_squeeze %dma_wait3A_362 : memref<1x50x128xf32, #tpu.memory_space<hbm>> -> memref<50x128xf32, #tpu.memory_space<hbm>>
    %dma_wait3A_364 = arith.constant 0 : i32
    %dma_wait3A_365 = arith.constant 0 : i32
    %dma_wait3A_366 = tpu.memref_slice %arg8[%dma_wait3A_351, %dma_wait3A_364, %dma_wait3A_365] : memref<8x50x128xf32, #tpu.memory_space<vmem>> -> memref<1x50x128xf32, #tpu.memory_space<vmem>>
    %dma_wait3A_367 = tpu.memref_squeeze %dma_wait3A_366 : memref<1x50x128xf32, #tpu.memory_space<vmem>> -> memref<50x128xf32, #tpu.memory_space<vmem>>
    tpu.wait_dma2 semaphore(%arg11 : memref<!tpu.dma_semaphore, #tpu.memory_space<semaphore_mem>>) src(%dma_wait3A_367 : memref<50x128xf32, #tpu.memory_space<vmem>>) dst(%dma_wait3A_363 : memref<50x128xf32, #tpu.memory_space<hbm>>)
    %add3A_368 = arith.constant 5 : i32
    %add3A_369 = arith.addi %add3A_272, %add3A_368 : i32
    %dma_wait3A_370 = arith.constant 5 : i32
    %dma_wait3A_371 = arith.constant 0 : i32
    %dma_wait3A_372 = arith.constant 0 : i32
    %dma_wait3A_373 = tpu.memref_slice %arg8[%dma_wait3A_370, %dma_wait3A_371, %dma_wait3A_372] : memref<8x50x128xf32, #tpu.memory_space<vmem>> -> memref<1x50x128xf32, #tpu.memory_space<vmem>>
    %dma_wait3A_374 = tpu.memref_squeeze %dma_wait3A_373 : memref<1x50x128xf32, #tpu.memory_space<vmem>> -> memref<50x128xf32, #tpu.memory_space<vmem>>
    %dma_wait3A_375 = arith.constant 0 : i32
    %dma_wait3A_376 = arith.constant 0 : i32
    %dma_wait3A_377 = tpu.memref_slice %arg4[%add3A_369, %dma_wait3A_375, %dma_wait3A_376] : memref<4096x50x128xf32, #tpu.memory_space<hbm>> -> memref<1x50x128xf32, #tpu.memory_space<hbm>>
    %dma_wait3A_378 = tpu.memref_squeeze %dma_wait3A_377 : memref<1x50x128xf32, #tpu.memory_space<hbm>> -> memref<50x128xf32, #tpu.memory_space<hbm>>
    %dma_wait3A_379 = arith.constant 0 : i32
    %dma_wait3A_380 = arith.constant 0 : i32
    %dma_wait3A_381 = tpu.memref_slice %arg4[%add3A_369, %dma_wait3A_379, %dma_wait3A_380] : memref<4096x50x128xf32, #tpu.memory_space<hbm>> -> memref<1x50x128xf32, #tpu.memory_space<hbm>>
    %dma_wait3A_382 = tpu.memref_squeeze %dma_wait3A_381 : memref<1x50x128xf32, #tpu.memory_space<hbm>> -> memref<50x128xf32, #tpu.memory_space<hbm>>
    %dma_wait3A_383 = arith.constant 0 : i32
    %dma_wait3A_384 = arith.constant 0 : i32
    %dma_wait3A_385 = tpu.memref_slice %arg8[%dma_wait3A_370, %dma_wait3A_383, %dma_wait3A_384] : memref<8x50x128xf32, #tpu.memory_space<vmem>> -> memref<1x50x128xf32, #tpu.memory_space<vmem>>
    %dma_wait3A_386 = tpu.memref_squeeze %dma_wait3A_385 : memref<1x50x128xf32, #tpu.memory_space<vmem>> -> memref<50x128xf32, #tpu.memory_space<vmem>>
    tpu.wait_dma2 semaphore(%arg11 : memref<!tpu.dma_semaphore, #tpu.memory_space<semaphore_mem>>) src(%dma_wait3A_386 : memref<50x128xf32, #tpu.memory_space<vmem>>) dst(%dma_wait3A_382 : memref<50x128xf32, #tpu.memory_space<hbm>>)
    %add3A_387 = arith.constant 6 : i32
    %add3A_388 = arith.addi %add3A_272, %add3A_387 : i32
    %dma_wait3A_389 = arith.constant 6 : i32
    %dma_wait3A_390 = arith.constant 0 : i32
    %dma_wait3A_391 = arith.constant 0 : i32
    %dma_wait3A_392 = tpu.memref_slice %arg8[%dma_wait3A_389, %dma_wait3A_390, %dma_wait3A_391] : memref<8x50x128xf32, #tpu.memory_space<vmem>> -> memref<1x50x128xf32, #tpu.memory_space<vmem>>
    %dma_wait3A_393 = tpu.memref_squeeze %dma_wait3A_392 : memref<1x50x128xf32, #tpu.memory_space<vmem>> -> memref<50x128xf32, #tpu.memory_space<vmem>>
    %dma_wait3A_394 = arith.constant 0 : i32
    %dma_wait3A_395 = arith.constant 0 : i32
    %dma_wait3A_396 = tpu.memref_slice %arg4[%add3A_388, %dma_wait3A_394, %dma_wait3A_395] : memref<4096x50x128xf32, #tpu.memory_space<hbm>> -> memref<1x50x128xf32, #tpu.memory_space<hbm>>
    %dma_wait3A_397 = tpu.memref_squeeze %dma_wait3A_396 : memref<1x50x128xf32, #tpu.memory_space<hbm>> -> memref<50x128xf32, #tpu.memory_space<hbm>>
    %dma_wait3A_398 = arith.constant 0 : i32
    %dma_wait3A_399 = arith.constant 0 : i32
    %dma_wait3A_400 = tpu.memref_slice %arg4[%add3A_388, %dma_wait3A_398, %dma_wait3A_399] : memref<4096x50x128xf32, #tpu.memory_space<hbm>> -> memref<1x50x128xf32, #tpu.memory_space<hbm>>
    %dma_wait3A_401 = tpu.memref_squeeze %dma_wait3A_400 : memref<1x50x128xf32, #tpu.memory_space<hbm>> -> memref<50x128xf32, #tpu.memory_space<hbm>>
    %dma_wait3A_402 = arith.constant 0 : i32
    %dma_wait3A_403 = arith.constant 0 : i32
    %dma_wait3A_404 = tpu.memref_slice %arg8[%dma_wait3A_389, %dma_wait3A_402, %dma_wait3A_403] : memref<8x50x128xf32, #tpu.memory_space<vmem>> -> memref<1x50x128xf32, #tpu.memory_space<vmem>>
    %dma_wait3A_405 = tpu.memref_squeeze %dma_wait3A_404 : memref<1x50x128xf32, #tpu.memory_space<vmem>> -> memref<50x128xf32, #tpu.memory_space<vmem>>
    tpu.wait_dma2 semaphore(%arg11 : memref<!tpu.dma_semaphore, #tpu.memory_space<semaphore_mem>>) src(%dma_wait3A_405 : memref<50x128xf32, #tpu.memory_space<vmem>>) dst(%dma_wait3A_401 : memref<50x128xf32, #tpu.memory_space<hbm>>)
    %add3A_406 = arith.constant 7 : i32
    %add3A_407 = arith.addi %add3A_272, %add3A_406 : i32
    %dma_wait3A_408 = arith.constant 7 : i32
    %dma_wait3A_409 = arith.constant 0 : i32
    %dma_wait3A_410 = arith.constant 0 : i32
    %dma_wait3A_411 = tpu.memref_slice %arg8[%dma_wait3A_408, %dma_wait3A_409, %dma_wait3A_410] : memref<8x50x128xf32, #tpu.memory_space<vmem>> -> memref<1x50x128xf32, #tpu.memory_space<vmem>>
    %dma_wait3A_412 = tpu.memref_squeeze %dma_wait3A_411 : memref<1x50x128xf32, #tpu.memory_space<vmem>> -> memref<50x128xf32, #tpu.memory_space<vmem>>
    %dma_wait3A_413 = arith.constant 0 : i32
    %dma_wait3A_414 = arith.constant 0 : i32
    %dma_wait3A_415 = tpu.memref_slice %arg4[%add3A_407, %dma_wait3A_413, %dma_wait3A_414] : memref<4096x50x128xf32, #tpu.memory_space<hbm>> -> memref<1x50x128xf32, #tpu.memory_space<hbm>>
    %dma_wait3A_416 = tpu.memref_squeeze %dma_wait3A_415 : memref<1x50x128xf32, #tpu.memory_space<hbm>> -> memref<50x128xf32, #tpu.memory_space<hbm>>
    %dma_wait3A_417 = arith.constant 0 : i32
    %dma_wait3A_418 = arith.constant 0 : i32
    %dma_wait3A_419 = tpu.memref_slice %arg4[%add3A_407, %dma_wait3A_417, %dma_wait3A_418] : memref<4096x50x128xf32, #tpu.memory_space<hbm>> -> memref<1x50x128xf32, #tpu.memory_space<hbm>>
    %dma_wait3A_420 = tpu.memref_squeeze %dma_wait3A_419 : memref<1x50x128xf32, #tpu.memory_space<hbm>> -> memref<50x128xf32, #tpu.memory_space<hbm>>
    %dma_wait3A_421 = arith.constant 0 : i32
    %dma_wait3A_422 = arith.constant 0 : i32
    %dma_wait3A_423 = tpu.memref_slice %arg8[%dma_wait3A_408, %dma_wait3A_421, %dma_wait3A_422] : memref<8x50x128xf32, #tpu.memory_space<vmem>> -> memref<1x50x128xf32, #tpu.memory_space<vmem>>
    %dma_wait3A_424 = tpu.memref_squeeze %dma_wait3A_423 : memref<1x50x128xf32, #tpu.memory_space<vmem>> -> memref<50x128xf32, #tpu.memory_space<vmem>>
    tpu.wait_dma2 semaphore(%arg11 : memref<!tpu.dma_semaphore, #tpu.memory_space<semaphore_mem>>) src(%dma_wait3A_424 : memref<50x128xf32, #tpu.memory_space<vmem>>) dst(%dma_wait3A_420 : memref<50x128xf32, #tpu.memory_space<hbm>>)
    return
  }
}

</mosaic_0001>

<sc_bundles>
// kernel: kernel.3.cloned.1.call-start
scs
__scs_entry_jumppad:
0x0: {  	(pc) =	sbr.rel $0x88, $3  }
0x1: {  	(tag) =	ssettag $0x0;
	lr =	simm.s32 $0x1  }
0x2: {  	[smem:$0x3F9F] =	sst lr;
	_ =	strace $0xD0000000  }
0x3: {  	_ = 	snop  }
0x4: {  	_ = 	snop  }
0x5: {  	_ = 	snop  }
0x6: {  	_ = 	snop  }
0x7: {  	_ = 	snop  }
__scs_overlays_trampoline_lowered:
0x8: {  	[smem:$0x3FAE] =	sst s0  }
0x9: {  	[smem:$0x3FAF] =	sst s1  }
0xa: {  	[smem:$0x3FB0] =	sst s2  }
0xb: {  	[smem:$0x3FB1] =	sst s3  }
0xc: {  	[smem:$0x3FB2] =	sst s4  }
0xd: {  	[smem:$0x3FB3] =	sst s5  }
0xe: {  	[smem:$0x3FB4] =	sst s6  }
0xf: {  	[smem:$0x3FB5] =	sst s7  }
0x10: {  	[smem:$0x3FB6] =	sst s8  }
0x11: {  	[smem:$0x3FB7] =	sst s9;
	s0 =	simm.s32 @!p0 $0x0  }
0x12: {  	s1 =	sld [smem:$0x3F9D];
	s0 =	simm.s32 @p0 $0x1  }
0x13: {  	[smem:$0x3FB8] =	sst s0;
	s0 =	simm.s32 @!p1 $0x0  }
0x14: {  	s2 =	sld [smem:$0x3F9C];
	s0 =	simm.s32 @p1 $0x1  }
0x15: {  	[smem:$0x3FB9] =	sst s0;
	s0 =	simm.s32 @!p2 $0x0  }
0x16: {  	s3 =	sld [smem:$0x3FDB];
	s0 =	simm.s32 @p2 $0x1  }
0x17: {  	s4 =	simm.s32 $0x1BF5;
	[smem:$0x3FBB] =	sst s0  }
0x18: {  	s0 =	sld [smem:$0x3F9E];
	_ =	swait.ge [sflag:s4], $0x0  }
0x19: {  	s7 =	sld [smem:$0x3F9F]  }
0x1a: {  	s8 =	sadd.s32 $0xFFFFE003, lr  }
0x1b: {  	s9 =	sadd.s32 $0xFFFFFEF7, lr;
	s5 =	simm.s32 $0xFFFFFFFF;
	p2 =	slt.u32 s8, $0xFFFFF086  }
0x1c: {  	p1 =	slt.u32 s9, $0xF7A;
	s5 =	simm.s32 @!p2 $0x0  }
0x1d: {  	s5 =	simm.s32 @p1 $0x1;
	p0 =	seq.s32 s7, s2  }
0x1e: {  	s7 =	smul.u32 @!p0 $0xF7A, s2;
	p2 =	seq.s32 @!p0 s5, $0x0  }
0x1f: {  	s9 =	smul.u32 $0xF7A, s1;
	s8 =	simm.s32 @!p0 $0x1BF5;
	p2 =	por !p2, p0  }
0x20: {  	[sflag:s8] =	ssyncset.s32 @!p0 $0xFFFFF086;
	s6 =	sadd.s32 @!p0 s3, s7;
	s7 =	simm.s32 @!p0 $0x108  }
0x21: {  	s3 =	sadd.s32 s3, s9;
	s6 =	sadd.s32 @!p0 $0x88, s6;
	s7 =	simm.s32 @p2 $0x1082  }
0x22: {  	[simem:s7], [sflag:s8] =	dma.local @!p0 [hbm:s6], $0xF7A  }
0x23: {  	s9 =	sor.u32 $0xD0000000, s2;
	s6 =	simm.s32 $0x108;
	_ =	swait.ge @!p0 [sflag:s8], $0x0  }
0x24: {  	s3 =	sadd.s32 $0x88, s3;
	s6 =	simm.s32 @!p1 $0x1082;
	[sflag:s4] =	ssyncset.s32 $0xFFFFF086  }
0x25: {  	[simem:s6], [sflag:s4] =	dma.local [hbm:s3], $0xF7A  }
0x26: {  	[smem:$0x3F9F] =	sst s1;
	(tag) =	ssettag s2;
	_ =	strace s9  }
0x27: {  	s1 =	sld [smem:$0x3FAF]  }
0x28: {  	s2 =	sld [smem:$0x3FB0]  }
0x29: {  	s4 =	sld [smem:$0x3FB2]  }
0x2a: {  	p0 =	seq.s32 s5, $0x0;
	s5 =	sld [smem:$0x3FB3]  }
0x2b: {  	s6 =	sld [smem:$0x3FB4]  }
0x2c: {  	s7 =	sld [smem:$0x3FB5]  }
0x2d: {  	s3 =	simm.s32 $0x108;
	s8 =	sld [smem:$0x3FB6]  }
0x2e: {  	s3 =	simm.s32 @!p0 $0x1082;
	s9 =	sld [smem:$0x3FB7]  }
0x2f: {  	lr =	sadd.s32 s0, s3;
	s0 =	sld [smem:$0x3FAE]  }
0x30: {  	s3 =	sld [smem:$0x3FB1]  }
0x31: {  	[smem:$0x3FBA] =	sst s10  }
0x32: {  	s10 =	sld [smem:$0x3FB8];
	_ =	sdelay $0x3  }
0x33: {  	p0 =	seq.s32 s10, $0x1;
	s10 =	sld [smem:$0x3FBA];
	_ =	sdelay $0x3  }
0x34: {  	[smem:$0x3FBA] =	sst s10  }
0x35: {  	s10 =	sld [smem:$0x3FB9];
	_ =	sdelay $0x3  }
0x36: {  	p1 =	seq.s32 s10, $0x1;
	s10 =	sld [smem:$0x3FBA];
	_ =	sdelay $0x3  }
0x37: {  	[smem:$0x3FBA] =	sst s10  }
0x38: {  	s10 =	sld [smem:$0x3FBB]  }
0x39: {  	_ = 	snop;
	(pc) =	sbr.ind lr, $3  }
0x3a: {  	_ = 	snop  }
0x3b: {  	_ = 	snop  }
0x3c: {  	p2 =	seq.s32 s10, $0x1;
	s10 =	sld [smem:$0x3FBA]  }
0x3d: {  	_ =	shalt  }
0x3e: {  	_ =	shalt  }
0x3f: {  	_ =	shalt  }
0x40: {  	_ =	shalt  }
0x41: {  	_ =	shalt  }
0x42: {  	_ =	shalt  }
0x43: {  	_ =	shalt  }
0x44: {  	_ =	shalt  }
0x45: {  	_ =	shalt  }
0x46: {  	_ =	shalt  }
0x47: {  	_ =	shalt  }
0x48: {  	_ =	shalt  }
0x49: {  	_ =	shalt  }
0x4a: {  	_ =	shalt  }
0x4b: {  	_ =	shalt  }
0x4c: {  	_ =	shalt  }
0x4d: {  	_ =	shalt  }
0x4e: {  	_ =	shalt  }
0x4f: {  	_ =	shalt  }
0x50: {  	_ =	shalt  }
0x51: {  	_ =	shalt  }
0x52: {  	_ =	shalt  }
0x53: {  	_ =	shalt  }
0x54: {  	_ =	shalt  }
0x55: {  	_ =	shalt  }
0x56: {  	_ =	shalt  }
0x57: {  	_ =	shalt  }
0x58: {  	_ =	shalt  }
0x59: {  	_ =	shalt  }
0x5a: {  	_ =	shalt  }
0x5b: {  	_ =	shalt  }
0x5c: {  	_ =	shalt  }
0x5d: {  	_ =	shalt  }
0x5e: {  	_ =	shalt  }
0x5f: {  	_ =	shalt  }
0x60: {  	_ =	shalt  }
0x61: {  	_ =	shalt  }
0x62: {  	_ =	shalt  }
0x63: {  	_ =	shalt  }
0x64: {  	_ =	shalt  }
0x65: {  	_ =	shalt  }
0x66: {  	_ =	shalt  }
0x67: {  	_ =	shalt  }
0x68: {  	_ =	shalt  }
0x69: {  	_ =	shalt  }
0x6a: {  	_ =	shalt  }
0x6b: {  	_ =	shalt  }
0x6c: {  	_ =	shalt  }
0x6d: {  	_ =	shalt  }
0x6e: {  	_ =	shalt  }
0x6f: {  	_ =	shalt  }
0x70: {  	_ =	shalt  }
0x71: {  	_ =	shalt  }
0x72: {  	_ =	shalt  }
0x73: {  	_ =	shalt  }
0x74: {  	_ =	shalt  }
0x75: {  	_ =	shalt  }
0x76: {  	_ =	shalt  }
0x77: {  	_ =	shalt  }
0x78: {  	_ =	shalt  }
0x79: {  	_ =	shalt  }
0x7a: {  	_ =	shalt  }
0x7b: {  	_ =	shalt  }
0x7c: {  	_ =	shalt  }
0x7d: {  	_ =	shalt  }
0x7e: {  	_ =	shalt  }
0x7f: {  	_ =	shalt  }
0x80: {  	_ =	shalt  }
0x81: {  	_ =	shalt  }
0x82: {  	_ =	shalt  }
0x83: {  	_ =	shalt  }
0x84: {  	_ =	shalt  }
0x85: {  	_ =	shalt  }
0x86: {  	_ =	shalt  }
0x87: {  	_ =	shalt  }
.Lfunc_end0:
.L_simem_size_0:
called_computation_lowered:
.L_overlay_start_0:
0x88: {  	s2 =	sld [smem:$0x3FD9]  }
0x89: {  	s3 =	sld [smem:$0x3FFE];
	_ =	sdelay $0x1  }
0x8a: {  	s1 =	srdreg.scid  }
0x8b: {  	s0 =	sand.u32 $0x1, s1  }
0x8c: {  	s17 =	sshll.u32 s0, $0xA;
	s2 =	sadd.s32 s3, s2  }
0x8d: {  	s2 =	sadd.s32 s2, s17  }
0x8e: {  	[smem:$0x3FC6] =	sst s2  }
0x8f: {  	_ = 	snop  }
0x90: {  	s2 =	sld [smem:$0x3FC8]  }
0x91: {  	s18 =	sld [smem:$0x3FD0];
	(tm) =	ssettm $0x1  }
0x92: {  	s4 =	sld [smem:$0x3FFB];
	_ =	sdelay $0x3  }
0x93: {  	_ =	strace s4  }
0x94: {  	s4 =	sld [smem:$0x3FFC];
	_ =	sdelay $0x3  }
0x95: {  	_ =	strace s4  }
0x96: {  	s4 =	sld [smem:$0x3FFD];
	_ =	sdelay $0x3  }
0x97: {  	_ =	strace s4  }
0x98: {  	_ =	strace $0x8FFFFFFF  }
0x99: {  	s19 =	sld [smem:$0x3FDB];
	_ =	sdelay $0x1  }
0x9a: {  	s5 =	simm.s32 $_scs_section_size  }
0x9b: {  	s6 =	simm.s32 $_size__tile_overlayer_lowered;
	s7 =	simm.s32 $_tile_overlayer_lowered  }
0x9c: {  	s22 =	simm.s32 $0x1BFF;
	s21 =	sshll.u32 s7, $0x1;
	s4 =	sadd.s32 s5, s19  }
0x9d: {  	s8 =	simm.s32 $0x0;
	s20 =	sshll.u32 s6, $0x1;
	s6 =	sadd.s32 s21, s4  }
0x9e: {  	[timem:s8], [sflag:s22] =	dma.local [hbm:s6], s20  }
0x9f: {  	_ =	swait.ge [sflag:s22], s20  }
0xa0: {  	s5 =	ssub.s32 $0x0, s20;
	[sflag:s22] =	ssyncset.done $0x0  }
0xa1: {  	[sflag:s22] =	ssyncadd.s32 s5;
	_ =	sdelay $0x1  }
0xa2: {  	s23 =	simm.s32 $0x1B8B  }
0xa3: {  	_ =	swait.ge [sflag:s23], $0x1  }
0xa4: {  	[sflag:s23] =	ssyncset.done $0x0  }
0xa5: {  	s25 =	simm.s32 $0x1B8E;
	s24 =	sld [smem:$0x3FFE];
	[sflag:s23] =	ssyncadd.s32 $0xFFFFFFFF  }
0xa6: {  	s26 =	simm.s32 $execute0_lowered;
	[smem:$0x3FD2] =	sst s25  }
0xa7: {  	s6 =	sshll.u32 s26, $0x1;
	_ =	strace $0x80000046;
	[dreg:$0x1] =	wrdreg $0xFFFFFFFF  }
0xa8: {  	s28 =	simm.s32 $_size_execute0_lowered;
	s4 =	sadd.s32 s4, s6;
	[dreg:$0x0] =	wrdreg $0x0  }
0xa9: {  	s6 =	sshll.u32 s28, $0x1;
	[dreg:$0x2] =	wrdreg s4  }
0xaa: {  	[dreg:$0x3] =	wrdreg s6  }
0xab: {  	[dreg:$0x4] =	wrdreg $0xC0  }
0xac: {  	_ =	task [dreg:s8], $0x5FFFF  }
0xad: {  	[dreg:$0x1] =	wrdreg $0xFFFFFFFF  }
0xae: {  	[dreg:$0x0] =	wrdreg $0x60  }
0xaf: {  	[dreg:$0x2] =	wrdreg s2  }
0xb0: {  	[dreg:$0x3] =	wrdreg s18  }
0xb1: {  	[dreg:$0x4] =	wrdreg s24  }
0xb2: {  	[dreg:$0x5] =	wrdreg $0x9  }
0xb3: {  	_ =	task.clear_ibuf [dreg:s8], $0x6FFFF;
	_ =	strace $0x90000046  }
0xb4: {  	s29 =	simm.s32 $0x9;
	_ =	strace $0x80000048  }
0xb5: {  	_ =	swait.ge [sflag:s29], $0x1  }
0xb6: {  	[sflag:s29] =	ssyncadd.s32 $0xFFFFFFFF  }
0xb7: {  	_ =	strace $0x90000048  }
0xb8: {  	_ =	sfence  }
0xb9: {  	s30 =	sld [smem:$0x0];
	_ =	sdelay $0x2  }
0xba: {  	s31 =	sshll.u32 s1, $0xD;
	s1 =	sshrl.u32 s1, $0x2  }
0xbb: {  	s3 =	sand.u32 $0x4000, s31;
	s1 =	sadd.s32 s1, s30  }
0xbc: {  	s0 =	sor.u32 s3, s0;
	s1 =	sshll.u32 s1, $0x11  }
0xbd: {  	s0 =	sor.u32 s1, s0  }
0xbe: {  	s0 =	sadd.s32 $0x8F2B, s0  }
0xbf: {  	[sflag:s0] =	ssyncadd.remote.s32 $0x1  }
0xc0: {  	_ =	sfence.sel $0xFFFF  }
0xc1: {  	[dreg:$0x0] =	wrdreg $0xFFFFFFFF;
	(pc) =	sbr.abs _section_cstart, $3  }
0xc2: {  	[dreg:$0x1] =	wrdreg $0xFFFFFFFF  }
0xc3: {  	_ =	task.clear_ibuf [dreg:s8], $0x2FFFF;
	_ =	strace $0x9FFFFFFF  }
0xc4: {  	(tm) =	ssettm $0x7FFFFFFF  }
0xc5: {  	_ =	shalt  }
tec
execute0_lowered:
.L_overlay_start_1:
0x0: {  	(tag) =	ssettag $0x1  }
0x1: {  	s1 =	rddreg [dreg:$0x0]  }
0x2: {  	s0 =	rddreg [dreg:$0x1]  }
0x3: {  	s2 =	rddreg [dreg:$0x2]  }
0x4: {  	s3 =	simm.s32 $0x0;
	s4 =	srdreg.scid;
	s11 =	stileid.u32  }
0x5: {  	s28 =	simm.s32 $0x17400;
	[smem:$0x7FF] =	sst s3;
	s5 =	smul.u32 $0x1C0000, s11  }
0x6: {  	s4 =	sand.u32 $0x1, s4;
	s2 =	sadd.s32 $0x400, s2;
	s25 =	smul.u32 $0x38000, s11  }
0x7: {  	s17 =	sshll.u32 s11, $0xC;
	_ =	strace $0x80000047;
	s6 =	smul.u32 $0xE0000, s4  }
0x8: {  	s18 =	sshll.u32 s4, $0xB;
	s7 =	ssub.s32 $0x2, s4;
	s4 =	smul.u32 $0x1C000, s4  }
0x9: {  	s8 =	sor.u32 s18, s17;
	s15 =	sshrl.u32 s7, $0x1;
	s5 =	sadd.s32 s6, s5  }
0xa: {  	s9 =	sadd.s32 s0, s8;
	s6 =	ssub.s32 s7, s15;
	s0 =	sadd.s32 s17, s0  }
0xb: {  	s16 =	sor.u32 $0xC400, s5;
	[dreg:$0x4] =	wrdreg s9;
	s19 =	sadd.s32 $0x80, s9  }
0xc: {  	s6 =	smax.u32 s6, $0x1;
	s22 =	sor.u32 $0xA800, s5;
	s23 =	sor.u32 $0x8C00, s5  }
0xd: {  	s10 =	sor.u32 $0x7000, s5;
	s26 =	sor.u32 $0x5400, s5;
	s12 =	sor.u32 $0x1A400, s5  }
0xe: {  	s29 =	sor.u32 $0x18800, s5;
	s30 =	sor.u32 $0x16C00, s5;
	s14 =	sor.u32 $0x15000, s5  }
0xf: {  	s31 =	sor.u32 $0x13400, s5;
	s5 =	sor.u32 $0x11800, s5;
	[dreg:$0x5] =	wrdreg s19  }
0x10: {  	s0 =	sadd.s32 s18, s0;
	s20 =	sshrl.u32 s16, $0x3;
	[dreg:$0x6] =	wrdreg s6  }
0x11: {  	s6 =	sshrl.u32 s22, $0x3;
	s24 =	sshrl.u32 s23, $0x3;
	s10 =	sshrl.u32 s10, $0x3  }
0x12: {  	s11 =	sshrl.u32 s26, $0x3;
	s13 =	sshrl.u32 s12, $0x3;
	s16 =	sshrl.u32 s14, $0x3  }
0x13: {  	s5 =	sshrl.u32 s5, $0x3;
	s0 =	sadd.s32 $0x180, s0;
	s23 =	simm.s32 $0xE800  }
0x14: {  	s22 =	simm.s32 $0x13C00;
	s26 =	simm.s32 $0x15800;
	s19 =	simm.s32 $0x1AC00  }
0x15: {  	s21 =	sadd.s32 s20, s2;
	s8 =	sadd.s32 s6, s2;
	s9 =	sadd.s32 s24, s2  }
0x16: {  	s10 =	sadd.s32 s10, s2;
	s6 =	sadd.s32 s25, s2;
	s11 =	sadd.s32 s11, s2  }
0x17: {  	s13 =	sadd.s32 s13, s2;
	s16 =	sadd.s32 s16, s2;
	s18 =	sadd.s32 s5, s2  }
0x18: {  	[dreg:$0x8] =	wrdreg s0;
	s20 =	simm.s32 $0x1;
	s0 =	simm.s32 $0x400  }
.Ltmp0:
0x19: {  	s5 =	simm.s32 $0x10400;
	s25 =	simm.s32 $0x2;
	(pc) =	sbr.rel .LBB2_1-.Ltmp0, $4  }
0x1a: {  	s24 =	simm.s32 $0x0;
	[dreg:$0x7] =	wrdreg s21;
	s12 =	sadd.s32 s4, s6  }
0x1b: {  	s4 =	sshrl.u32 s29, $0x3;
	s6 =	sshrl.u32 s30, $0x3;
	s21 =	simm.s32 $0x32  }
0x1c: {  	s14 =	sadd.s32 s4, s2;
	s15 =	sadd.s32 s6, s2;
	s4 =	sshrl.u32 s31, $0x3  }
0x1d: {  	s6 =	simm.s32 $0x19000;
	s17 =	sadd.s32 s4, s2;
	s4 =	simm.s32 $0x12000  }
.LBB2_4:
0x1e: {  	s7 =	simm.s32 $0x3  }
0x1f: {  	_ =	swait.ge [sflag:s7], $0x1900  }
0x20: {  	[sflag:s7] =	ssyncset.done $0x0  }
0x21: {  	[sflag:s7] =	ssyncadd.s32 $0xFFFFE700  }
0x22: {  	_ =	swait.ge [sflag:s7], $0x1900  }
0x23: {  	[sflag:s7] =	ssyncset.done $0x0  }
0x24: {  	[sflag:s7] =	ssyncadd.s32 $0xFFFFE700  }
0x25: {  	_ =	swait.ge [sflag:s7], $0x1900  }
0x26: {  	[sflag:s7] =	ssyncset.done $0x0  }
0x27: {  	[sflag:s7] =	ssyncadd.s32 $0xFFFFE700  }
0x28: {  	_ =	swait.ge [sflag:s7], $0x1900  }
0x29: {  	[sflag:s7] =	ssyncset.done $0x0  }
0x2a: {  	[sflag:s7] =	ssyncadd.s32 $0xFFFFE700  }
0x2b: {  	_ =	swait.ge [sflag:s7], $0x1900  }
0x2c: {  	[sflag:s7] =	ssyncset.done $0x0  }
0x2d: {  	[sflag:s7] =	ssyncadd.s32 $0xFFFFE700  }
0x2e: {  	_ =	swait.ge [sflag:s7], $0x1900  }
0x2f: {  	[sflag:s7] =	ssyncset.done $0x0  }
0x30: {  	[sflag:s7] =	ssyncadd.s32 $0xFFFFE700  }
0x31: {  	_ =	swait.ge [sflag:s7], $0x1900  }
0x32: {  	[sflag:s7] =	ssyncset.done $0x0  }
0x33: {  	[sflag:s7] =	ssyncadd.s32 $0xFFFFE700  }
0x34: {  	_ =	swait.ge [sflag:s7], $0x1900  }
0x35: {  	[sflag:s7] =	ssyncset.done $0x0  }
0x36: {  	[sflag:s7] =	ssyncadd.s32 $0xFFFFE700  }
0x37: {  	_ =	swait.ge [sflag:s7], $0x1900  }
0x38: {  	[sflag:s7] =	ssyncset.done $0x0  }
0x39: {  	[sflag:s7] =	ssyncadd.s32 $0xFFFFE700  }
0x3a: {  	_ =	swait.ge [sflag:s7], $0x1900  }
0x3b: {  	[sflag:s7] =	ssyncset.done $0x0  }
0x3c: {  	[sflag:s7] =	ssyncadd.s32 $0xFFFFE700  }
0x3d: {  	_ =	swait.ge [sflag:s7], $0x1900  }
0x3e: {  	[sflag:s7] =	ssyncset.done $0x0  }
0x3f: {  	[sflag:s7] =	ssyncadd.s32 $0xFFFFE700  }
0x40: {  	_ =	swait.ge [sflag:s7], $0x1900  }
0x41: {  	[sflag:s7] =	ssyncset.done $0x0  }
0x42: {  	[sflag:s7] =	ssyncadd.s32 $0xFFFFE700  }
0x43: {  	_ =	swait.ge [sflag:s7], $0x1900  }
0x44: {  	[sflag:s7] =	ssyncset.done $0x0  }
0x45: {  	[sflag:s7] =	ssyncadd.s32 $0xFFFFE700  }
0x46: {  	_ =	swait.ge [sflag:s7], $0x1900  }
0x47: {  	[sflag:s7] =	ssyncset.done $0x0  }
0x48: {  	[sflag:s7] =	ssyncadd.s32 $0xFFFFE700  }
0x49: {  	_ =	swait.ge [sflag:s7], $0x1900  }
0x4a: {  	[sflag:s7] =	ssyncset.done $0x0  }
0x4b: {  	[sflag:s7] =	ssyncadd.s32 $0xFFFFE700  }
0x4c: {  	_ =	swait.ge [sflag:s7], $0x1900  }
0x4d: {  	s24 =	rddreg [dreg:$0x9]  }
0x4e: {  	s2 =	rddreg [dreg:$0x6];
	s24 =	sadd.s32 $0x1, s24  }
0x4f: {  	p0 =	sne.s32 s24, s2  }
.Ltmp1:
0x50: {  	_ = 	snop;
	(pc) =	sbr.rel @!p0 .LBB2_5-.Ltmp1, $3  }
0x51: {  	_ =	sdelay $0x1  }
0x52: {  	[sflag:s7] =	ssyncset.done $0x0  }
0x53: {  	[sflag:s7] =	ssyncadd.s32 $0xFFFFE700  }
.LBB2_1:
0x54: {  	[dreg:$0x9] =	wrdreg s24  }
0x55: {  	s2 =	rddreg [dreg:$0x4]  }
0x56: {  	[tilespmem:s3], [sflag:$0x1] =	stream.linear.gather [hbm4b:s2+s3], $0x400, $0x38;
	[tilespmem:$0x1C800] =	vst v63  }
0x57: {  	_ =	swait.ge [sflag:s20], $0x400  }
0x58: {  	[sflag:s20] =	ssyncset.done $0x0  }
0x59: {  	s7 =	simm.s32 $0x800;
	[sflag:s20] =	ssyncadd.s32 $0xFFFFFC00  }
0x5a: {  	[tilespmem:s7], [sflag:$0x2] =	stream.indirect.gather [hbm4b:s1+s21], $0x80, s3, s21, $0xb8;
	[tilespmem:$0x1C800] =	vst v63  }
0x5b: {  	s24 =	simm.s32 $0x80;
	s7 =	simm.s32 $0x2400  }
0x5c: {  	[tilespmem:s7], [sflag:$0x2] =	stream.indirect.gather [hbm4b:s1+s21], $0x80, s24, s21, $0xb8;
	[tilespmem:$0x1C800] =	vst v63  }
0x5d: {  	s30 =	simm.s32 $0x100;
	s31 =	simm.s32 $0x4000  }
0x5e: {  	[tilespmem:s31], [sflag:$0x2] =	stream.indirect.gather [hbm4b:s1+s21], $0x80, s30, s21, $0xb8;
	[tilespmem:$0x1C800] =	vst v63  }
0x5f: {  	s7 =	simm.s32 $0x180;
	s24 =	simm.s32 $0x5C00  }
0x60: {  	[tilespmem:s24], [sflag:$0x2] =	stream.indirect.gather [hbm4b:s1+s21], $0x80, s7, s21, $0xb8;
	[tilespmem:$0x1C800] =	vst v63  }
0x61: {  	s30 =	simm.s32 $0x200;
	s31 =	simm.s32 $0x7800  }
0x62: {  	[tilespmem:s31], [sflag:$0x2] =	stream.indirect.gather [hbm4b:s1+s21], $0x80, s30, s21, $0xb8;
	[tilespmem:$0x1C800] =	vst v63  }
0x63: {  	s7 =	simm.s32 $0x280;
	s24 =	simm.s32 $0x9400  }
0x64: {  	[tilespmem:s24], [sflag:$0x2] =	stream.indirect.gather [hbm4b:s1+s21], $0x80, s7, s21, $0xb8;
	[tilespmem:$0x1C800] =	vst v63  }
0x65: {  	s30 =	simm.s32 $0x300;
	s31 =	simm.s32 $0xB000  }
0x66: {  	[tilespmem:s31], [sflag:$0x2] =	stream.indirect.gather [hbm4b:s1+s21], $0x80, s30, s21, $0xb8;
	[tilespmem:$0x1C800] =	vst v63  }
0x67: {  	s24 =	simm.s32 $0x380;
	s30 =	simm.s32 $0xCC00;
	s31 =	rddreg [dreg:$0x5]  }
0x68: {  	[tilespmem:s30], [sflag:$0x2] =	stream.indirect.gather [hbm4b:s1+s21], $0x80, s24, s21, $0xb8;
	[tilespmem:$0x1C800] =	vst v63  }
0x69: {  	s29 =	simm.s32 $0x0;
	s24 =	rddreg [dreg:$0x8]  }
0x6a: {  	[tilespmem:s0], [sflag:$0x1] =	stream.linear.gather [hbm4b:s31+s3], $0x400, $0x38;
	[tilespmem:$0x1C800] =	vst v63  }
.LBB2_2:
0x6b: {  	p0 =	seq.s32 s29, $0x0  }
0x6c: {  	s31 =	simm.s32 @!p0 $0x3  }
0x6d: {  	_ =	swait.ge @!p0 [sflag:s31], $0x1900  }
0x6e: {  	[sflag:s31] =	ssyncset.done @!p0 $0x0  }
0x6f: {  	[sflag:s31] =	ssyncadd.s32 @!p0 $0xFFFFE700  }
0x70: {  	_ =	swait.ge @!p0 [sflag:s31], $0x1900  }
0x71: {  	[sflag:s31] =	ssyncset.done @!p0 $0x0  }
0x72: {  	[sflag:s31] =	ssyncadd.s32 @!p0 $0xFFFFE700  }
0x73: {  	_ =	swait.ge @!p0 [sflag:s31], $0x1900  }
0x74: {  	[sflag:s31] =	ssyncset.done @!p0 $0x0  }
0x75: {  	[sflag:s31] =	ssyncadd.s32 @!p0 $0xFFFFE700  }
0x76: {  	_ =	swait.ge @!p0 [sflag:s31], $0x1900  }
0x77: {  	[sflag:s31] =	ssyncset.done @!p0 $0x0  }
0x78: {  	[sflag:s31] =	ssyncadd.s32 @!p0 $0xFFFFE700  }
0x79: {  	_ =	swait.ge @!p0 [sflag:s31], $0x1900  }
0x7a: {  	[sflag:s31] =	ssyncset.done @!p0 $0x0  }
0x7b: {  	[sflag:s31] =	ssyncadd.s32 @!p0 $0xFFFFE700  }
0x7c: {  	_ =	swait.ge @!p0 [sflag:s31], $0x1900  }
0x7d: {  	[sflag:s31] =	ssyncset.done @!p0 $0x0  }
0x7e: {  	[sflag:s31] =	ssyncadd.s32 @!p0 $0xFFFFE700  }
0x7f: {  	_ =	swait.ge @!p0 [sflag:s31], $0x1900  }
0x80: {  	[sflag:s31] =	ssyncset.done @!p0 $0x0  }
0x81: {  	[sflag:s31] =	ssyncadd.s32 @!p0 $0xFFFFE700  }
0x82: {  	_ =	swait.ge @!p0 [sflag:s31], $0x1900  }
0x83: {  	[sflag:s31] =	ssyncset.done @!p0 $0x0  }
0x84: {  	[sflag:s31] =	ssyncadd.s32 @!p0 $0xFFFFE700  }
0x85: {  	_ =	swait.ge [sflag:s20], $0x400  }
0x86: {  	[sflag:s20] =	ssyncset.done $0x0  }
0x87: {  	[sflag:s20] =	ssyncadd.s32 $0xFFFFFC00  }
0x88: {  	[tilespmem:s23], [sflag:$0x2] =	stream.indirect.gather [hbm4b:s1+s21], $0x80, s0, s21, $0xb8;
	[tilespmem:$0x1C800] =	vst v63  }
0x89: {  	s2 =	simm.s32 $0x480  }
0x8a: {  	[tilespmem:s5], [sflag:$0x2] =	stream.indirect.gather [hbm4b:s1+s21], $0x80, s2, s21, $0xb8;
	[tilespmem:$0x1C800] =	vst v63  }
0x8b: {  	s7 =	simm.s32 $0x500  }
0x8c: {  	[tilespmem:s4], [sflag:$0x2] =	stream.indirect.gather [hbm4b:s1+s21], $0x80, s7, s21, $0xb8;
	[tilespmem:$0x1C800] =	vst v63  }
0x8d: {  	s30 =	simm.s32 $0x580  }
0x8e: {  	[tilespmem:s22], [sflag:$0x2] =	stream.indirect.gather [hbm4b:s1+s21], $0x80, s30, s21, $0xb8;
	[tilespmem:$0x1C800] =	vst v63  }
0x8f: {  	s31 =	simm.s32 $0x600  }
0x90: {  	[tilespmem:s26], [sflag:$0x2] =	stream.indirect.gather [hbm4b:s1+s21], $0x80, s31, s21, $0xb8;
	[tilespmem:$0x1C800] =	vst v63  }
0x91: {  	s7 =	simm.s32 $0x680  }
0x92: {  	[tilespmem:s28], [sflag:$0x2] =	stream.indirect.gather [hbm4b:s1+s21], $0x80, s7, s21, $0xb8;
	[tilespmem:$0x1C800] =	vst v63  }
0x93: {  	s30 =	simm.s32 $0x700  }
0x94: {  	[tilespmem:s6], [sflag:$0x2] =	stream.indirect.gather [hbm4b:s1+s21], $0x80, s30, s21, $0xb8;
	[tilespmem:$0x1C800] =	vst v63  }
0x95: {  	s31 =	simm.s32 $0x780  }
0x96: {  	[tilespmem:s19], [sflag:$0x2] =	stream.indirect.gather [hbm4b:s1+s21], $0x80, s31, s21, $0xb8;
	[tilespmem:$0x1C800] =	vst v63  }
0x97: {  	_ =	swait.ge [sflag:s25], $0x1900  }
0x98: {  	[sflag:s25] =	ssyncset.done $0x0  }
0x99: {  	[sflag:s25] =	ssyncadd.s32 $0xFFFFE700  }
0x9a: {  	_ =	swait.ge [sflag:s25], $0x1900  }
0x9b: {  	[sflag:s25] =	ssyncset.done $0x0  }
0x9c: {  	[sflag:s25] =	ssyncadd.s32 $0xFFFFE700  }
0x9d: {  	_ =	swait.ge [sflag:s25], $0x1900  }
0x9e: {  	[sflag:s25] =	ssyncset.done $0x0  }
0x9f: {  	[sflag:s25] =	ssyncadd.s32 $0xFFFFE700  }
0xa0: {  	_ =	swait.ge [sflag:s25], $0x1900  }
0xa1: {  	[sflag:s25] =	ssyncset.done $0x0  }
0xa2: {  	[sflag:s25] =	ssyncadd.s32 $0xFFFFE700  }
0xa3: {  	_ =	swait.ge [sflag:s25], $0x1900  }
0xa4: {  	[sflag:s25] =	ssyncset.done $0x0  }
0xa5: {  	[sflag:s25] =	ssyncadd.s32 $0xFFFFE700  }
0xa6: {  	_ =	swait.ge [sflag:s25], $0x1900  }
0xa7: {  	[sflag:s25] =	ssyncset.done $0x0  }
0xa8: {  	[sflag:s25] =	ssyncadd.s32 $0xFFFFE700  }
0xa9: {  	_ =	swait.ge [sflag:s25], $0x1900  }
0xaa: {  	[sflag:s25] =	ssyncset.done $0x0  }
0xab: {  	[sflag:s25] =	ssyncadd.s32 $0xFFFFE700  }
0xac: {  	_ =	swait.ge [sflag:s25], $0x1900  }
0xad: {  	[sflag:s25] =	ssyncset.done $0x0  }
0xae: {  	s7 =	simm.s32 $0x800;
	s31 =	sadd.s32 s29, s12;
	[sflag:s25] =	ssyncadd.s32 $0xFFFFE700  }
0xaf: {  	[hbm4b:s31+s3] =	stream.linear.scatter [tilespmem:s7], [sflag:$0x3], $0x1900, $0x38;
	[tilespmem:$0x1C800] =	vst v63  }
0xb0: {  	s30 =	sadd.s32 $0x380, s31;
	s7 =	simm.s32 $0x2400  }
0xb1: {  	[hbm4b:s30+s3] =	stream.linear.scatter [tilespmem:s7], [sflag:$0x3], $0x1900, $0x38;
	[tilespmem:$0x1C800] =	vst v63  }
0xb2: {  	s7 =	sadd.s32 $0x700, s31;
	s30 =	simm.s32 $0x4000  }
0xb3: {  	[hbm4b:s7+s3] =	stream.linear.scatter [tilespmem:s30], [sflag:$0x3], $0x1900, $0x38;
	[tilespmem:$0x1C800] =	vst v63  }
0xb4: {  	s7 =	sadd.s32 s29, s11;
	s30 =	simm.s32 $0x5C00  }
0xb5: {  	[hbm4b:s7+s3] =	stream.linear.scatter [tilespmem:s30], [sflag:$0x3], $0x1900, $0x38;
	[tilespmem:$0x1C800] =	vst v63  }
0xb6: {  	s7 =	sadd.s32 s29, s10;
	s30 =	simm.s32 $0x7800  }
0xb7: {  	[hbm4b:s7+s3] =	stream.linear.scatter [tilespmem:s30], [sflag:$0x3], $0x1900, $0x38;
	[tilespmem:$0x1C800] =	vst v63  }
0xb8: {  	s7 =	sadd.s32 s29, s9;
	s30 =	simm.s32 $0x9400  }
0xb9: {  	[hbm4b:s7+s3] =	stream.linear.scatter [tilespmem:s30], [sflag:$0x3], $0x1900, $0x38;
	[tilespmem:$0x1C800] =	vst v63  }
0xba: {  	s7 =	sadd.s32 s29, s8;
	s30 =	simm.s32 $0xB000  }
0xbb: {  	[hbm4b:s7+s3] =	stream.linear.scatter [tilespmem:s30], [sflag:$0x3], $0x1900, $0x38;
	[tilespmem:$0x1C800] =	vst v63  }
0xbc: {  	s7 =	rddreg [dreg:$0x7]  }
0xbd: {  	p0 =	seq.s32 s29, $0x18800;
	s30 =	simm.s32 $0xCC00;
	s2 =	sadd.s32 s29, s7  }
0xbe: {  	[hbm4b:s2+s3] =	stream.linear.scatter [tilespmem:s30], [sflag:$0x3], $0x1900, $0x38;
	[tilespmem:$0x1C800] =	vst v63  }
0xbf: {  	s2 =	sadd.s32 @!p0 $0xFFFFFF80, s24;
	s30 =	simm.s32 @!p0 $0x0  }
0xc0: {  	[tilespmem:s30], [sflag:$0x1] =	stream.linear.gather @!p0 [hbm4b:s2+s30], $0x400, $0x38;
	[tilespmem:$0x1C800] =	vst v63  }
0xc1: {  	s2 =	simm.s32 @!p0 $0x3  }
0xc2: {  	_ =	swait.ge @!p0 [sflag:s2], $0x1900  }
0xc3: {  	[sflag:s2] =	ssyncset.done @!p0 $0x0  }
0xc4: {  	[sflag:s2] =	ssyncadd.s32 @!p0 $0xFFFFE700  }
0xc5: {  	_ =	swait.ge @!p0 [sflag:s2], $0x1900  }
0xc6: {  	[sflag:s2] =	ssyncset.done @!p0 $0x0  }
0xc7: {  	[sflag:s2] =	ssyncadd.s32 @!p0 $0xFFFFE700  }
0xc8: {  	_ =	swait.ge @!p0 [sflag:s2], $0x1900  }
0xc9: {  	[sflag:s2] =	ssyncset.done @!p0 $0x0  }
0xca: {  	[sflag:s2] =	ssyncadd.s32 @!p0 $0xFFFFE700  }
0xcb: {  	_ =	swait.ge @!p0 [sflag:s2], $0x1900  }
0xcc: {  	[sflag:s2] =	ssyncset.done @!p0 $0x0  }
0xcd: {  	[sflag:s2] =	ssyncadd.s32 @!p0 $0xFFFFE700  }
0xce: {  	_ =	swait.ge @!p0 [sflag:s2], $0x1900  }
0xcf: {  	[sflag:s2] =	ssyncset.done @!p0 $0x0  }
0xd0: {  	[sflag:s2] =	ssyncadd.s32 @!p0 $0xFFFFE700  }
0xd1: {  	_ =	swait.ge @!p0 [sflag:s2], $0x1900  }
0xd2: {  	[sflag:s2] =	ssyncset.done @!p0 $0x0  }
0xd3: {  	[sflag:s2] =	ssyncadd.s32 @!p0 $0xFFFFE700  }
0xd4: {  	_ =	swait.ge @!p0 [sflag:s2], $0x1900  }
0xd5: {  	[sflag:s2] =	ssyncset.done @!p0 $0x0  }
0xd6: {  	[sflag:s2] =	ssyncadd.s32 @!p0 $0xFFFFE700  }
0xd7: {  	_ =	swait.ge @!p0 [sflag:s2], $0x1900  }
0xd8: {  	[sflag:s2] =	ssyncset.done @!p0 $0x0  }
0xd9: {  	[sflag:s2] =	ssyncadd.s32 @!p0 $0xFFFFE700;
	s2 =	simm.s32 @!p0 $0x1  }
0xda: {  	_ =	swait.ge @!p0 [sflag:s2], $0x400  }
0xdb: {  	[sflag:s2] =	ssyncset.done @!p0 $0x0  }
0xdc: {  	s7 =	simm.s32 @!p0 $0x800;
	[sflag:s2] =	ssyncadd.s32 @!p0 $0xFFFFFC00;
	s2 =	simm.s32 @!p0 $0x32  }
0xdd: {  	[tilespmem:s7], [sflag:$0x2] =	stream.indirect.gather @!p0 [hbm4b:s1+s2], $0x80, s30, s2, $0xb8;
	[tilespmem:$0x1C800] =	vst v63  }
0xde: {  	s7 =	simm.s32 @!p0 $0x80;
	s30 =	simm.s32 @!p0 $0x2400  }
0xdf: {  	[tilespmem:s30], [sflag:$0x2] =	stream.indirect.gather @!p0 [hbm4b:s1+s2], $0x80, s7, s2, $0xb8;
	[tilespmem:$0x1C800] =	vst v63  }
0xe0: {  	s7 =	simm.s32 @!p0 $0x100;
	s30 =	simm.s32 @!p0 $0x4000  }
0xe1: {  	[tilespmem:s30], [sflag:$0x2] =	stream.indirect.gather @!p0 [hbm4b:s1+s2], $0x80, s7, s2, $0xb8;
	[tilespmem:$0x1C800] =	vst v63  }
0xe2: {  	s7 =	simm.s32 @!p0 $0x180;
	s30 =	simm.s32 @!p0 $0x5C00  }
0xe3: {  	[tilespmem:s30], [sflag:$0x2] =	stream.indirect.gather @!p0 [hbm4b:s1+s2], $0x80, s7, s2, $0xb8;
	[tilespmem:$0x1C800] =	vst v63  }
0xe4: {  	s7 =	simm.s32 @!p0 $0x200;
	s30 =	simm.s32 @!p0 $0x7800  }
0xe5: {  	[tilespmem:s30], [sflag:$0x2] =	stream.indirect.gather @!p0 [hbm4b:s1+s2], $0x80, s7, s2, $0xb8;
	[tilespmem:$0x1C800] =	vst v63  }
0xe6: {  	s7 =	simm.s32 @!p0 $0x280;
	s30 =	simm.s32 @!p0 $0x9400  }
0xe7: {  	[tilespmem:s30], [sflag:$0x2] =	stream.indirect.gather @!p0 [hbm4b:s1+s2], $0x80, s7, s2, $0xb8;
	[tilespmem:$0x1C800] =	vst v63  }
0xe8: {  	s7 =	simm.s32 @!p0 $0x300;
	s30 =	simm.s32 @!p0 $0xB000  }
0xe9: {  	[tilespmem:s30], [sflag:$0x2] =	stream.indirect.gather @!p0 [hbm4b:s1+s2], $0x80, s7, s2, $0xb8;
	[tilespmem:$0x1C800] =	vst v63  }
0xea: {  	s7 =	simm.s32 @!p0 $0x380;
	s30 =	simm.s32 @!p0 $0xCC00  }
0xeb: {  	[tilespmem:s30], [sflag:$0x2] =	stream.indirect.gather @!p0 [hbm4b:s1+s2], $0x80, s7, s2, $0xb8;
	[tilespmem:$0x1C800] =	vst v63  }
0xec: {  	_ =	swait.ge [sflag:s25], $0x1900  }
0xed: {  	[sflag:s25] =	ssyncset.done $0x0  }
0xee: {  	[sflag:s25] =	ssyncadd.s32 $0xFFFFE700  }
0xef: {  	_ =	swait.ge [sflag:s25], $0x1900  }
0xf0: {  	[sflag:s25] =	ssyncset.done $0x0  }
0xf1: {  	[sflag:s25] =	ssyncadd.s32 $0xFFFFE700  }
0xf2: {  	_ =	swait.ge [sflag:s25], $0x1900  }
0xf3: {  	[sflag:s25] =	ssyncset.done $0x0  }
0xf4: {  	[sflag:s25] =	ssyncadd.s32 $0xFFFFE700  }
0xf5: {  	_ =	swait.ge [sflag:s25], $0x1900  }
0xf6: {  	[sflag:s25] =	ssyncset.done $0x0  }
0xf7: {  	[sflag:s25] =	ssyncadd.s32 $0xFFFFE700  }
0xf8: {  	_ =	swait.ge [sflag:s25], $0x1900  }
0xf9: {  	[sflag:s25] =	ssyncset.done $0x0  }
0xfa: {  	[sflag:s25] =	ssyncadd.s32 $0xFFFFE700  }
0xfb: {  	_ =	swait.ge [sflag:s25], $0x1900  }
0xfc: {  	[sflag:s25] =	ssyncset.done $0x0  }
0xfd: {  	[sflag:s25] =	ssyncadd.s32 $0xFFFFE700  }
0xfe: {  	_ =	swait.ge [sflag:s25], $0x1900  }
0xff: {  	[sflag:s25] =	ssyncset.done $0x0  }
0x100: {  	[sflag:s25] =	ssyncadd.s32 $0xFFFFE700  }
0x101: {  	_ =	swait.ge [sflag:s25], $0x1900  }
0x102: {  	[sflag:s25] =	ssyncset.done $0x0  }
0x103: {  	s30 =	sadd.s32 $0x1C00, s31;
	[sflag:s25] =	ssyncadd.s32 $0xFFFFE700  }
0x104: {  	[hbm4b:s30+s3] =	stream.linear.scatter [tilespmem:s23], [sflag:$0x3], $0x1900, $0x38;
	[tilespmem:$0x1C800] =	vst v63  }
0x105: {  	s31 =	sadd.s32 $0x1F80, s31  }
0x106: {  	[hbm4b:s31+s3] =	stream.linear.scatter [tilespmem:s5], [sflag:$0x3], $0x1900, $0x38;
	[tilespmem:$0x1C800] =	vst v63  }
0x107: {  	s7 =	sadd.s32 s29, s18  }
0x108: {  	[hbm4b:s7+s3] =	stream.linear.scatter [tilespmem:s4], [sflag:$0x3], $0x1900, $0x38;
	[tilespmem:$0x1C800] =	vst v63  }
0x109: {  	s30 =	sadd.s32 s29, s17  }
0x10a: {  	[hbm4b:s30+s3] =	stream.linear.scatter [tilespmem:s22], [sflag:$0x3], $0x1900, $0x38;
	[tilespmem:$0x1C800] =	vst v63  }
0x10b: {  	s31 =	sadd.s32 s29, s16  }
0x10c: {  	[hbm4b:s31+s3] =	stream.linear.scatter [tilespmem:s26], [sflag:$0x3], $0x1900, $0x38;
	[tilespmem:$0x1C800] =	vst v63  }
0x10d: {  	s7 =	sadd.s32 s29, s15  }
0x10e: {  	[hbm4b:s7+s3] =	stream.linear.scatter [tilespmem:s28], [sflag:$0x3], $0x1900, $0x38;
	[tilespmem:$0x1C800] =	vst v63  }
.Ltmp2:
0x10f: {  	_ = 	snop;
	(pc) =	sbr.rel @p0 .LBB2_4-.Ltmp2, $4  }
0x110: {  	s30 =	sadd.s32 s29, s14  }
0x111: {  	[hbm4b:s30+s3] =	stream.linear.scatter [tilespmem:s6], [sflag:$0x3], $0x1900, $0x38;
	[tilespmem:$0x1C800] =	vst v63  }
0x112: {  	s31 =	sadd.s32 s29, s13  }
0x113: {  	[hbm4b:s31+s3] =	stream.linear.scatter [tilespmem:s19], [sflag:$0x3], $0x1900, $0x38;
	[tilespmem:$0x1C800] =	vst v63  }
.Ltmp3:
0x114: {  	(pc) =	sbr.rel .LBB2_2-.Ltmp3, $3  }
0x115: {  	_ =	sdelay $0x1  }
0x116: {  	[tilespmem:s0], [sflag:$0x1] =	stream.linear.gather [hbm4b:s24+s3], $0x400, $0x38;
	[tilespmem:$0x1C800] =	vst v63  }
0x117: {  	s29 =	sadd.s32 $0x3800, s29;
	s24 =	sadd.s32 $0x100, s24  }
.LBB2_5:
0x118: {  	_ =	sfence.sel $0x180000  }
0x119: {  	[bflag:$0x0] =	sbarrier.arrive $0xFFFF  }
0x11a: {  	_ =	strace $0x90000047  }
0x11b: {  	s0 =	stileid.u32;
	[bflag:$0x2] =	sbarrier.arrive $0xFFFF  }
0x11c: {  	p0 =	sne.s32 s0, $0x0;
	s0 =	rddreg [dreg:$0x3]  }
0x11d: {  	s0 =	sadd.s32 @!p0 $0x100000, s0  }
0x11e: {  	[sflag:s0] =	ssyncadd.tile.s32 @!p0 $0x1;
	_ =	shalt  }
.Lfunc_end2:
_tile_overlayer_lowered:
.L_overlay_start_2:
0x11f: {  	(tag) =	ssettag $0x2  }
0x120: {  	s0 =	rddreg [dreg:$0x0];
	s2 =	stileid.u32  }
0x121: {  	s1 =	rddreg [dreg:$0x1];
	p0 =	sne.s32 s2, $0x0  }
0x122: {  	s3 =	rddreg [dreg:$0x2];
	[bflag:$0x3] =	sbarrier.arrive $0xFFFF;
	s2 =	simm.s32 @!p0 $0x1C04  }
0x123: {  	[timem:s3], [sflag:s2] =	dma.local @!p0 [hbm:s0], s1  }
0x124: {  	s0 =	simm.s32 @!p0 $0x4  }
0x125: {  	_ =	swait.ge @!p0 [sflag:s0], s1  }
0x126: {  	s1 =	ssub.s32 @!p0 $0x0, s1;
	[sflag:s0] =	ssyncset.done @!p0 $0x0  }
0x127: {  	[sflag:s0] =	ssyncadd.s32 @!p0 s1  }
0x128: {  	[bflag:$0x3] =	sbarrier.arrive $0xFFFF  }
0x129: {  	_ =	shalt  }

</sc_bundles>
